<compile_context>
chip_gen: v7x
topology: tpu7x:2x2x1
jax: 0.10.2.dev20260603
libtpu: 0.0.44.dev20260713+nightly
codegen_flags: <defaults>
</compile_context>

<pallas_src>
import dataclasses
import functools

import jax
import jax.numpy as jnp
from jax import lax
from jax.experimental import pallas as pl
from jax.experimental.pallas import tpu as pltpu
from jax.experimental.pallas import tpu_sc as plsc

N = 10000
E = 320000
D = 128
H = 128
C = 40
CP = 48

NC = 2
NS = 16
NW = NC * NS
LANES = 16

NPAD = 10240

K2 = 128
E2 = NW * K2 * 80
NCHUNK2 = (E2 // NW) // K2
RPT = NPAD // NS

EPT_DEG = E // NS
SL = NPAD // NS

_mesh = plsc.VectorSubcoreMesh(core_axis_name="c", subcore_axis_name="s")

_sc_params = pltpu.CompilerParams()
for _f, _v in (("needs_layout_passes", False), ("use_tc_tiling_on_sc", False)):
    if _f in pltpu.CompilerParams.__dataclass_fields__:
        _sc_params = dataclasses.replace(_sc_params, **{_f: _v})


def _deg_dis_kernel(dst_hbm, dis_hbm, dst_v, deg_v, acc_v, tmp_v, deg_sh):
    cid = lax.axis_index("c")
    sid = lax.axis_index("s")

    @pl.when(cid == 0)
    def _():
        @pl.loop(0, NPAD, step=LANES)
        def _(i):
            deg_v[pl.ds(i, LANES)] = jnp.zeros((LANES,), jnp.float32)

        pltpu.sync_copy(dst_hbm.at[pl.ds(sid * EPT_DEG, EPT_DEG)], dst_v)

        @pl.loop(0, EPT_DEG, step=LANES)
        def _(i):
            idx = dst_v[pl.ds(i, LANES)]
            plsc.addupdate_scatter(deg_v, [idx], jnp.ones((LANES,), jnp.float32))

        pltpu.sync_copy(deg_v, deg_sh.at[sid])

    plsc.subcore_barrier()

    @pl.when(cid == 0)
    def _():
        @pl.loop(0, SL, step=LANES)
        def _(i):
            acc_v[pl.ds(i, LANES)] = jnp.zeros((LANES,), jnp.float32)

        @pl.loop(0, NS)
        def _(k):
            pltpu.sync_copy(deg_sh.at[k, pl.ds(sid * SL, SL)], tmp_v)

            @pl.loop(0, SL, step=LANES)
            def _(i):
                acc_v[pl.ds(i, LANES)] = acc_v[pl.ds(i, LANES)] + tmp_v[pl.ds(i, LANES)]

        @pl.loop(0, SL, step=LANES)
        def _(i):
            d = acc_v[pl.ds(i, LANES)] + 1.0
            xh = d * 0.5
            ii = plsc.bitcast(d, jnp.int32)
            ii = jnp.int32(0x5F3759DF) - lax.shift_right_logical(ii, jnp.int32(1))
            yv = plsc.bitcast(ii, jnp.float32)
            yv = yv * (1.5 - xh * yv * yv)
            yv = yv * (1.5 - xh * yv * yv)
            yv = yv * (1.5 - xh * yv * yv)
            acc_v[pl.ds(i, LANES)] = yv

        pltpu.sync_copy(acc_v, dis_hbm.at[pl.ds(sid * SL, SL)])


def _make_deg_dis():
    return pl.kernel(
        _deg_dis_kernel,
        out_type=jax.ShapeDtypeStruct((NPAD,), jnp.float32),
        mesh=_mesh,
        scratch_types=[
            pltpu.VMEM((EPT_DEG,), jnp.int32),
            pltpu.VMEM((NPAD,), jnp.float32),
            pltpu.VMEM((SL,), jnp.float32),
            pltpu.VMEM((SL,), jnp.float32),
            pltpu.VMEM_SHARED((NS, NPAD), jnp.float32),
        ],
        compiler_params=_sc_params,
    )


RING = 2


def _agg_kernel(nchunk, y_hbm, sd_hbm, zeros_hbm, out_hbm,
                sd_v, rows_v, acc_sh, gsem, ssem):
    cid = lax.axis_index("c")
    sid = lax.axis_index("s")
    wid = sid * NC + cid

    pltpu.sync_copy(sd_hbm.at[wid], sd_v)
    pltpu.sync_copy(zeros_hbm, acc_sh.at[pl.ds(sid * RPT, RPT)])
    plsc.subcore_barrier()

    main = (nchunk // RING) * RING

    for r in range(RING):
        pltpu.async_copy(y_hbm.at[sd_v.at[r, 0]], rows_v.at[r], gsem.at[r])

    @pl.loop(0, main, step=RING)
    def _(j0):
        for r in range(RING):
            j = j0 + r
            pltpu.make_async_copy(
                y_hbm.at[sd_v.at[j, 0]], rows_v.at[r], gsem.at[r]).wait()
            pltpu.async_copy(
                rows_v.at[r], acc_sh.at[sd_v.at[j, 1]], ssem.at[r],
                add=True).wait()

            @pl.when(j + RING < main)
            def _():
                pltpu.async_copy(
                    y_hbm.at[sd_v.at[j + RING, 0]], rows_v.at[r], gsem.at[r])

    if main < nchunk:
        @pl.loop(main, nchunk)
        def _(j):
            pltpu.sync_copy(y_hbm.at[sd_v.at[j, 0]], rows_v.at[0])
            pltpu.sync_copy(rows_v.at[0], acc_sh.at[sd_v.at[j, 1]], add=True)

    plsc.subcore_barrier()
    pltpu.sync_copy(acc_sh.at[pl.ds(sid * RPT, RPT)],
                    out_hbm.at[cid, pl.ds(sid * RPT, RPT)])


ISLOTS = 4


def _agg_stream_kernel(nchunk, y_hbm, sd_hbm, zeros_hbm, out_hbm,
                       sd_b, rows_v, acc_sh, gsem, ssem, isem):
    cid = lax.axis_index("c")
    sid = lax.axis_index("s")
    wid = sid * NC + cid

    pltpu.sync_copy(zeros_hbm, acc_sh.at[pl.ds(sid * RPT, RPT)])
    plsc.subcore_barrier()

    for s in range(ISLOTS):
        pltpu.async_copy(sd_hbm.at[wid, s], sd_b.at[s], isem.at[s])
    for r in range(RING):
        pltpu.make_async_copy(sd_hbm.at[wid, r], sd_b.at[r], isem.at[r]).wait()
        pltpu.async_copy(y_hbm.at[sd_b.at[r, 0]], rows_v.at[r], gsem.at[r])

    @pl.loop(0, nchunk, step=ISLOTS)
    def _(j0):
        for u in range(ISLOTS):
            j = j0 + u
            r = u % RING
            s2 = (u + RING) % ISLOTS
            pltpu.make_async_copy(
                y_hbm.at[sd_b.at[u, 0]], rows_v.at[r], gsem.at[r]).wait()
            pltpu.async_copy(
                rows_v.at[r], acc_sh.at[sd_b.at[u, 1]], ssem.at[r],
                add=True).wait()

            @pl.when(j + ISLOTS < nchunk)
            def _():
                pltpu.async_copy(sd_hbm.at[wid, j + ISLOTS], sd_b.at[u],
                                 isem.at[u])

            @pl.when(j + RING < nchunk)
            def _():
                pltpu.make_async_copy(
                    sd_hbm.at[wid, j + RING], sd_b.at[s2], isem.at[s2]).wait()
                pltpu.async_copy(
                    y_hbm.at[sd_b.at[s2, 0]], rows_v.at[r], gsem.at[r])

    plsc.subcore_barrier()
    pltpu.sync_copy(acc_sh.at[pl.ds(sid * RPT, RPT)],
                    out_hbm.at[cid, pl.ds(sid * RPT, RPT)])


def _make_agg_stream(width, k, nchunk):
    return pl.kernel(
        functools.partial(_agg_stream_kernel, nchunk),
        out_type=jax.ShapeDtypeStruct((NC, NPAD, width), jnp.float32),
        mesh=_mesh,
        scratch_types=[
            pltpu.VMEM((ISLOTS, 2, k), jnp.int32),
            pltpu.VMEM((RING, k, width), jnp.float32),
            pltpu.VMEM_SHARED((NPAD, width), jnp.float32),
            pltpu.SemaphoreType.DMA((RING,)),
            pltpu.SemaphoreType.DMA((RING,)),
            pltpu.SemaphoreType.DMA((ISLOTS,)),
        ],
        compiler_params=_sc_params,
    )


def _make_agg(width, k, nchunk):
    return pl.kernel(
        functools.partial(_agg_kernel, nchunk),
        out_type=jax.ShapeDtypeStruct((NC, NPAD, width), jnp.float32),
        mesh=_mesh,
        scratch_types=[
            pltpu.VMEM((nchunk, 2, k), jnp.int32),
            pltpu.VMEM((RING, k, width), jnp.float32),
            pltpu.VMEM_SHARED((NPAD, width), jnp.float32),
            pltpu.SemaphoreType.DMA((RING,)),
            pltpu.SemaphoreType.DMA((RING,)),
        ],
        compiler_params=_sc_params,
    )


RB = 2048
GRID = NPAD // RB


def _tc1_body(dis_ref, x_ref, w_ref, y_ref):
    xw = jnp.dot(x_ref[...], w_ref[...], preferred_element_type=jnp.float32)
    y_ref[...] = xw * dis_ref[...]


def _tc2_body(dis_ref, p_ref, y_ref, b_ref, w_ref, z_ref):
    pre = dis_ref[...] * (p_ref[0] + p_ref[1] + y_ref[...]) + b_ref[...]
    h = jnp.maximum(pre, 0.0)
    z_ref[...] = jnp.dot(h, w_ref[...], preferred_element_type=jnp.float32) * dis_ref[...]


def _tc3_body(dis_ref, q_ref, z_ref, b_ref, o_ref):
    logits = dis_ref[...] * (q_ref[0] + q_ref[1] + z_ref[...]) + b_ref[...]
    m = jnp.max(logits, axis=1, keepdims=True)
    e = logits - m
    out = e - jnp.log(jnp.sum(jnp.exp(e), axis=1, keepdims=True))
    o_ref[...] = out[:, :C]


def _tc1(dis2d, x, W1):
    return pl.pallas_call(
        _tc1_body,
        grid=(GRID,),
        in_specs=[
            pl.BlockSpec((RB, 1), lambda i: (i, 0)),
            pl.BlockSpec((RB, D), lambda i: (i, 0)),
            pl.BlockSpec((D, H), lambda i: (0, 0)),
        ],
        out_specs=pl.BlockSpec((RB, H), lambda i: (i, 0)),
        out_shape=jax.ShapeDtypeStruct((NPAD, H), jnp.float32),
    )(dis2d, x, W1)


def _tc2(dis2d, p, y, b1r, W2p):
    return pl.pallas_call(
        _tc2_body,
        grid=(GRID,),
        in_specs=[
            pl.BlockSpec((RB, 1), lambda i: (i, 0)),
            pl.BlockSpec((NC, RB, H), lambda i: (0, i, 0)),
            pl.BlockSpec((RB, H), lambda i: (i, 0)),
            pl.BlockSpec((1, H), lambda i: (0, 0)),
            pl.BlockSpec((H, CP), lambda i: (0, 0)),
        ],
        out_specs=pl.BlockSpec((RB, CP), lambda i: (i, 0)),
        out_shape=jax.ShapeDtypeStruct((NPAD, CP), jnp.float32),
    )(dis2d, p, y, b1r, W2p)


RB3 = 2000


def _tc3(dis2d, q, z, b2r):
    return pl.pallas_call(
        _tc3_body,
        grid=(N // RB3,),
        in_specs=[
            pl.BlockSpec((RB3, 1), lambda i: (i, 0)),
            pl.BlockSpec((NC, RB3, CP), lambda i: (0, i, 0)),
            pl.BlockSpec((RB3, CP), lambda i: (i, 0)),
            pl.BlockSpec((1, CP), lambda i: (0, 0)),
        ],
        out_specs=pl.BlockSpec((RB3, C), lambda i: (i, 0)),
        out_shape=jax.ShapeDtypeStruct((N, C), jnp.float32),
    )(dis2d, q, z, b2r)


def kernel(x, edge_index, W1, b1, W2, b2):
    ei = edge_index.astype(jnp.int32)
    padlen = E2 - E
    trash = N + (jnp.arange(padlen, dtype=jnp.int32) % (NPAD - N))
    srcp = jnp.concatenate([ei[0], trash]).reshape(NW, NCHUNK2, K2)
    dstp = jnp.concatenate([ei[1], trash]).reshape(NW, NCHUNK2, K2)
    sd3 = jnp.stack([srcp, dstp], axis=2)

    dis_pad = _make_deg_dis()(ei[1])
    dis2d = dis_pad.reshape(NPAD, 1)
    xp = jnp.pad(x, ((0, NPAD - N), (0, 0)))
    y = _tc1(dis2d, xp, W1)
    p = _make_agg_stream(H, K2, NCHUNK2)(y, sd3, jnp.zeros((RPT, H), jnp.float32))

    W2p = jnp.pad(W2, ((0, 0), (0, CP - C)))
    b1r = b1.reshape(1, H)
    z = _tc2(dis2d, p, y, b1r, W2p)

    q = _make_agg(CP, K2, NCHUNK2)(z, sd3, jnp.zeros((RPT, CP), jnp.float32))
    b2r = jnp.concatenate([b2, jnp.full((CP - C,), -1e30, jnp.float32)]).reshape(1, CP)
    return _tc3(dis2d, q, z, b2r)

# --- scband reference (transcript-rebuilt; emitter-appended) ---
"""Pipeline reference for scband-gcn-net-15702400434553 (READ-ONLY COPY).

The authoritative reference and input builder live on the scoring server;
editing this copy changes nothing except your own understanding.
"""

import jax, jax.numpy as jnp
import numpy as np

N = 10000
E = 320000
D = 128
H = 128
C = 40


def setup_inputs(seed: int = 0) -> dict:
    key = jax.random.key(seed)
    k1, k2, k3, k4 = jax.random.split(key, 4)
    x = jax.random.normal(k1, (N, D), dtype=jnp.float32)
    edge_index = jax.random.randint(k2, (2, E), 0, N)
    W1 = jax.random.normal(k3, (D, H), dtype=jnp.float32) * (1.0 / np.sqrt(D))
    b1 = jnp.zeros((H,), dtype=jnp.float32)
    W2 = jax.random.normal(k4, (H, C), dtype=jnp.float32) * (1.0 / np.sqrt(H))
    b2 = jnp.zeros((C,), dtype=jnp.float32)
    return {"x": x, "edge_index": edge_index, "W1": W1, "b1": b1, "W2": W2, "b2": b2}


def _gcn_conv(x, edge_index, W, b, num_nodes):
    # GCNConv: out = D^{-1/2} (A + I) D^{-1/2} X W + b  (PyG default: add self-loops, symmetric norm)
    src = edge_index[0]
    dst = edge_index[1]
    loop = jnp.arange(num_nodes, dtype=src.dtype)
    src = jnp.concatenate([src, loop])
    dst = jnp.concatenate([dst, loop])
    ones = jnp.ones(src.shape[0], dtype=x.dtype)
    deg = jnp.zeros((num_nodes,), dtype=x.dtype).at[dst].add(ones)
    deg_inv_sqrt = jnp.where(deg > 0, jax.lax.rsqrt(jnp.maximum(deg, 1e-12)), 0.0)
    norm = deg_inv_sqrt[src] * deg_inv_sqrt[dst]
    xw = x @ W
    msg = xw[src] * norm[:, None]
    out = jnp.zeros((num_nodes, W.shape[1]), dtype=x.dtype).at[dst].add(msg)
    return out + b


def reference(x, edge_index, W1, b1, W2, b2):
    h = _gcn_conv(x, edge_index, W1, b1, x.shape[0])
    h = jax.nn.relu(h)
    h = _gcn_conv(h, edge_index, W2, b2, x.shape[0])
    return jax.nn.log_softmax(h, axis=1)

if __name__ == "__main__":
    import jax
    _d = setup_inputs()
    print(jax.jit(kernel)(*tuple(_d.values())))

</pallas_src>

<mosaic_0001>
#map = affine_map<(d0, d1) -> (0, 0)>
#map1 = affine_map<(d0, d1) -> (0, 0, 0, 0)>
#map2 = affine_map<(d0, d1) -> (0, 0, 0)>
module attributes {stable_mosaic.version = 14 : i64} {
  func.func @_agg_kernel(%arg0: i32, %arg1: i32, %arg2: memref<10240x48xf32, #tpu.memory_space<hbm>>, %arg3: memref<32x80x2x128xi32, #tpu.memory_space<hbm>>, %arg4: memref<640x48xf32, #tpu.memory_space<hbm>>, %arg5: memref<2x10240x48xf32, #tpu.memory_space<hbm>>, %arg6: memref<80x2x128xi32, #tpu.memory_space<vmem>>, %arg7: memref<2x128x48xf32, #tpu.memory_space<vmem>>, %arg8: memref<10240x48xf32, #tpu.memory_space<vmem_shared>>, %arg9: memref<2x!tpu.dma_semaphore, #tpu.memory_space<semaphore_mem>>, %arg10: memref<2x!tpu.dma_semaphore, #tpu.memory_space<semaphore_mem>>) attributes {dimension_semantics = [#tpu.dimension_semantics<core_parallel>, #tpu.dimension_semantics<subcore_parallel>], iteration_bounds = array<i64: 2, 16>, scalar_prefetch = 0 : i64, scratch_operands = 5 : i64, tpu.core_type = #tpu.core_type<sc_vector_subcore>, window_params = [{transform_indices = #map}, {transform_indices = #map1}, {transform_indices = #map}, {transform_indices = #map2}]} {
    %mul3A = arith.constant 2 : i32
    %mul3A_0 = arith.muli %arg1, %mul3A : i32
    %add3A = arith.addi %mul3A_0, %arg0 : i32
    "tpu.region"() ({
      %run_scoped3A = tpu.sem_alloc : memref<!tpu.dma_semaphore, #tpu.memory_space<semaphore_mem>>
      %dma_start3A_43 = arith.constant 0 : i32
      %dma_start3A_44 = arith.constant 0 : i32
      %dma_start3A_45 = arith.constant 0 : i32
      %dma_start3A_46 = tpu.memref_slice %arg3[%add3A, %dma_start3A_43, %dma_start3A_44, %dma_start3A_45] : memref<32x80x2x128xi32, #tpu.memory_space<hbm>> -> memref<1x80x2x128xi32, #tpu.memory_space<hbm>>
      %dma_start3A_47 = tpu.memref_squeeze %dma_start3A_46 : memref<1x80x2x128xi32, #tpu.memory_space<hbm>> -> memref<80x2x128xi32, #tpu.memory_space<hbm>>
      %dma_start3A_48 = arith.constant 0 : i32
      %dma_start3A_49 = arith.constant 0 : i32
      %dma_start3A_50 = arith.constant 0 : i32
      %dma_start3A_51 = tpu.memref_slice %arg3[%add3A, %dma_start3A_48, %dma_start3A_49, %dma_start3A_50] : memref<32x80x2x128xi32, #tpu.memory_space<hbm>> -> memref<1x80x2x128xi32, #tpu.memory_space<hbm>>
      %dma_start3A_52 = tpu.memref_squeeze %dma_start3A_51 : memref<1x80x2x128xi32, #tpu.memory_space<hbm>> -> memref<80x2x128xi32, #tpu.memory_space<hbm>>
      tpu.enqueue_dma source(%dma_start3A_52 : memref<80x2x128xi32, #tpu.memory_space<hbm>>) target(%arg6 : memref<80x2x128xi32, #tpu.memory_space<vmem>>) target_semaphore(%run_scoped3A : memref<!tpu.dma_semaphore, #tpu.memory_space<semaphore_mem>>)
      %dma_wait3A = arith.constant 0 : i32
      %dma_wait3A_53 = arith.constant 0 : i32
      %dma_wait3A_54 = arith.constant 0 : i32
      %dma_wait3A_55 = tpu.memref_slice %arg3[%add3A, %dma_wait3A, %dma_wait3A_53, %dma_wait3A_54] : memref<32x80x2x128xi32, #tpu.memory_space<hbm>> -> memref<1x80x2x128xi32, #tpu.memory_space<hbm>>
      %dma_wait3A_56 = tpu.memref_squeeze %dma_wait3A_55 : memref<1x80x2x128xi32, #tpu.memory_space<hbm>> -> memref<80x2x128xi32, #tpu.memory_space<hbm>>
      %dma_wait3A_57 = arith.constant 0 : i32
      %dma_wait3A_58 = arith.constant 0 : i32
      %dma_wait3A_59 = arith.constant 0 : i32
      %dma_wait3A_60 = tpu.memref_slice %arg3[%add3A, %dma_wait3A_57, %dma_wait3A_58, %dma_wait3A_59] : memref<32x80x2x128xi32, #tpu.memory_space<hbm>> -> memref<1x80x2x128xi32, #tpu.memory_space<hbm>>
      %dma_wait3A_61 = tpu.memref_squeeze %dma_wait3A_60 : memref<1x80x2x128xi32, #tpu.memory_space<hbm>> -> memref<80x2x128xi32, #tpu.memory_space<hbm>>
      tpu.wait_dma2 semaphore(%run_scoped3A : memref<!tpu.dma_semaphore, #tpu.memory_space<semaphore_mem>>) src(%dma_wait3A_61 : memref<80x2x128xi32, #tpu.memory_space<hbm>>) dst(%arg6 : memref<80x2x128xi32, #tpu.memory_space<vmem>>)
      tpu.yield
    }) : () -> ()
    %mul3A_1 = arith.constant 640 : i32
    %mul3A_2 = arith.muli %arg1, %mul3A_1 : i32
    "tpu.region"() ({
      %run_scoped3A = tpu.sem_alloc : memref<!tpu.dma_semaphore, #tpu.memory_space<semaphore_mem>>
      %dma_start3A_43 = arith.constant 0 : i32
      %dma_start3A_44 = tpu.memref_slice %arg8[%mul3A_2, %dma_start3A_43] : memref<10240x48xf32, #tpu.memory_space<vmem_shared>> -> memref<640x48xf32, #tpu.memory_space<vmem_shared>>
      tpu.enqueue_dma source(%arg4 : memref<640x48xf32, #tpu.memory_space<hbm>>) target(%dma_start3A_44 : memref<640x48xf32, #tpu.memory_space<vmem_shared>>) target_semaphore(%run_scoped3A : memref<!tpu.dma_semaphore, #tpu.memory_space<semaphore_mem>>)
      %dma_wait3A = arith.constant 0 : i32
      %dma_wait3A_45 = tpu.memref_slice %arg8[%mul3A_2, %dma_wait3A] : memref<10240x48xf32, #tpu.memory_space<vmem_shared>> -> memref<640x48xf32, #tpu.memory_space<vmem_shared>>
      tpu.wait_dma2 semaphore(%run_scoped3A : memref<!tpu.dma_semaphore, #tpu.memory_space<semaphore_mem>>) src(%arg4 : memref<640x48xf32, #tpu.memory_space<hbm>>) dst(%dma_wait3A_45 : memref<640x48xf32, #tpu.memory_space<vmem_shared>>)
      tpu.yield
    }) : () -> ()
    %barrier3A = arith.constant 0 : index
    tpu.barrier barrier_id(%barrier3A)
    %dma_start3A = arith.constant 0 : i32
    %dma_start3A_3 = arith.constant 0 : i32
    %dma_start3A_4 = arith.constant 0 : i32
    %dma_start3A_5 = arith.constant 0 : i32
    %dma_start3A_6 = arith.constant 0 : i32
    %dma_start3A_7 = arith.constant 0 : i32
    %dma_start3A_8 = tpu.memref_slice %arg7[%dma_start3A_4, %dma_start3A_6, %dma_start3A_7] : memref<2x128x48xf32, #tpu.memory_space<vmem>> -> memref<1x128x48xf32, #tpu.memory_space<vmem>>
    %dma_start3A_9 = tpu.memref_squeeze %dma_start3A_8 : memref<1x128x48xf32, #tpu.memory_space<vmem>> -> memref<128x48xf32, #tpu.memory_space<vmem>>
    %dma_start3A_10 = arith.constant 0 : i32
    %dma_start3A_11 = tpu.memref_slice %arg6[%dma_start3A, %dma_start3A_3, %dma_start3A_10] : memref<80x2x128xi32, #tpu.memory_space<vmem>> -> memref<1x1x128xi32, #tpu.memory_space<vmem>>
    %dma_start3A_12 = tpu.memref_squeeze %dma_start3A_11 : memref<1x1x128xi32, #tpu.memory_space<vmem>> -> memref<128xi32, #tpu.memory_space<vmem>>
    %dma_start3A_13 = arith.constant 0 : i32
    %dma_start3A_14 = arith.constant 0 : i32
    %dma_start3A_15 = tpu.memref_slice %arg2[%dma_start3A_13, %dma_start3A_14] : memref<10240x48xf32, #tpu.memory_space<hbm>> -> memref<10240x48xf32, #tpu.memory_space<hbm>>
    %dma_start3A_16 = tpu.memref_slice %arg9[%dma_start3A_5] : memref<2x!tpu.dma_semaphore, #tpu.memory_space<semaphore_mem>> -> memref<1x!tpu.dma_semaphore, #tpu.memory_space<semaphore_mem>>
    %dma_start3A_17 = tpu.memref_squeeze %dma_start3A_16 : memref<1x!tpu.dma_semaphore, #tpu.memory_space<semaphore_mem>> -> memref<!tpu.dma_semaphore, #tpu.memory_space<semaphore_mem>>
    tpu.enqueue_indirect_dma source(%dma_start3A_15 : memref<10240x48xf32, #tpu.memory_space<hbm>>) target(%dma_start3A_9 : memref<128x48xf32, #tpu.memory_space<vmem>>) offsets(%dma_start3A_12 : memref<128xi32, #tpu.memory_space<vmem>>) semaphore(%dma_start3A_17 : memref<!tpu.dma_semaphore, #tpu.memory_space<semaphore_mem>>)
    %dma_start3A_18 = arith.constant 1 : i32
    %dma_start3A_19 = arith.constant 0 : i32
    %dma_start3A_20 = arith.constant 1 : i32
    %dma_start3A_21 = arith.constant 1 : i32
    %dma_start3A_22 = arith.constant 0 : i32
    %dma_start3A_23 = arith.constant 0 : i32
    %dma_start3A_24 = tpu.memref_slice %arg7[%dma_start3A_20, %dma_start3A_22, %dma_start3A_23] : memref<2x128x48xf32, #tpu.memory_space<vmem>> -> memref<1x128x48xf32, #tpu.memory_space<vmem>>
    %dma_start3A_25 = tpu.memref_squeeze %dma_start3A_24 : memref<1x128x48xf32, #tpu.memory_space<vmem>> -> memref<128x48xf32, #tpu.memory_space<vmem>>
    %dma_start3A_26 = arith.constant 0 : i32
    %dma_start3A_27 = tpu.memref_slice %arg6[%dma_start3A_18, %dma_start3A_19, %dma_start3A_26] : memref<80x2x128xi32, #tpu.memory_space<vmem>> -> memref<1x1x128xi32, #tpu.memory_space<vmem>>
    %dma_start3A_28 = tpu.memref_squeeze %dma_start3A_27 : memref<1x1x128xi32, #tpu.memory_space<vmem>> -> memref<128xi32, #tpu.memory_space<vmem>>
    %dma_start3A_29 = arith.constant 0 : i32
    %dma_start3A_30 = arith.constant 0 : i32
    %dma_start3A_31 = tpu.memref_slice %arg2[%dma_start3A_29, %dma_start3A_30] : memref<10240x48xf32, #tpu.memory_space<hbm>> -> memref<10240x48xf32, #tpu.memory_space<hbm>>
    %dma_start3A_32 = tpu.memref_slice %arg9[%dma_start3A_21] : memref<2x!tpu.dma_semaphore, #tpu.memory_space<semaphore_mem>> -> memref<1x!tpu.dma_semaphore, #tpu.memory_space<semaphore_mem>>
    %dma_start3A_33 = tpu.memref_squeeze %dma_start3A_32 : memref<1x!tpu.dma_semaphore, #tpu.memory_space<semaphore_mem>> -> memref<!tpu.dma_semaphore, #tpu.memory_space<semaphore_mem>>
    tpu.enqueue_indirect_dma source(%dma_start3A_31 : memref<10240x48xf32, #tpu.memory_space<hbm>>) target(%dma_start3A_25 : memref<128x48xf32, #tpu.memory_space<vmem>>) offsets(%dma_start3A_28 : memref<128xi32, #tpu.memory_space<vmem>>) semaphore(%dma_start3A_33 : memref<!tpu.dma_semaphore, #tpu.memory_space<semaphore_mem>>)
    %scan3A = arith.constant 0 : i32
    %scan3A_34 = arith.constant 40 : i32
    %scan3A_35 = arith.addi %scan3A, %scan3A_34 : i32
    %scan3A_36 = arith.constant 1 : i32
    scf.for %scan3A_43 = %scan3A to %scan3A_35 step %scan3A_36  : i32 {
      %mul3A_44 = arith.constant 2 : i32
      %mul3A_45 = arith.muli %scan3A_43, %mul3A_44 : i32
      %add3A_46 = arith.constant 0 : i32
      %add3A_47 = arith.addi %add3A_46, %mul3A_45 : i32
      %add3A_48 = arith.constant 0 : i32
      %add3A_49 = arith.addi %add3A_47, %add3A_48 : i32
      %dma_wait3A = arith.constant 0 : i32
      %dma_wait3A_50 = arith.constant 0 : i32
      %dma_wait3A_51 = arith.constant 0 : i32
      %dma_wait3A_52 = arith.constant 0 : i32
      %dma_wait3A_53 = arith.constant 0 : i32
      %dma_wait3A_54 = tpu.memref_slice %arg7[%dma_wait3A_50, %dma_wait3A_52, %dma_wait3A_53] : memref<2x128x48xf32, #tpu.memory_space<vmem>> -> memref<1x128x48xf32, #tpu.memory_space<vmem>>
      %dma_wait3A_55 = tpu.memref_squeeze %dma_wait3A_54 : memref<1x128x48xf32, #tpu.memory_space<vmem>> -> memref<128x48xf32, #tpu.memory_space<vmem>>
      %dma_wait3A_56 = arith.constant 0 : i32
      %dma_wait3A_57 = tpu.memref_slice %arg6[%add3A_49, %dma_wait3A, %dma_wait3A_56] : memref<80x2x128xi32, #tpu.memory_space<vmem>> -> memref<1x1x128xi32, #tpu.memory_space<vmem>>
      %dma_wait3A_58 = tpu.memref_squeeze %dma_wait3A_57 : memref<1x1x128xi32, #tpu.memory_space<vmem>> -> memref<128xi32, #tpu.memory_space<vmem>>
      %dma_wait3A_59 = arith.constant 0 : i32
      %dma_wait3A_60 = arith.constant 0 : i32
      %dma_wait3A_61 = tpu.memref_slice %arg2[%dma_wait3A_59, %dma_wait3A_60] : memref<10240x48xf32, #tpu.memory_space<hbm>> -> memref<10240x48xf32, #tpu.memory_space<hbm>>
      %dma_wait3A_62 = tpu.memref_slice %arg9[%dma_wait3A_51] : memref<2x!tpu.dma_semaphore, #tpu.memory_space<semaphore_mem>> -> memref<1x!tpu.dma_semaphore, #tpu.memory_space<semaphore_mem>>
      %dma_wait3A_63 = tpu.memref_squeeze %dma_wait3A_62 : memref<1x!tpu.dma_semaphore, #tpu.memory_space<semaphore_mem>> -> memref<!tpu.dma_semaphore, #tpu.memory_space<semaphore_mem>>
      tpu.wait_indirect_dma semaphore(%dma_wait3A_63 : memref<!tpu.dma_semaphore, #tpu.memory_space<semaphore_mem>>) src(%dma_wait3A_61 : memref<10240x48xf32, #tpu.memory_space<hbm>>) dst(%dma_wait3A_55 : memref<128x48xf32, #tpu.memory_space<vmem>>)
      %dma_start3A_64 = arith.constant 0 : i32
      %dma_start3A_65 = arith.constant 1 : i32
      %dma_start3A_66 = arith.constant 0 : i32
      %dma_start3A_67 = arith.constant 0 : i32
      %dma_start3A_68 = arith.constant 0 : i32
      %dma_start3A_69 = tpu.memref_slice %arg7[%dma_start3A_64, %dma_start3A_67, %dma_start3A_68] : memref<2x128x48xf32, #tpu.memory_space<vmem>> -> memref<1x128x48xf32, #tpu.memory_space<vmem>>
      %dma_start3A_70 = tpu.memref_squeeze %dma_start3A_69 : memref<1x128x48xf32, #tpu.memory_space<vmem>> -> memref<128x48xf32, #tpu.memory_space<vmem>>
      %dma_start3A_71 = arith.constant 0 : i32
      %dma_start3A_72 = tpu.memref_slice %arg6[%add3A_49, %dma_start3A_65, %dma_start3A_71] : memref<80x2x128xi32, #tpu.memory_space<vmem>> -> memref<1x1x128xi32, #tpu.memory_space<vmem>>
      %dma_start3A_73 = tpu.memref_squeeze %dma_start3A_72 : memref<1x1x128xi32, #tpu.memory_space<vmem>> -> memref<128xi32, #tpu.memory_space<vmem>>
      %dma_start3A_74 = arith.constant 0 : i32
      %dma_start3A_75 = arith.constant 0 : i32
      %dma_start3A_76 = tpu.memref_slice %arg8[%dma_start3A_74, %dma_start3A_75] : memref<10240x48xf32, #tpu.memory_space<vmem_shared>> -> memref<10240x48xf32, #tpu.memory_space<vmem_shared>>
      %dma_start3A_77 = tpu.memref_slice %arg10[%dma_start3A_66] : memref<2x!tpu.dma_semaphore, #tpu.memory_space<semaphore_mem>> -> memref<1x!tpu.dma_semaphore, #tpu.memory_space<semaphore_mem>>
      %dma_start3A_78 = tpu.memref_squeeze %dma_start3A_77 : memref<1x!tpu.dma_semaphore, #tpu.memory_space<semaphore_mem>> -> memref<!tpu.dma_semaphore, #tpu.memory_space<semaphore_mem>>
      tpu.enqueue_indirect_dma source(%dma_start3A_70 : memref<128x48xf32, #tpu.memory_space<vmem>>) target(%dma_start3A_76 : memref<10240x48xf32, #tpu.memory_space<vmem_shared>>) offsets(%dma_start3A_73 : memref<128xi32, #tpu.memory_space<vmem>>) semaphore(%dma_start3A_78 : memref<!tpu.dma_semaphore, #tpu.memory_space<semaphore_mem>>) {add = true}
      %dma_wait3A_79 = arith.constant 0 : i32
      %dma_wait3A_80 = arith.constant 1 : i32
      %dma_wait3A_81 = arith.constant 0 : i32
      %dma_wait3A_82 = arith.constant 0 : i32
      %dma_wait3A_83 = arith.constant 0 : i32
      %dma_wait3A_84 = tpu.memref_slice %arg7[%dma_wait3A_79, %dma_wait3A_82, %dma_wait3A_83] : memref<2x128x48xf32, #tpu.memory_space<vmem>> -> memref<1x128x48xf32, #tpu.memory_space<vmem>>
      %dma_wait3A_85 = tpu.memref_squeeze %dma_wait3A_84 : memref<1x128x48xf32, #tpu.memory_space<vmem>> -> memref<128x48xf32, #tpu.memory_space<vmem>>
      %dma_wait3A_86 = arith.constant 0 : i32
      %dma_wait3A_87 = tpu.memref_slice %arg6[%add3A_49, %dma_wait3A_80, %dma_wait3A_86] : memref<80x2x128xi32, #tpu.memory_space<vmem>> -> memref<1x1x128xi32, #tpu.memory_space<vmem>>
      %dma_wait3A_88 = tpu.memref_squeeze %dma_wait3A_87 : memref<1x1x128xi32, #tpu.memory_space<vmem>> -> memref<128xi32, #tpu.memory_space<vmem>>
      %dma_wait3A_89 = arith.constant 0 : i32
      %dma_wait3A_90 = arith.constant 0 : i32
      %dma_wait3A_91 = tpu.memref_slice %arg8[%dma_wait3A_89, %dma_wait3A_90] : memref<10240x48xf32, #tpu.memory_space<vmem_shared>> -> memref<10240x48xf32, #tpu.memory_space<vmem_shared>>
      %dma_wait3A_92 = tpu.memref_slice %arg10[%dma_wait3A_81] : memref<2x!tpu.dma_semaphore, #tpu.memory_space<semaphore_mem>> -> memref<1x!tpu.dma_semaphore, #tpu.memory_space<semaphore_mem>>
      %dma_wait3A_93 = tpu.memref_squeeze %dma_wait3A_92 : memref<1x!tpu.dma_semaphore, #tpu.memory_space<semaphore_mem>> -> memref<!tpu.dma_semaphore, #tpu.memory_space<semaphore_mem>>
      tpu.wait_indirect_dma semaphore(%dma_wait3A_93 : memref<!tpu.dma_semaphore, #tpu.memory_space<semaphore_mem>>) src(%dma_wait3A_85 : memref<128x48xf32, #tpu.memory_space<vmem>>) dst(%dma_wait3A_91 : memref<10240x48xf32, #tpu.memory_space<vmem_shared>>)
      %add3A_94 = arith.constant 2 : i32
      %add3A_95 = arith.addi %add3A_49, %add3A_94 : i32
      %lt3A = arith.constant 80 : i32
      %lt3A_96 = arith.cmpi slt, %add3A_95, %lt3A : i32
      %convert_element_type3A = arith.extui %lt3A_96 : i1 to i32
      %cond3A = arith.constant 0 : i32
      %cond3A_97 = arith.cmpi ne, %convert_element_type3A, %cond3A : i32
      scf.if %cond3A_97 {
        %add3A_152 = arith.constant 2 : i32
        %add3A_153 = arith.addi %add3A_49, %add3A_152 : i32
        %dma_start3A_154 = arith.constant 0 : i32
        %dma_start3A_155 = arith.constant 0 : i32
        %dma_start3A_156 = arith.constant 0 : i32
        %dma_start3A_157 = arith.constant 0 : i32
        %dma_start3A_158 = arith.constant 0 : i32
        %dma_start3A_159 = tpu.memref_slice %arg7[%dma_start3A_155, %dma_start3A_157, %dma_start3A_158] : memref<2x128x48xf32, #tpu.memory_space<vmem>> -> memref<1x128x48xf32, #tpu.memory_space<vmem>>
        %dma_start3A_160 = tpu.memref_squeeze %dma_start3A_159 : memref<1x128x48xf32, #tpu.memory_space<vmem>> -> memref<128x48xf32, #tpu.memory_space<vmem>>
        %dma_start3A_161 = arith.constant 0 : i32
        %dma_start3A_162 = tpu.memref_slice %arg6[%add3A_153, %dma_start3A_154, %dma_start3A_161] : memref<80x2x128xi32, #tpu.memory_space<vmem>> -> memref<1x1x128xi32, #tpu.memory_space<vmem>>
        %dma_start3A_163 = tpu.memref_squeeze %dma_start3A_162 : memref<1x1x128xi32, #tpu.memory_space<vmem>> -> memref<128xi32, #tpu.memory_space<vmem>>
        %dma_start3A_164 = arith.constant 0 : i32
        %dma_start3A_165 = arith.constant 0 : i32
        %dma_start3A_166 = tpu.memref_slice %arg2[%dma_start3A_164, %dma_start3A_165] : memref<10240x48xf32, #tpu.memory_space<hbm>> -> memref<10240x48xf32, #tpu.memory_space<hbm>>
        %dma_start3A_167 = tpu.memref_slice %arg9[%dma_start3A_156] : memref<2x!tpu.dma_semaphore, #tpu.memory_space<semaphore_mem>> -> memref<1x!tpu.dma_semaphore, #tpu.memory_space<semaphore_mem>>
        %dma_start3A_168 = tpu.memref_squeeze %dma_start3A_167 : memref<1x!tpu.dma_semaphore, #tpu.memory_space<semaphore_mem>> -> memref<!tpu.dma_semaphore, #tpu.memory_space<semaphore_mem>>
        tpu.enqueue_indirect_dma source(%dma_start3A_166 : memref<10240x48xf32, #tpu.memory_space<hbm>>) target(%dma_start3A_160 : memref<128x48xf32, #tpu.memory_space<vmem>>) offsets(%dma_start3A_163 : memref<128xi32, #tpu.memory_space<vmem>>) semaphore(%dma_start3A_168 : memref<!tpu.dma_semaphore, #tpu.memory_space<semaphore_mem>>)
      } else {
      }
      %add3A_98 = arith.constant 1 : i32
      %add3A_99 = arith.addi %add3A_47, %add3A_98 : i32
      %dma_wait3A_100 = arith.constant 0 : i32
      %dma_wait3A_101 = arith.constant 1 : i32
      %dma_wait3A_102 = arith.constant 1 : i32
      %dma_wait3A_103 = arith.constant 0 : i32
      %dma_wait3A_104 = arith.constant 0 : i32
      %dma_wait3A_105 = tpu.memref_slice %arg7[%dma_wait3A_101, %dma_wait3A_103, %dma_wait3A_104] : memref<2x128x48xf32, #tpu.memory_space<vmem>> -> memref<1x128x48xf32, #tpu.memory_space<vmem>>
      %dma_wait3A_106 = tpu.memref_squeeze %dma_wait3A_105 : memref<1x128x48xf32, #tpu.memory_space<vmem>> -> memref<128x48xf32, #tpu.memory_space<vmem>>
      %dma_wait3A_107 = arith.constant 0 : i32
      %dma_wait3A_108 = tpu.memref_slice %arg6[%add3A_99, %dma_wait3A_100, %dma_wait3A_107] : memref<80x2x128xi32, #tpu.memory_space<vmem>> -> memref<1x1x128xi32, #tpu.memory_space<vmem>>
      %dma_wait3A_109 = tpu.memref_squeeze %dma_wait3A_108 : memref<1x1x128xi32, #tpu.memory_space<vmem>> -> memref<128xi32, #tpu.memory_space<vmem>>
      %dma_wait3A_110 = arith.constant 0 : i32
      %dma_wait3A_111 = arith.constant 0 : i32
      %dma_wait3A_112 = tpu.memref_slice %arg2[%dma_wait3A_110, %dma_wait3A_111] : memref<10240x48xf32, #tpu.memory_space<hbm>> -> memref<10240x48xf32, #tpu.memory_space<hbm>>
      %dma_wait3A_113 = tpu.memref_slice %arg9[%dma_wait3A_102] : memref<2x!tpu.dma_semaphore, #tpu.memory_space<semaphore_mem>> -> memref<1x!tpu.dma_semaphore, #tpu.memory_space<semaphore_mem>>
      %dma_wait3A_114 = tpu.memref_squeeze %dma_wait3A_113 : memref<1x!tpu.dma_semaphore, #tpu.memory_space<semaphore_mem>> -> memref<!tpu.dma_semaphore, #tpu.memory_space<semaphore_mem>>
      tpu.wait_indirect_dma semaphore(%dma_wait3A_114 : memref<!tpu.dma_semaphore, #tpu.memory_space<semaphore_mem>>) src(%dma_wait3A_112 : memref<10240x48xf32, #tpu.memory_space<hbm>>) dst(%dma_wait3A_106 : memref<128x48xf32, #tpu.memory_space<vmem>>)
      %dma_start3A_115 = arith.constant 1 : i32
      %dma_start3A_116 = arith.constant 1 : i32
      %dma_start3A_117 = arith.constant 1 : i32
      %dma_start3A_118 = arith.constant 0 : i32
      %dma_start3A_119 = arith.constant 0 : i32
      %dma_start3A_120 = tpu.memref_slice %arg7[%dma_start3A_115, %dma_start3A_118, %dma_start3A_119] : memref<2x128x48xf32, #tpu.memory_space<vmem>> -> memref<1x128x48xf32, #tpu.memory_space<vmem>>
      %dma_start3A_121 = tpu.memref_squeeze %dma_start3A_120 : memref<1x128x48xf32, #tpu.memory_space<vmem>> -> memref<128x48xf32, #tpu.memory_space<vmem>>
      %dma_start3A_122 = arith.constant 0 : i32
      %dma_start3A_123 = tpu.memref_slice %arg6[%add3A_99, %dma_start3A_116, %dma_start3A_122] : memref<80x2x128xi32, #tpu.memory_space<vmem>> -> memref<1x1x128xi32, #tpu.memory_space<vmem>>
      %dma_start3A_124 = tpu.memref_squeeze %dma_start3A_123 : memref<1x1x128xi32, #tpu.memory_space<vmem>> -> memref<128xi32, #tpu.memory_space<vmem>>
      %dma_start3A_125 = arith.constant 0 : i32
      %dma_start3A_126 = arith.constant 0 : i32
      %dma_start3A_127 = tpu.memref_slice %arg8[%dma_start3A_125, %dma_start3A_126] : memref<10240x48xf32, #tpu.memory_space<vmem_shared>> -> memref<10240x48xf32, #tpu.memory_space<vmem_shared>>
      %dma_start3A_128 = tpu.memref_slice %arg10[%dma_start3A_117] : memref<2x!tpu.dma_semaphore, #tpu.memory_space<semaphore_mem>> -> memref<1x!tpu.dma_semaphore, #tpu.memory_space<semaphore_mem>>
      %dma_start3A_129 = tpu.memref_squeeze %dma_start3A_128 : memref<1x!tpu.dma_semaphore, #tpu.memory_space<semaphore_mem>> -> memref<!tpu.dma_semaphore, #tpu.memory_space<semaphore_mem>>
      tpu.enqueue_indirect_dma source(%dma_start3A_121 : memref<128x48xf32, #tpu.memory_space<vmem>>) target(%dma_start3A_127 : memref<10240x48xf32, #tpu.memory_space<vmem_shared>>) offsets(%dma_start3A_124 : memref<128xi32, #tpu.memory_space<vmem>>) semaphore(%dma_start3A_129 : memref<!tpu.dma_semaphore, #tpu.memory_space<semaphore_mem>>) {add = true}
      %dma_wait3A_130 = arith.constant 1 : i32
      %dma_wait3A_131 = arith.constant 1 : i32
      %dma_wait3A_132 = arith.constant 1 : i32
      %dma_wait3A_133 = arith.constant 0 : i32
      %dma_wait3A_134 = arith.constant 0 : i32
      %dma_wait3A_135 = tpu.memref_slice %arg7[%dma_wait3A_130, %dma_wait3A_133, %dma_wait3A_134] : memref<2x128x48xf32, #tpu.memory_space<vmem>> -> memref<1x128x48xf32, #tpu.memory_space<vmem>>
      %dma_wait3A_136 = tpu.memref_squeeze %dma_wait3A_135 : memref<1x128x48xf32, #tpu.memory_space<vmem>> -> memref<128x48xf32, #tpu.memory_space<vmem>>
      %dma_wait3A_137 = arith.constant 0 : i32
      %dma_wait3A_138 = tpu.memref_slice %arg6[%add3A_99, %dma_wait3A_131, %dma_wait3A_137] : memref<80x2x128xi32, #tpu.memory_space<vmem>> -> memref<1x1x128xi32, #tpu.memory_space<vmem>>
      %dma_wait3A_139 = tpu.memref_squeeze %dma_wait3A_138 : memref<1x1x128xi32, #tpu.memory_space<vmem>> -> memref<128xi32, #tpu.memory_space<vmem>>
      %dma_wait3A_140 = arith.constant 0 : i32
      %dma_wait3A_141 = arith.constant 0 : i32
      %dma_wait3A_142 = tpu.memref_slice %arg8[%dma_wait3A_140, %dma_wait3A_141] : memref<10240x48xf32, #tpu.memory_space<vmem_shared>> -> memref<10240x48xf32, #tpu.memory_space<vmem_shared>>
      %dma_wait3A_143 = tpu.memref_slice %arg10[%dma_wait3A_132] : memref<2x!tpu.dma_semaphore, #tpu.memory_space<semaphore_mem>> -> memref<1x!tpu.dma_semaphore, #tpu.memory_space<semaphore_mem>>
      %dma_wait3A_144 = tpu.memref_squeeze %dma_wait3A_143 : memref<1x!tpu.dma_semaphore, #tpu.memory_space<semaphore_mem>> -> memref<!tpu.dma_semaphore, #tpu.memory_space<semaphore_mem>>
      tpu.wait_indirect_dma semaphore(%dma_wait3A_144 : memref<!tpu.dma_semaphore, #tpu.memory_space<semaphore_mem>>) src(%dma_wait3A_136 : memref<128x48xf32, #tpu.memory_space<vmem>>) dst(%dma_wait3A_142 : memref<10240x48xf32, #tpu.memory_space<vmem_shared>>)
      %add3A_145 = arith.constant 2 : i32
      %add3A_146 = arith.addi %add3A_99, %add3A_145 : i32
      %lt3A_147 = arith.constant 80 : i32
      %lt3A_148 = arith.cmpi slt, %add3A_146, %lt3A_147 : i32
      %convert_element_type3A_149 = arith.extui %lt3A_148 : i1 to i32
      %cond3A_150 = arith.constant 0 : i32
      %cond3A_151 = arith.cmpi ne, %convert_element_type3A_149, %cond3A_150 : i32
      scf.if %cond3A_151 {
        %add3A_152 = arith.constant 2 : i32
        %add3A_153 = arith.addi %add3A_99, %add3A_152 : i32
        %dma_start3A_154 = arith.constant 0 : i32
        %dma_start3A_155 = arith.constant 1 : i32
        %dma_start3A_156 = arith.constant 1 : i32
        %dma_start3A_157 = arith.constant 0 : i32
        %dma_start3A_158 = arith.constant 0 : i32
        %dma_start3A_159 = tpu.memref_slice %arg7[%dma_start3A_155, %dma_start3A_157, %dma_start3A_158] : memref<2x128x48xf32, #tpu.memory_space<vmem>> -> memref<1x128x48xf32, #tpu.memory_space<vmem>>
        %dma_start3A_160 = tpu.memref_squeeze %dma_start3A_159 : memref<1x128x48xf32, #tpu.memory_space<vmem>> -> memref<128x48xf32, #tpu.memory_space<vmem>>
        %dma_start3A_161 = arith.constant 0 : i32
        %dma_start3A_162 = tpu.memref_slice %arg6[%add3A_153, %dma_start3A_154, %dma_start3A_161] : memref<80x2x128xi32, #tpu.memory_space<vmem>> -> memref<1x1x128xi32, #tpu.memory_space<vmem>>
        %dma_start3A_163 = tpu.memref_squeeze %dma_start3A_162 : memref<1x1x128xi32, #tpu.memory_space<vmem>> -> memref<128xi32, #tpu.memory_space<vmem>>
        %dma_start3A_164 = arith.constant 0 : i32
        %dma_start3A_165 = arith.constant 0 : i32
        %dma_start3A_166 = tpu.memref_slice %arg2[%dma_start3A_164, %dma_start3A_165] : memref<10240x48xf32, #tpu.memory_space<hbm>> -> memref<10240x48xf32, #tpu.memory_space<hbm>>
        %dma_start3A_167 = tpu.memref_slice %arg9[%dma_start3A_156] : memref<2x!tpu.dma_semaphore, #tpu.memory_space<semaphore_mem>> -> memref<1x!tpu.dma_semaphore, #tpu.memory_space<semaphore_mem>>
        %dma_start3A_168 = tpu.memref_squeeze %dma_start3A_167 : memref<1x!tpu.dma_semaphore, #tpu.memory_space<semaphore_mem>> -> memref<!tpu.dma_semaphore, #tpu.memory_space<semaphore_mem>>
        tpu.enqueue_indirect_dma source(%dma_start3A_166 : memref<10240x48xf32, #tpu.memory_space<hbm>>) target(%dma_start3A_160 : memref<128x48xf32, #tpu.memory_space<vmem>>) offsets(%dma_start3A_163 : memref<128xi32, #tpu.memory_space<vmem>>) semaphore(%dma_start3A_168 : memref<!tpu.dma_semaphore, #tpu.memory_space<semaphore_mem>>)
      } else {
      }
    }
    %scan3A_37 = arith.constant 40 : i32
    %barrier3A_38 = arith.constant 0 : index
    tpu.barrier barrier_id(%barrier3A_38)
    %mul3A_39 = arith.constant 640 : i32
    %mul3A_40 = arith.muli %arg1, %mul3A_39 : i32
    %mul3A_41 = arith.constant 640 : i32
    %mul3A_42 = arith.muli %arg1, %mul3A_41 : i32
    "tpu.region"() ({
      %run_scoped3A = tpu.sem_alloc : memref<!tpu.dma_semaphore, #tpu.memory_space<semaphore_mem>>
      %dma_start3A_43 = arith.constant 0 : i32
      %dma_start3A_44 = tpu.memref_slice %arg5[%arg0, %mul3A_42, %dma_start3A_43] : memref<2x10240x48xf32, #tpu.memory_space<hbm>> -> memref<1x640x48xf32, #tpu.memory_space<hbm>>
      %dma_start3A_45 = tpu.memref_squeeze %dma_start3A_44 : memref<1x640x48xf32, #tpu.memory_space<hbm>> -> memref<640x48xf32, #tpu.memory_space<hbm>>
      %dma_start3A_46 = arith.constant 0 : i32
      %dma_start3A_47 = tpu.memref_slice %arg8[%mul3A_40, %dma_start3A_46] : memref<10240x48xf32, #tpu.memory_space<vmem_shared>> -> memref<640x48xf32, #tpu.memory_space<vmem_shared>>
      tpu.enqueue_dma source(%dma_start3A_47 : memref<640x48xf32, #tpu.memory_space<vmem_shared>>) target(%dma_start3A_45 : memref<640x48xf32, #tpu.memory_space<hbm>>) target_semaphore(%run_scoped3A : memref<!tpu.dma_semaphore, #tpu.memory_space<semaphore_mem>>)
      %dma_wait3A = arith.constant 0 : i32
      %dma_wait3A_48 = tpu.memref_slice %arg5[%arg0, %mul3A_42, %dma_wait3A] : memref<2x10240x48xf32, #tpu.memory_space<hbm>> -> memref<1x640x48xf32, #tpu.memory_space<hbm>>
      %dma_wait3A_49 = tpu.memref_squeeze %dma_wait3A_48 : memref<1x640x48xf32, #tpu.memory_space<hbm>> -> memref<640x48xf32, #tpu.memory_space<hbm>>
      %dma_wait3A_50 = arith.constant 0 : i32
      %dma_wait3A_51 = tpu.memref_slice %arg8[%mul3A_40, %dma_wait3A_50] : memref<10240x48xf32, #tpu.memory_space<vmem_shared>> -> memref<640x48xf32, #tpu.memory_space<vmem_shared>>
      tpu.wait_dma2 semaphore(%run_scoped3A : memref<!tpu.dma_semaphore, #tpu.memory_space<semaphore_mem>>) src(%dma_wait3A_51 : memref<640x48xf32, #tpu.memory_space<vmem_shared>>) dst(%dma_wait3A_49 : memref<640x48xf32, #tpu.memory_space<hbm>>)
      tpu.yield
    }) : () -> ()
    return
  }
}

#map = affine_map<(d0, d1) -> (0, 0)>
#map1 = affine_map<(d0, d1) -> (0, 0, 0, 0)>
#map2 = affine_map<(d0, d1) -> (0, 0, 0)>
module attributes {stable_mosaic.version = 14 : i64} {
  func.func @_agg_stream_kernel(%arg0: i32, %arg1: i32, %arg2: memref<10240x128xf32, #tpu.memory_space<hbm>>, %arg3: memref<32x80x2x128xi32, #tpu.memory_space<hbm>>, %arg4: memref<640x128xf32, #tpu.memory_space<hbm>>, %arg5: memref<2x10240x128xf32, #tpu.memory_space<hbm>>, %arg6: memref<4x2x128xi32, #tpu.memory_space<vmem>>, %arg7: memref<2x128x128xf32, #tpu.memory_space<vmem>>, %arg8: memref<10240x128xf32, #tpu.memory_space<vmem_shared>>, %arg9: memref<2x!tpu.dma_semaphore, #tpu.memory_space<semaphore_mem>>, %arg10: memref<2x!tpu.dma_semaphore, #tpu.memory_space<semaphore_mem>>, %arg11: memref<4x!tpu.dma_semaphore, #tpu.memory_space<semaphore_mem>>) attributes {dimension_semantics = [#tpu.dimension_semantics<core_parallel>, #tpu.dimension_semantics<subcore_parallel>], iteration_bounds = array<i64: 2, 16>, scalar_prefetch = 0 : i64, scratch_operands = 6 : i64, tpu.core_type = #tpu.core_type<sc_vector_subcore>, window_params = [{transform_indices = #map}, {transform_indices = #map1}, {transform_indices = #map}, {transform_indices = #map2}]} {
    %mul3A = arith.constant 2 : i32
    %mul3A_0 = arith.muli %arg1, %mul3A : i32
    %add3A = arith.addi %mul3A_0, %arg0 : i32
    %mul3A_1 = arith.constant 640 : i32
    %mul3A_2 = arith.muli %arg1, %mul3A_1 : i32
    "tpu.region"() ({
      %run_scoped3A = tpu.sem_alloc : memref<!tpu.dma_semaphore, #tpu.memory_space<semaphore_mem>>
      %dma_start3A_168 = arith.constant 0 : i32
      %dma_start3A_169 = tpu.memref_slice %arg8[%mul3A_2, %dma_start3A_168] : memref<10240x128xf32, #tpu.memory_space<vmem_shared>> -> memref<640x128xf32, #tpu.memory_space<vmem_shared>>
      tpu.enqueue_dma source(%arg4 : memref<640x128xf32, #tpu.memory_space<hbm>>) target(%dma_start3A_169 : memref<640x128xf32, #tpu.memory_space<vmem_shared>>) target_semaphore(%run_scoped3A : memref<!tpu.dma_semaphore, #tpu.memory_space<semaphore_mem>>)
      %dma_wait3A_170 = arith.constant 0 : i32
      %dma_wait3A_171 = tpu.memref_slice %arg8[%mul3A_2, %dma_wait3A_170] : memref<10240x128xf32, #tpu.memory_space<vmem_shared>> -> memref<640x128xf32, #tpu.memory_space<vmem_shared>>
      tpu.wait_dma2 semaphore(%run_scoped3A : memref<!tpu.dma_semaphore, #tpu.memory_space<semaphore_mem>>) src(%arg4 : memref<640x128xf32, #tpu.memory_space<hbm>>) dst(%dma_wait3A_171 : memref<640x128xf32, #tpu.memory_space<vmem_shared>>)
      tpu.yield
    }) : () -> ()
    %barrier3A = arith.constant 0 : index
    tpu.barrier barrier_id(%barrier3A)
    %dma_start3A = arith.constant 0 : i32
    %dma_start3A_3 = arith.constant 0 : i32
    %dma_start3A_4 = arith.constant 0 : i32
    %dma_start3A_5 = arith.constant 0 : i32
    %dma_start3A_6 = arith.constant 0 : i32
    %dma_start3A_7 = tpu.memref_slice %arg6[%dma_start3A_3, %dma_start3A_5, %dma_start3A_6] : memref<4x2x128xi32, #tpu.memory_space<vmem>> -> memref<1x2x128xi32, #tpu.memory_space<vmem>>
    %dma_start3A_8 = tpu.memref_squeeze %dma_start3A_7 : memref<1x2x128xi32, #tpu.memory_space<vmem>> -> memref<2x128xi32, #tpu.memory_space<vmem>>
    %dma_start3A_9 = arith.constant 0 : i32
    %dma_start3A_10 = arith.constant 0 : i32
    %dma_start3A_11 = tpu.memref_slice %arg3[%add3A, %dma_start3A, %dma_start3A_9, %dma_start3A_10] : memref<32x80x2x128xi32, #tpu.memory_space<hbm>> -> memref<1x1x2x128xi32, #tpu.memory_space<hbm>>
    %dma_start3A_12 = tpu.memref_squeeze %dma_start3A_11 : memref<1x1x2x128xi32, #tpu.memory_space<hbm>> -> memref<2x128xi32, #tpu.memory_space<hbm>>
    %dma_start3A_13 = tpu.memref_slice %arg11[%dma_start3A_4] : memref<4x!tpu.dma_semaphore, #tpu.memory_space<semaphore_mem>> -> memref<1x!tpu.dma_semaphore, #tpu.memory_space<semaphore_mem>>
    %dma_start3A_14 = tpu.memref_squeeze %dma_start3A_13 : memref<1x!tpu.dma_semaphore, #tpu.memory_space<semaphore_mem>> -> memref<!tpu.dma_semaphore, #tpu.memory_space<semaphore_mem>>
    %dma_start3A_15 = arith.constant 0 : i32
    %dma_start3A_16 = arith.constant 0 : i32
    %dma_start3A_17 = tpu.memref_slice %arg6[%dma_start3A_3, %dma_start3A_15, %dma_start3A_16] : memref<4x2x128xi32, #tpu.memory_space<vmem>> -> memref<1x2x128xi32, #tpu.memory_space<vmem>>
    %dma_start3A_18 = tpu.memref_squeeze %dma_start3A_17 : memref<1x2x128xi32, #tpu.memory_space<vmem>> -> memref<2x128xi32, #tpu.memory_space<vmem>>
    %dma_start3A_19 = arith.constant 0 : i32
    %dma_start3A_20 = arith.constant 0 : i32
    %dma_start3A_21 = tpu.memref_slice %arg3[%add3A, %dma_start3A, %dma_start3A_19, %dma_start3A_20] : memref<32x80x2x128xi32, #tpu.memory_space<hbm>> -> memref<1x1x2x128xi32, #tpu.memory_space<hbm>>
    %dma_start3A_22 = tpu.memref_squeeze %dma_start3A_21 : memref<1x1x2x128xi32, #tpu.memory_space<hbm>> -> memref<2x128xi32, #tpu.memory_space<hbm>>
    tpu.enqueue_dma source(%dma_start3A_22 : memref<2x128xi32, #tpu.memory_space<hbm>>) target(%dma_start3A_18 : memref<2x128xi32, #tpu.memory_space<vmem>>) target_semaphore(%dma_start3A_14 : memref<!tpu.dma_semaphore, #tpu.memory_space<semaphore_mem>>)
    %dma_start3A_23 = arith.constant 1 : i32
    %dma_start3A_24 = arith.constant 1 : i32
    %dma_start3A_25 = arith.constant 1 : i32
    %dma_start3A_26 = arith.constant 0 : i32
    %dma_start3A_27 = arith.constant 0 : i32
    %dma_start3A_28 = tpu.memref_slice %arg6[%dma_start3A_24, %dma_start3A_26, %dma_start3A_27] : memref<4x2x128xi32, #tpu.memory_space<vmem>> -> memref<1x2x128xi32, #tpu.memory_space<vmem>>
    %dma_start3A_29 = tpu.memref_squeeze %dma_start3A_28 : memref<1x2x128xi32, #tpu.memory_space<vmem>> -> memref<2x128xi32, #tpu.memory_space<vmem>>
    %dma_start3A_30 = arith.constant 0 : i32
    %dma_start3A_31 = arith.constant 0 : i32
    %dma_start3A_32 = tpu.memref_slice %arg3[%add3A, %dma_start3A_23, %dma_start3A_30, %dma_start3A_31] : memref<32x80x2x128xi32, #tpu.memory_space<hbm>> -> memref<1x1x2x128xi32, #tpu.memory_space<hbm>>
    %dma_start3A_33 = tpu.memref_squeeze %dma_start3A_32 : memref<1x1x2x128xi32, #tpu.memory_space<hbm>> -> memref<2x128xi32, #tpu.memory_space<hbm>>
    %dma_start3A_34 = tpu.memref_slice %arg11[%dma_start3A_25] : memref<4x!tpu.dma_semaphore, #tpu.memory_space<semaphore_mem>> -> memref<1x!tpu.dma_semaphore, #tpu.memory_space<semaphore_mem>>
    %dma_start3A_35 = tpu.memref_squeeze %dma_start3A_34 : memref<1x!tpu.dma_semaphore, #tpu.memory_space<semaphore_mem>> -> memref<!tpu.dma_semaphore, #tpu.memory_space<semaphore_mem>>
    %dma_start3A_36 = arith.constant 0 : i32
    %dma_start3A_37 = arith.constant 0 : i32
    %dma_start3A_38 = tpu.memref_slice %arg6[%dma_start3A_24, %dma_start3A_36, %dma_start3A_37] : memref<4x2x128xi32, #tpu.memory_space<vmem>> -> memref<1x2x128xi32, #tpu.memory_space<vmem>>
    %dma_start3A_39 = tpu.memref_squeeze %dma_start3A_38 : memref<1x2x128xi32, #tpu.memory_space<vmem>> -> memref<2x128xi32, #tpu.memory_space<vmem>>
    %dma_start3A_40 = arith.constant 0 : i32
    %dma_start3A_41 = arith.constant 0 : i32
    %dma_start3A_42 = tpu.memref_slice %arg3[%add3A, %dma_start3A_23, %dma_start3A_40, %dma_start3A_41] : memref<32x80x2x128xi32, #tpu.memory_space<hbm>> -> memref<1x1x2x128xi32, #tpu.memory_space<hbm>>
    %dma_start3A_43 = tpu.memref_squeeze %dma_start3A_42 : memref<1x1x2x128xi32, #tpu.memory_space<hbm>> -> memref<2x128xi32, #tpu.memory_space<hbm>>
    tpu.enqueue_dma source(%dma_start3A_43 : memref<2x128xi32, #tpu.memory_space<hbm>>) target(%dma_start3A_39 : memref<2x128xi32, #tpu.memory_space<vmem>>) target_semaphore(%dma_start3A_35 : memref<!tpu.dma_semaphore, #tpu.memory_space<semaphore_mem>>)
    %dma_start3A_44 = arith.constant 2 : i32
    %dma_start3A_45 = arith.constant 2 : i32
    %dma_start3A_46 = arith.constant 2 : i32
    %dma_start3A_47 = arith.constant 0 : i32
    %dma_start3A_48 = arith.constant 0 : i32
    %dma_start3A_49 = tpu.memref_slice %arg6[%dma_start3A_45, %dma_start3A_47, %dma_start3A_48] : memref<4x2x128xi32, #tpu.memory_space<vmem>> -> memref<1x2x128xi32, #tpu.memory_space<vmem>>
    %dma_start3A_50 = tpu.memref_squeeze %dma_start3A_49 : memref<1x2x128xi32, #tpu.memory_space<vmem>> -> memref<2x128xi32, #tpu.memory_space<vmem>>
    %dma_start3A_51 = arith.constant 0 : i32
    %dma_start3A_52 = arith.constant 0 : i32
    %dma_start3A_53 = tpu.memref_slice %arg3[%add3A, %dma_start3A_44, %dma_start3A_51, %dma_start3A_52] : memref<32x80x2x128xi32, #tpu.memory_space<hbm>> -> memref<1x1x2x128xi32, #tpu.memory_space<hbm>>
    %dma_start3A_54 = tpu.memref_squeeze %dma_start3A_53 : memref<1x1x2x128xi32, #tpu.memory_space<hbm>> -> memref<2x128xi32, #tpu.memory_space<hbm>>
    %dma_start3A_55 = tpu.memref_slice %arg11[%dma_start3A_46] : memref<4x!tpu.dma_semaphore, #tpu.memory_space<semaphore_mem>> -> memref<1x!tpu.dma_semaphore, #tpu.memory_space<semaphore_mem>>
    %dma_start3A_56 = tpu.memref_squeeze %dma_start3A_55 : memref<1x!tpu.dma_semaphore, #tpu.memory_space<semaphore_mem>> -> memref<!tpu.dma_semaphore, #tpu.memory_space<semaphore_mem>>
    %dma_start3A_57 = arith.constant 0 : i32
    %dma_start3A_58 = arith.constant 0 : i32
    %dma_start3A_59 = tpu.memref_slice %arg6[%dma_start3A_45, %dma_start3A_57, %dma_start3A_58] : memref<4x2x128xi32, #tpu.memory_space<vmem>> -> memref<1x2x128xi32, #tpu.memory_space<vmem>>
    %dma_start3A_60 = tpu.memref_squeeze %dma_start3A_59 : memref<1x2x128xi32, #tpu.memory_space<vmem>> -> memref<2x128xi32, #tpu.memory_space<vmem>>
    %dma_start3A_61 = arith.constant 0 : i32
    %dma_start3A_62 = arith.constant 0 : i32
    %dma_start3A_63 = tpu.memref_slice %arg3[%add3A, %dma_start3A_44, %dma_start3A_61, %dma_start3A_62] : memref<32x80x2x128xi32, #tpu.memory_space<hbm>> -> memref<1x1x2x128xi32, #tpu.memory_space<hbm>>
    %dma_start3A_64 = tpu.memref_squeeze %dma_start3A_63 : memref<1x1x2x128xi32, #tpu.memory_space<hbm>> -> memref<2x128xi32, #tpu.memory_space<hbm>>
    tpu.enqueue_dma source(%dma_start3A_64 : memref<2x128xi32, #tpu.memory_space<hbm>>) target(%dma_start3A_60 : memref<2x128xi32, #tpu.memory_space<vmem>>) target_semaphore(%dma_start3A_56 : memref<!tpu.dma_semaphore, #tpu.memory_space<semaphore_mem>>)
    %dma_start3A_65 = arith.constant 3 : i32
    %dma_start3A_66 = arith.constant 3 : i32
    %dma_start3A_67 = arith.constant 3 : i32
    %dma_start3A_68 = arith.constant 0 : i32
    %dma_start3A_69 = arith.constant 0 : i32
    %dma_start3A_70 = tpu.memref_slice %arg6[%dma_start3A_66, %dma_start3A_68, %dma_start3A_69] : memref<4x2x128xi32, #tpu.memory_space<vmem>> -> memref<1x2x128xi32, #tpu.memory_space<vmem>>
    %dma_start3A_71 = tpu.memref_squeeze %dma_start3A_70 : memref<1x2x128xi32, #tpu.memory_space<vmem>> -> memref<2x128xi32, #tpu.memory_space<vmem>>
    %dma_start3A_72 = arith.constant 0 : i32
    %dma_start3A_73 = arith.constant 0 : i32
    %dma_start3A_74 = tpu.memref_slice %arg3[%add3A, %dma_start3A_65, %dma_start3A_72, %dma_start3A_73] : memref<32x80x2x128xi32, #tpu.memory_space<hbm>> -> memref<1x1x2x128xi32, #tpu.memory_space<hbm>>
    %dma_start3A_75 = tpu.memref_squeeze %dma_start3A_74 : memref<1x1x2x128xi32, #tpu.memory_space<hbm>> -> memref<2x128xi32, #tpu.memory_space<hbm>>
    %dma_start3A_76 = tpu.memref_slice %arg11[%dma_start3A_67] : memref<4x!tpu.dma_semaphore, #tpu.memory_space<semaphore_mem>> -> memref<1x!tpu.dma_semaphore, #tpu.memory_space<semaphore_mem>>
    %dma_start3A_77 = tpu.memref_squeeze %dma_start3A_76 : memref<1x!tpu.dma_semaphore, #tpu.memory_space<semaphore_mem>> -> memref<!tpu.dma_semaphore, #tpu.memory_space<semaphore_mem>>
    %dma_start3A_78 = arith.constant 0 : i32
    %dma_start3A_79 = arith.constant 0 : i32
    %dma_start3A_80 = tpu.memref_slice %arg6[%dma_start3A_66, %dma_start3A_78, %dma_start3A_79] : memref<4x2x128xi32, #tpu.memory_space<vmem>> -> memref<1x2x128xi32, #tpu.memory_space<vmem>>
    %dma_start3A_81 = tpu.memref_squeeze %dma_start3A_80 : memref<1x2x128xi32, #tpu.memory_space<vmem>> -> memref<2x128xi32, #tpu.memory_space<vmem>>
    %dma_start3A_82 = arith.constant 0 : i32
    %dma_start3A_83 = arith.constant 0 : i32
    %dma_start3A_84 = tpu.memref_slice %arg3[%add3A, %dma_start3A_65, %dma_start3A_82, %dma_start3A_83] : memref<32x80x2x128xi32, #tpu.memory_space<hbm>> -> memref<1x1x2x128xi32, #tpu.memory_space<hbm>>
    %dma_start3A_85 = tpu.memref_squeeze %dma_start3A_84 : memref<1x1x2x128xi32, #tpu.memory_space<hbm>> -> memref<2x128xi32, #tpu.memory_space<hbm>>
    tpu.enqueue_dma source(%dma_start3A_85 : memref<2x128xi32, #tpu.memory_space<hbm>>) target(%dma_start3A_81 : memref<2x128xi32, #tpu.memory_space<vmem>>) target_semaphore(%dma_start3A_77 : memref<!tpu.dma_semaphore, #tpu.memory_space<semaphore_mem>>)
    %dma_wait3A = arith.constant 0 : i32
    %dma_wait3A_86 = arith.constant 0 : i32
    %dma_wait3A_87 = arith.constant 0 : i32
    %dma_wait3A_88 = arith.constant 0 : i32
    %dma_wait3A_89 = arith.constant 0 : i32
    %dma_wait3A_90 = tpu.memref_slice %arg6[%dma_wait3A_86, %dma_wait3A_88, %dma_wait3A_89] : memref<4x2x128xi32, #tpu.memory_space<vmem>> -> memref<1x2x128xi32, #tpu.memory_space<vmem>>
    %dma_wait3A_91 = tpu.memref_squeeze %dma_wait3A_90 : memref<1x2x128xi32, #tpu.memory_space<vmem>> -> memref<2x128xi32, #tpu.memory_space<vmem>>
    %dma_wait3A_92 = arith.constant 0 : i32
    %dma_wait3A_93 = arith.constant 0 : i32
    %dma_wait3A_94 = tpu.memref_slice %arg3[%add3A, %dma_wait3A, %dma_wait3A_92, %dma_wait3A_93] : memref<32x80x2x128xi32, #tpu.memory_space<hbm>> -> memref<1x1x2x128xi32, #tpu.memory_space<hbm>>
    %dma_wait3A_95 = tpu.memref_squeeze %dma_wait3A_94 : memref<1x1x2x128xi32, #tpu.memory_space<hbm>> -> memref<2x128xi32, #tpu.memory_space<hbm>>
    %dma_wait3A_96 = tpu.memref_slice %arg11[%dma_wait3A_87] : memref<4x!tpu.dma_semaphore, #tpu.memory_space<semaphore_mem>> -> memref<1x!tpu.dma_semaphore, #tpu.memory_space<semaphore_mem>>
    %dma_wait3A_97 = tpu.memref_squeeze %dma_wait3A_96 : memref<1x!tpu.dma_semaphore, #tpu.memory_space<semaphore_mem>> -> memref<!tpu.dma_semaphore, #tpu.memory_space<semaphore_mem>>
    %dma_wait3A_98 = arith.constant 0 : i32
    %dma_wait3A_99 = arith.constant 0 : i32
    %dma_wait3A_100 = tpu.memref_slice %arg6[%dma_wait3A_86, %dma_wait3A_98, %dma_wait3A_99] : memref<4x2x128xi32, #tpu.memory_space<vmem>> -> memref<1x2x128xi32, #tpu.memory_space<vmem>>
    %dma_wait3A_101 = tpu.memref_squeeze %dma_wait3A_100 : memref<1x2x128xi32, #tpu.memory_space<vmem>> -> memref<2x128xi32, #tpu.memory_space<vmem>>
    %dma_wait3A_102 = arith.constant 0 : i32
    %dma_wait3A_103 = arith.constant 0 : i32
    %dma_wait3A_104 = tpu.memref_slice %arg3[%add3A, %dma_wait3A, %dma_wait3A_102, %dma_wait3A_103] : memref<32x80x2x128xi32, #tpu.memory_space<hbm>> -> memref<1x1x2x128xi32, #tpu.memory_space<hbm>>
    %dma_wait3A_105 = tpu.memref_squeeze %dma_wait3A_104 : memref<1x1x2x128xi32, #tpu.memory_space<hbm>> -> memref<2x128xi32, #tpu.memory_space<hbm>>
    tpu.wait_dma2 semaphore(%dma_wait3A_97 : memref<!tpu.dma_semaphore, #tpu.memory_space<semaphore_mem>>) src(%dma_wait3A_105 : memref<2x128xi32, #tpu.memory_space<hbm>>) dst(%dma_wait3A_101 : memref<2x128xi32, #tpu.memory_space<vmem>>)
    %dma_start3A_106 = arith.constant 0 : i32
    %dma_start3A_107 = arith.constant 0 : i32
    %dma_start3A_108 = arith.constant 0 : i32
    %dma_start3A_109 = arith.constant 0 : i32
    %dma_start3A_110 = arith.constant 0 : i32
    %dma_start3A_111 = arith.constant 0 : i32
    %dma_start3A_112 = tpu.memref_slice %arg7[%dma_start3A_108, %dma_start3A_110, %dma_start3A_111] : memref<2x128x128xf32, #tpu.memory_space<vmem>> -> memref<1x128x128xf32, #tpu.memory_space<vmem>>
    %dma_start3A_113 = tpu.memref_squeeze %dma_start3A_112 : memref<1x128x128xf32, #tpu.memory_space<vmem>> -> memref<128x128xf32, #tpu.memory_space<vmem>>
    %dma_start3A_114 = arith.constant 0 : i32
    %dma_start3A_115 = tpu.memref_slice %arg6[%dma_start3A_106, %dma_start3A_107, %dma_start3A_114] : memref<4x2x128xi32, #tpu.memory_space<vmem>> -> memref<1x1x128xi32, #tpu.memory_space<vmem>>
    %dma_start3A_116 = tpu.memref_squeeze %dma_start3A_115 : memref<1x1x128xi32, #tpu.memory_space<vmem>> -> memref<128xi32, #tpu.memory_space<vmem>>
    %dma_start3A_117 = arith.constant 0 : i32
    %dma_start3A_118 = arith.constant 0 : i32
    %dma_start3A_119 = tpu.memref_slice %arg2[%dma_start3A_117, %dma_start3A_118] : memref<10240x128xf32, #tpu.memory_space<hbm>> -> memref<10240x128xf32, #tpu.memory_space<hbm>>
    %dma_start3A_120 = tpu.memref_slice %arg9[%dma_start3A_109] : memref<2x!tpu.dma_semaphore, #tpu.memory_space<semaphore_mem>> -> memref<1x!tpu.dma_semaphore, #tpu.memory_space<semaphore_mem>>
    %dma_start3A_121 = tpu.memref_squeeze %dma_start3A_120 : memref<1x!tpu.dma_semaphore, #tpu.memory_space<semaphore_mem>> -> memref<!tpu.dma_semaphore, #tpu.memory_space<semaphore_mem>>
    tpu.enqueue_indirect_dma source(%dma_start3A_119 : memref<10240x128xf32, #tpu.memory_space<hbm>>) target(%dma_start3A_113 : memref<128x128xf32, #tpu.memory_space<vmem>>) offsets(%dma_start3A_116 : memref<128xi32, #tpu.memory_space<vmem>>) semaphore(%dma_start3A_121 : memref<!tpu.dma_semaphore, #tpu.memory_space<semaphore_mem>>)
    %dma_wait3A_122 = arith.constant 1 : i32
    %dma_wait3A_123 = arith.constant 1 : i32
    %dma_wait3A_124 = arith.constant 1 : i32
    %dma_wait3A_125 = arith.constant 0 : i32
    %dma_wait3A_126 = arith.constant 0 : i32
    %dma_wait3A_127 = tpu.memref_slice %arg6[%dma_wait3A_123, %dma_wait3A_125, %dma_wait3A_126] : memref<4x2x128xi32, #tpu.memory_space<vmem>> -> memref<1x2x128xi32, #tpu.memory_space<vmem>>
    %dma_wait3A_128 = tpu.memref_squeeze %dma_wait3A_127 : memref<1x2x128xi32, #tpu.memory_space<vmem>> -> memref<2x128xi32, #tpu.memory_space<vmem>>
    %dma_wait3A_129 = arith.constant 0 : i32
    %dma_wait3A_130 = arith.constant 0 : i32
    %dma_wait3A_131 = tpu.memref_slice %arg3[%add3A, %dma_wait3A_122, %dma_wait3A_129, %dma_wait3A_130] : memref<32x80x2x128xi32, #tpu.memory_space<hbm>> -> memref<1x1x2x128xi32, #tpu.memory_space<hbm>>
    %dma_wait3A_132 = tpu.memref_squeeze %dma_wait3A_131 : memref<1x1x2x128xi32, #tpu.memory_space<hbm>> -> memref<2x128xi32, #tpu.memory_space<hbm>>
    %dma_wait3A_133 = tpu.memref_slice %arg11[%dma_wait3A_124] : memref<4x!tpu.dma_semaphore, #tpu.memory_space<semaphore_mem>> -> memref<1x!tpu.dma_semaphore, #tpu.memory_space<semaphore_mem>>
    %dma_wait3A_134 = tpu.memref_squeeze %dma_wait3A_133 : memref<1x!tpu.dma_semaphore, #tpu.memory_space<semaphore_mem>> -> memref<!tpu.dma_semaphore, #tpu.memory_space<semaphore_mem>>
    %dma_wait3A_135 = arith.constant 0 : i32
    %dma_wait3A_136 = arith.constant 0 : i32
    %dma_wait3A_137 = tpu.memref_slice %arg6[%dma_wait3A_123, %dma_wait3A_135, %dma_wait3A_136] : memref<4x2x128xi32, #tpu.memory_space<vmem>> -> memref<1x2x128xi32, #tpu.memory_space<vmem>>
    %dma_wait3A_138 = tpu.memref_squeeze %dma_wait3A_137 : memref<1x2x128xi32, #tpu.memory_space<vmem>> -> memref<2x128xi32, #tpu.memory_space<vmem>>
    %dma_wait3A_139 = arith.constant 0 : i32
    %dma_wait3A_140 = arith.constant 0 : i32
    %dma_wait3A_141 = tpu.memref_slice %arg3[%add3A, %dma_wait3A_122, %dma_wait3A_139, %dma_wait3A_140] : memref<32x80x2x128xi32, #tpu.memory_space<hbm>> -> memref<1x1x2x128xi32, #tpu.memory_space<hbm>>
    %dma_wait3A_142 = tpu.memref_squeeze %dma_wait3A_141 : memref<1x1x2x128xi32, #tpu.memory_space<hbm>> -> memref<2x128xi32, #tpu.memory_space<hbm>>
    tpu.wait_dma2 semaphore(%dma_wait3A_134 : memref<!tpu.dma_semaphore, #tpu.memory_space<semaphore_mem>>) src(%dma_wait3A_142 : memref<2x128xi32, #tpu.memory_space<hbm>>) dst(%dma_wait3A_138 : memref<2x128xi32, #tpu.memory_space<vmem>>)
    %dma_start3A_143 = arith.constant 1 : i32
    %dma_start3A_144 = arith.constant 0 : i32
    %dma_start3A_145 = arith.constant 1 : i32
    %dma_start3A_146 = arith.constant 1 : i32
    %dma_start3A_147 = arith.constant 0 : i32
    %dma_start3A_148 = arith.constant 0 : i32
    %dma_start3A_149 = tpu.memref_slice %arg7[%dma_start3A_145, %dma_start3A_147, %dma_start3A_148] : memref<2x128x128xf32, #tpu.memory_space<vmem>> -> memref<1x128x128xf32, #tpu.memory_space<vmem>>
    %dma_start3A_150 = tpu.memref_squeeze %dma_start3A_149 : memref<1x128x128xf32, #tpu.memory_space<vmem>> -> memref<128x128xf32, #tpu.memory_space<vmem>>
    %dma_start3A_151 = arith.constant 0 : i32
    %dma_start3A_152 = tpu.memref_slice %arg6[%dma_start3A_143, %dma_start3A_144, %dma_start3A_151] : memref<4x2x128xi32, #tpu.memory_space<vmem>> -> memref<1x1x128xi32, #tpu.memory_space<vmem>>
    %dma_start3A_153 = tpu.memref_squeeze %dma_start3A_152 : memref<1x1x128xi32, #tpu.memory_space<vmem>> -> memref<128xi32, #tpu.memory_space<vmem>>
    %dma_start3A_154 = arith.constant 0 : i32
    %dma_start3A_155 = arith.constant 0 : i32
    %dma_start3A_156 = tpu.memref_slice %arg2[%dma_start3A_154, %dma_start3A_155] : memref<10240x128xf32, #tpu.memory_space<hbm>> -> memref<10240x128xf32, #tpu.memory_space<hbm>>
    %dma_start3A_157 = tpu.memref_slice %arg9[%dma_start3A_146] : memref<2x!tpu.dma_semaphore, #tpu.memory_space<semaphore_mem>> -> memref<1x!tpu.dma_semaphore, #tpu.memory_space<semaphore_mem>>
    %dma_start3A_158 = tpu.memref_squeeze %dma_start3A_157 : memref<1x!tpu.dma_semaphore, #tpu.memory_space<semaphore_mem>> -> memref<!tpu.dma_semaphore, #tpu.memory_space<semaphore_mem>>
    tpu.enqueue_indirect_dma source(%dma_start3A_156 : memref<10240x128xf32, #tpu.memory_space<hbm>>) target(%dma_start3A_150 : memref<128x128xf32, #tpu.memory_space<vmem>>) offsets(%dma_start3A_153 : memref<128xi32, #tpu.memory_space<vmem>>) semaphore(%dma_start3A_158 : memref<!tpu.dma_semaphore, #tpu.memory_space<semaphore_mem>>)
    %scan3A = arith.constant 0 : i32
    %scan3A_159 = arith.constant 20 : i32
    %scan3A_160 = arith.addi %scan3A, %scan3A_159 : i32
    %scan3A_161 = arith.constant 1 : i32
    scf.for %scan3A_168 = %scan3A to %scan3A_160 step %scan3A_161  : i32 {
      %mul3A_169 = arith.constant 4 : i32
      %mul3A_170 = arith.muli %scan3A_168, %mul3A_169 : i32
      %add3A_171 = arith.constant 0 : i32
      %add3A_172 = arith.addi %add3A_171, %mul3A_170 : i32
      %add3A_173 = arith.constant 0 : i32
      %add3A_174 = arith.addi %add3A_172, %add3A_173 : i32
      %dma_wait3A_175 = arith.constant 0 : i32
      %dma_wait3A_176 = arith.constant 0 : i32
      %dma_wait3A_177 = arith.constant 0 : i32
      %dma_wait3A_178 = arith.constant 0 : i32
      %dma_wait3A_179 = arith.constant 0 : i32
      %dma_wait3A_180 = arith.constant 0 : i32
      %dma_wait3A_181 = tpu.memref_slice %arg7[%dma_wait3A_177, %dma_wait3A_179, %dma_wait3A_180] : memref<2x128x128xf32, #tpu.memory_space<vmem>> -> memref<1x128x128xf32, #tpu.memory_space<vmem>>
      %dma_wait3A_182 = tpu.memref_squeeze %dma_wait3A_181 : memref<1x128x128xf32, #tpu.memory_space<vmem>> -> memref<128x128xf32, #tpu.memory_space<vmem>>
      %dma_wait3A_183 = arith.constant 0 : i32
      %dma_wait3A_184 = tpu.memref_slice %arg6[%dma_wait3A_175, %dma_wait3A_176, %dma_wait3A_183] : memref<4x2x128xi32, #tpu.memory_space<vmem>> -> memref<1x1x128xi32, #tpu.memory_space<vmem>>
      %dma_wait3A_185 = tpu.memref_squeeze %dma_wait3A_184 : memref<1x1x128xi32, #tpu.memory_space<vmem>> -> memref<128xi32, #tpu.memory_space<vmem>>
      %dma_wait3A_186 = arith.constant 0 : i32
      %dma_wait3A_187 = arith.constant 0 : i32
      %dma_wait3A_188 = tpu.memref_slice %arg2[%dma_wait3A_186, %dma_wait3A_187] : memref<10240x128xf32, #tpu.memory_space<hbm>> -> memref<10240x128xf32, #tpu.memory_space<hbm>>
      %dma_wait3A_189 = tpu.memref_slice %arg9[%dma_wait3A_178] : memref<2x!tpu.dma_semaphore, #tpu.memory_space<semaphore_mem>> -> memref<1x!tpu.dma_semaphore, #tpu.memory_space<semaphore_mem>>
      %dma_wait3A_190 = tpu.memref_squeeze %dma_wait3A_189 : memref<1x!tpu.dma_semaphore, #tpu.memory_space<semaphore_mem>> -> memref<!tpu.dma_semaphore, #tpu.memory_space<semaphore_mem>>
      tpu.wait_indirect_dma semaphore(%dma_wait3A_190 : memref<!tpu.dma_semaphore, #tpu.memory_space<semaphore_mem>>) src(%dma_wait3A_188 : memref<10240x128xf32, #tpu.memory_space<hbm>>) dst(%dma_wait3A_182 : memref<128x128xf32, #tpu.memory_space<vmem>>)
      %dma_start3A_191 = arith.constant 0 : i32
      %dma_start3A_192 = arith.constant 0 : i32
      %dma_start3A_193 = arith.constant 1 : i32
      %dma_start3A_194 = arith.constant 0 : i32
      %dma_start3A_195 = arith.constant 0 : i32
      %dma_start3A_196 = arith.constant 0 : i32
      %dma_start3A_197 = tpu.memref_slice %arg7[%dma_start3A_191, %dma_start3A_195, %dma_start3A_196] : memref<2x128x128xf32, #tpu.memory_space<vmem>> -> memref<1x128x128xf32, #tpu.memory_space<vmem>>
      %dma_start3A_198 = tpu.memref_squeeze %dma_start3A_197 : memref<1x128x128xf32, #tpu.memory_space<vmem>> -> memref<128x128xf32, #tpu.memory_space<vmem>>
      %dma_start3A_199 = arith.constant 0 : i32
      %dma_start3A_200 = tpu.memref_slice %arg6[%dma_start3A_192, %dma_start3A_193, %dma_start3A_199] : memref<4x2x128xi32, #tpu.memory_space<vmem>> -> memref<1x1x128xi32, #tpu.memory_space<vmem>>
      %dma_start3A_201 = tpu.memref_squeeze %dma_start3A_200 : memref<1x1x128xi32, #tpu.memory_space<vmem>> -> memref<128xi32, #tpu.memory_space<vmem>>
      %dma_start3A_202 = arith.constant 0 : i32
      %dma_start3A_203 = arith.constant 0 : i32
      %dma_start3A_204 = tpu.memref_slice %arg8[%dma_start3A_202, %dma_start3A_203] : memref<10240x128xf32, #tpu.memory_space<vmem_shared>> -> memref<10240x128xf32, #tpu.memory_space<vmem_shared>>
      %dma_start3A_205 = tpu.memref_slice %arg10[%dma_start3A_194] : memref<2x!tpu.dma_semaphore, #tpu.memory_space<semaphore_mem>> -> memref<1x!tpu.dma_semaphore, #tpu.memory_space<semaphore_mem>>
      %dma_start3A_206 = tpu.memref_squeeze %dma_start3A_205 : memref<1x!tpu.dma_semaphore, #tpu.memory_space<semaphore_mem>> -> memref<!tpu.dma_semaphore, #tpu.memory_space<semaphore_mem>>
      tpu.enqueue_indirect_dma source(%dma_start3A_198 : memref<128x128xf32, #tpu.memory_space<vmem>>) target(%dma_start3A_204 : memref<10240x128xf32, #tpu.memory_space<vmem_shared>>) offsets(%dma_start3A_201 : memref<128xi32, #tpu.memory_space<vmem>>) semaphore(%dma_start3A_206 : memref<!tpu.dma_semaphore, #tpu.memory_space<semaphore_mem>>) {add = true}
      %dma_wait3A_207 = arith.constant 0 : i32
      %dma_wait3A_208 = arith.constant 0 : i32
      %dma_wait3A_209 = arith.constant 1 : i32
      %dma_wait3A_210 = arith.constant 0 : i32
      %dma_wait3A_211 = arith.constant 0 : i32
      %dma_wait3A_212 = arith.constant 0 : i32
      %dma_wait3A_213 = tpu.memref_slice %arg7[%dma_wait3A_207, %dma_wait3A_211, %dma_wait3A_212] : memref<2x128x128xf32, #tpu.memory_space<vmem>> -> memref<1x128x128xf32, #tpu.memory_space<vmem>>
      %dma_wait3A_214 = tpu.memref_squeeze %dma_wait3A_213 : memref<1x128x128xf32, #tpu.memory_space<vmem>> -> memref<128x128xf32, #tpu.memory_space<vmem>>
      %dma_wait3A_215 = arith.constant 0 : i32
      %dma_wait3A_216 = tpu.memref_slice %arg6[%dma_wait3A_208, %dma_wait3A_209, %dma_wait3A_215] : memref<4x2x128xi32, #tpu.memory_space<vmem>> -> memref<1x1x128xi32, #tpu.memory_space<vmem>>
      %dma_wait3A_217 = tpu.memref_squeeze %dma_wait3A_216 : memref<1x1x128xi32, #tpu.memory_space<vmem>> -> memref<128xi32, #tpu.memory_space<vmem>>
      %dma_wait3A_218 = arith.constant 0 : i32
      %dma_wait3A_219 = arith.constant 0 : i32
      %dma_wait3A_220 = tpu.memref_slice %arg8[%dma_wait3A_218, %dma_wait3A_219] : memref<10240x128xf32, #tpu.memory_space<vmem_shared>> -> memref<10240x128xf32, #tpu.memory_space<vmem_shared>>
      %dma_wait3A_221 = tpu.memref_slice %arg10[%dma_wait3A_210] : memref<2x!tpu.dma_semaphore, #tpu.memory_space<semaphore_mem>> -> memref<1x!tpu.dma_semaphore, #tpu.memory_space<semaphore_mem>>
      %dma_wait3A_222 = tpu.memref_squeeze %dma_wait3A_221 : memref<1x!tpu.dma_semaphore, #tpu.memory_space<semaphore_mem>> -> memref<!tpu.dma_semaphore, #tpu.memory_space<semaphore_mem>>
      tpu.wait_indirect_dma semaphore(%dma_wait3A_222 : memref<!tpu.dma_semaphore, #tpu.memory_space<semaphore_mem>>) src(%dma_wait3A_214 : memref<128x128xf32, #tpu.memory_space<vmem>>) dst(%dma_wait3A_220 : memref<10240x128xf32, #tpu.memory_space<vmem_shared>>)
      %add3A_223 = arith.constant 4 : i32
      %add3A_224 = arith.addi %add3A_174, %add3A_223 : i32
      %lt3A = arith.constant 80 : i32
      %lt3A_225 = arith.cmpi slt, %add3A_224, %lt3A : i32
      %convert_element_type3A = arith.extui %lt3A_225 : i1 to i32
      %cond3A = arith.constant 0 : i32
      %cond3A_226 = arith.cmpi ne, %convert_element_type3A, %cond3A : i32
      scf.if %cond3A_226 {
        %add3A_426 = arith.constant 4 : i32
        %add3A_427 = arith.addi %add3A_174, %add3A_426 : i32
        %dma_start3A_428 = arith.constant 0 : i32
        %dma_start3A_429 = arith.constant 0 : i32
        %dma_start3A_430 = arith.constant 0 : i32
        %dma_start3A_431 = arith.constant 0 : i32
        %dma_start3A_432 = tpu.memref_slice %arg6[%dma_start3A_428, %dma_start3A_430, %dma_start3A_431] : memref<4x2x128xi32, #tpu.memory_space<vmem>> -> memref<1x2x128xi32, #tpu.memory_space<vmem>>
        %dma_start3A_433 = tpu.memref_squeeze %dma_start3A_432 : memref<1x2x128xi32, #tpu.memory_space<vmem>> -> memref<2x128xi32, #tpu.memory_space<vmem>>
        %dma_start3A_434 = arith.constant 0 : i32
        %dma_start3A_435 = arith.constant 0 : i32
        %dma_start3A_436 = tpu.memref_slice %arg3[%add3A, %add3A_427, %dma_start3A_434, %dma_start3A_435] : memref<32x80x2x128xi32, #tpu.memory_space<hbm>> -> memref<1x1x2x128xi32, #tpu.memory_space<hbm>>
        %dma_start3A_437 = tpu.memref_squeeze %dma_start3A_436 : memref<1x1x2x128xi32, #tpu.memory_space<hbm>> -> memref<2x128xi32, #tpu.memory_space<hbm>>
        %dma_start3A_438 = tpu.memref_slice %arg11[%dma_start3A_429] : memref<4x!tpu.dma_semaphore, #tpu.memory_space<semaphore_mem>> -> memref<1x!tpu.dma_semaphore, #tpu.memory_space<semaphore_mem>>
        %dma_start3A_439 = tpu.memref_squeeze %dma_start3A_438 : memref<1x!tpu.dma_semaphore, #tpu.memory_space<semaphore_mem>> -> memref<!tpu.dma_semaphore, #tpu.memory_space<semaphore_mem>>
        %dma_start3A_440 = arith.constant 0 : i32
        %dma_start3A_441 = arith.constant 0 : i32
        %dma_start3A_442 = tpu.memref_slice %arg6[%dma_start3A_428, %dma_start3A_440, %dma_start3A_441] : memref<4x2x128xi32, #tpu.memory_space<vmem>> -> memref<1x2x128xi32, #tpu.memory_space<vmem>>
        %dma_start3A_443 = tpu.memref_squeeze %dma_start3A_442 : memref<1x2x128xi32, #tpu.memory_space<vmem>> -> memref<2x128xi32, #tpu.memory_space<vmem>>
        %dma_start3A_444 = arith.constant 0 : i32
        %dma_start3A_445 = arith.constant 0 : i32
        %dma_start3A_446 = tpu.memref_slice %arg3[%add3A, %add3A_427, %dma_start3A_444, %dma_start3A_445] : memref<32x80x2x128xi32, #tpu.memory_space<hbm>> -> memref<1x1x2x128xi32, #tpu.memory_space<hbm>>
        %dma_start3A_447 = tpu.memref_squeeze %dma_start3A_446 : memref<1x1x2x128xi32, #tpu.memory_space<hbm>> -> memref<2x128xi32, #tpu.memory_space<hbm>>
        tpu.enqueue_dma source(%dma_start3A_447 : memref<2x128xi32, #tpu.memory_space<hbm>>) target(%dma_start3A_443 : memref<2x128xi32, #tpu.memory_space<vmem>>) target_semaphore(%dma_start3A_439 : memref<!tpu.dma_semaphore, #tpu.memory_space<semaphore_mem>>)
      } else {
      }
      %add3A_227 = arith.constant 2 : i32
      %add3A_228 = arith.addi %add3A_174, %add3A_227 : i32
      %lt3A_229 = arith.constant 80 : i32
      %lt3A_230 = arith.cmpi slt, %add3A_228, %lt3A_229 : i32
      %convert_element_type3A_231 = arith.extui %lt3A_230 : i1 to i32
      %cond3A_232 = arith.constant 0 : i32
      %cond3A_233 = arith.cmpi ne, %convert_element_type3A_231, %cond3A_232 : i32
      scf.if %cond3A_233 {
        %add3A_426 = arith.constant 2 : i32
        %add3A_427 = arith.addi %add3A_174, %add3A_426 : i32
        %dma_wait3A_428 = arith.constant 2 : i32
        %dma_wait3A_429 = arith.constant 2 : i32
        %dma_wait3A_430 = arith.constant 0 : i32
        %dma_wait3A_431 = arith.constant 0 : i32
        %dma_wait3A_432 = tpu.memref_slice %arg6[%dma_wait3A_428, %dma_wait3A_430, %dma_wait3A_431] : memref<4x2x128xi32, #tpu.memory_space<vmem>> -> memref<1x2x128xi32, #tpu.memory_space<vmem>>
        %dma_wait3A_433 = tpu.memref_squeeze %dma_wait3A_432 : memref<1x2x128xi32, #tpu.memory_space<vmem>> -> memref<2x128xi32, #tpu.memory_space<vmem>>
        %dma_wait3A_434 = arith.constant 0 : i32
        %dma_wait3A_435 = arith.constant 0 : i32
        %dma_wait3A_436 = tpu.memref_slice %arg3[%add3A, %add3A_427, %dma_wait3A_434, %dma_wait3A_435] : memref<32x80x2x128xi32, #tpu.memory_space<hbm>> -> memref<1x1x2x128xi32, #tpu.memory_space<hbm>>
        %dma_wait3A_437 = tpu.memref_squeeze %dma_wait3A_436 : memref<1x1x2x128xi32, #tpu.memory_space<hbm>> -> memref<2x128xi32, #tpu.memory_space<hbm>>
        %dma_wait3A_438 = tpu.memref_slice %arg11[%dma_wait3A_429] : memref<4x!tpu.dma_semaphore, #tpu.memory_space<semaphore_mem>> -> memref<1x!tpu.dma_semaphore, #tpu.memory_space<semaphore_mem>>
        %dma_wait3A_439 = tpu.memref_squeeze %dma_wait3A_438 : memref<1x!tpu.dma_semaphore, #tpu.memory_space<semaphore_mem>> -> memref<!tpu.dma_semaphore, #tpu.memory_space<semaphore_mem>>
        %dma_wait3A_440 = arith.constant 0 : i32
        %dma_wait3A_441 = arith.constant 0 : i32
        %dma_wait3A_442 = tpu.memref_slice %arg6[%dma_wait3A_428, %dma_wait3A_440, %dma_wait3A_441] : memref<4x2x128xi32, #tpu.memory_space<vmem>> -> memref<1x2x128xi32, #tpu.memory_space<vmem>>
        %dma_wait3A_443 = tpu.memref_squeeze %dma_wait3A_442 : memref<1x2x128xi32, #tpu.memory_space<vmem>> -> memref<2x128xi32, #tpu.memory_space<vmem>>
        %dma_wait3A_444 = arith.constant 0 : i32
        %dma_wait3A_445 = arith.constant 0 : i32
        %dma_wait3A_446 = tpu.memref_slice %arg3[%add3A, %add3A_427, %dma_wait3A_444, %dma_wait3A_445] : memref<32x80x2x128xi32, #tpu.memory_space<hbm>> -> memref<1x1x2x128xi32, #tpu.memory_space<hbm>>
        %dma_wait3A_447 = tpu.memref_squeeze %dma_wait3A_446 : memref<1x1x2x128xi32, #tpu.memory_space<hbm>> -> memref<2x128xi32, #tpu.memory_space<hbm>>
        tpu.wait_dma2 semaphore(%dma_wait3A_439 : memref<!tpu.dma_semaphore, #tpu.memory_space<semaphore_mem>>) src(%dma_wait3A_447 : memref<2x128xi32, #tpu.memory_space<hbm>>) dst(%dma_wait3A_443 : memref<2x128xi32, #tpu.memory_space<vmem>>)
        %dma_start3A_448 = arith.constant 2 : i32
        %dma_start3A_449 = arith.constant 0 : i32
        %dma_start3A_450 = arith.constant 0 : i32
        %dma_start3A_451 = arith.constant 0 : i32
        %dma_start3A_452 = arith.constant 0 : i32
        %dma_start3A_453 = arith.constant 0 : i32
        %dma_start3A_454 = tpu.memref_slice %arg7[%dma_start3A_450, %dma_start3A_452, %dma_start3A_453] : memref<2x128x128xf32, #tpu.memory_space<vmem>> -> memref<1x128x128xf32, #tpu.memory_space<vmem>>
        %dma_start3A_455 = tpu.memref_squeeze %dma_start3A_454 : memref<1x128x128xf32, #tpu.memory_space<vmem>> -> memref<128x128xf32, #tpu.memory_space<vmem>>
        %dma_start3A_456 = arith.constant 0 : i32
        %dma_start3A_457 = tpu.memref_slice %arg6[%dma_start3A_448, %dma_start3A_449, %dma_start3A_456] : memref<4x2x128xi32, #tpu.memory_space<vmem>> -> memref<1x1x128xi32, #tpu.memory_space<vmem>>
        %dma_start3A_458 = tpu.memref_squeeze %dma_start3A_457 : memref<1x1x128xi32, #tpu.memory_space<vmem>> -> memref<128xi32, #tpu.memory_space<vmem>>
        %dma_start3A_459 = arith.constant 0 : i32
        %dma_start3A_460 = arith.constant 0 : i32
        %dma_start3A_461 = tpu.memref_slice %arg2[%dma_start3A_459, %dma_start3A_460] : memref<10240x128xf32, #tpu.memory_space<hbm>> -> memref<10240x128xf32, #tpu.memory_space<hbm>>
        %dma_start3A_462 = tpu.memref_slice %arg9[%dma_start3A_451] : memref<2x!tpu.dma_semaphore, #tpu.memory_space<semaphore_mem>> -> memref<1x!tpu.dma_semaphore, #tpu.memory_space<semaphore_mem>>
        %dma_start3A_463 = tpu.memref_squeeze %dma_start3A_462 : memref<1x!tpu.dma_semaphore, #tpu.memory_space<semaphore_mem>> -> memref<!tpu.dma_semaphore, #tpu.memory_space<semaphore_mem>>
        tpu.enqueue_indirect_dma source(%dma_start3A_461 : memref<10240x128xf32, #tpu.memory_space<hbm>>) target(%dma_start3A_455 : memref<128x128xf32, #tpu.memory_space<vmem>>) offsets(%dma_start3A_458 : memref<128xi32, #tpu.memory_space<vmem>>) semaphore(%dma_start3A_463 : memref<!tpu.dma_semaphore, #tpu.memory_space<semaphore_mem>>)
      } else {
      }
      %add3A_234 = arith.constant 1 : i32
      %add3A_235 = arith.addi %add3A_172, %add3A_234 : i32
      %dma_wait3A_236 = arith.constant 1 : i32
      %dma_wait3A_237 = arith.constant 0 : i32
      %dma_wait3A_238 = arith.constant 1 : i32
      %dma_wait3A_239 = arith.constant 1 : i32
      %dma_wait3A_240 = arith.constant 0 : i32
      %dma_wait3A_241 = arith.constant 0 : i32
      %dma_wait3A_242 = tpu.memref_slice %arg7[%dma_wait3A_238, %dma_wait3A_240, %dma_wait3A_241] : memref<2x128x128xf32, #tpu.memory_space<vmem>> -> memref<1x128x128xf32, #tpu.memory_space<vmem>>
      %dma_wait3A_243 = tpu.memref_squeeze %dma_wait3A_242 : memref<1x128x128xf32, #tpu.memory_space<vmem>> -> memref<128x128xf32, #tpu.memory_space<vmem>>
      %dma_wait3A_244 = arith.constant 0 : i32
      %dma_wait3A_245 = tpu.memref_slice %arg6[%dma_wait3A_236, %dma_wait3A_237, %dma_wait3A_244] : memref<4x2x128xi32, #tpu.memory_space<vmem>> -> memref<1x1x128xi32, #tpu.memory_space<vmem>>
      %dma_wait3A_246 = tpu.memref_squeeze %dma_wait3A_245 : memref<1x1x128xi32, #tpu.memory_space<vmem>> -> memref<128xi32, #tpu.memory_space<vmem>>
      %dma_wait3A_247 = arith.constant 0 : i32
      %dma_wait3A_248 = arith.constant 0 : i32
      %dma_wait3A_249 = tpu.memref_slice %arg2[%dma_wait3A_247, %dma_wait3A_248] : memref<10240x128xf32, #tpu.memory_space<hbm>> -> memref<10240x128xf32, #tpu.memory_space<hbm>>
      %dma_wait3A_250 = tpu.memref_slice %arg9[%dma_wait3A_239] : memref<2x!tpu.dma_semaphore, #tpu.memory_space<semaphore_mem>> -> memref<1x!tpu.dma_semaphore, #tpu.memory_space<semaphore_mem>>
      %dma_wait3A_251 = tpu.memref_squeeze %dma_wait3A_250 : memref<1x!tpu.dma_semaphore, #tpu.memory_space<semaphore_mem>> -> memref<!tpu.dma_semaphore, #tpu.memory_space<semaphore_mem>>
      tpu.wait_indirect_dma semaphore(%dma_wait3A_251 : memref<!tpu.dma_semaphore, #tpu.memory_space<semaphore_mem>>) src(%dma_wait3A_249 : memref<10240x128xf32, #tpu.memory_space<hbm>>) dst(%dma_wait3A_243 : memref<128x128xf32, #tpu.memory_space<vmem>>)
      %dma_start3A_252 = arith.constant 1 : i32
      %dma_start3A_253 = arith.constant 1 : i32
      %dma_start3A_254 = arith.constant 1 : i32
      %dma_start3A_255 = arith.constant 1 : i32
      %dma_start3A_256 = arith.constant 0 : i32
      %dma_start3A_257 = arith.constant 0 : i32
      %dma_start3A_258 = tpu.memref_slice %arg7[%dma_start3A_252, %dma_start3A_256, %dma_start3A_257] : memref<2x128x128xf32, #tpu.memory_space<vmem>> -> memref<1x128x128xf32, #tpu.memory_space<vmem>>
      %dma_start3A_259 = tpu.memref_squeeze %dma_start3A_258 : memref<1x128x128xf32, #tpu.memory_space<vmem>> -> memref<128x128xf32, #tpu.memory_space<vmem>>
      %dma_start3A_260 = arith.constant 0 : i32
      %dma_start3A_261 = tpu.memref_slice %arg6[%dma_start3A_253, %dma_start3A_254, %dma_start3A_260] : memref<4x2x128xi32, #tpu.memory_space<vmem>> -> memref<1x1x128xi32, #tpu.memory_space<vmem>>
      %dma_start3A_262 = tpu.memref_squeeze %dma_start3A_261 : memref<1x1x128xi32, #tpu.memory_space<vmem>> -> memref<128xi32, #tpu.memory_space<vmem>>
      %dma_start3A_263 = arith.constant 0 : i32
      %dma_start3A_264 = arith.constant 0 : i32
      %dma_start3A_265 = tpu.memref_slice %arg8[%dma_start3A_263, %dma_start3A_264] : memref<10240x128xf32, #tpu.memory_space<vmem_shared>> -> memref<10240x128xf32, #tpu.memory_space<vmem_shared>>
      %dma_start3A_266 = tpu.memref_slice %arg10[%dma_start3A_255] : memref<2x!tpu.dma_semaphore, #tpu.memory_space<semaphore_mem>> -> memref<1x!tpu.dma_semaphore, #tpu.memory_space<semaphore_mem>>
      %dma_start3A_267 = tpu.memref_squeeze %dma_start3A_266 : memref<1x!tpu.dma_semaphore, #tpu.memory_space<semaphore_mem>> -> memref<!tpu.dma_semaphore, #tpu.memory_space<semaphore_mem>>
      tpu.enqueue_indirect_dma source(%dma_start3A_259 : memref<128x128xf32, #tpu.memory_space<vmem>>) target(%dma_start3A_265 : memref<10240x128xf32, #tpu.memory_space<vmem_shared>>) offsets(%dma_start3A_262 : memref<128xi32, #tpu.memory_space<vmem>>) semaphore(%dma_start3A_267 : memref<!tpu.dma_semaphore, #tpu.memory_space<semaphore_mem>>) {add = true}
      %dma_wait3A_268 = arith.constant 1 : i32
      %dma_wait3A_269 = arith.constant 1 : i32
      %dma_wait3A_270 = arith.constant 1 : i32
      %dma_wait3A_271 = arith.constant 1 : i32
      %dma_wait3A_272 = arith.constant 0 : i32
      %dma_wait3A_273 = arith.constant 0 : i32
      %dma_wait3A_274 = tpu.memref_slice %arg7[%dma_wait3A_268, %dma_wait3A_272, %dma_wait3A_273] : memref<2x128x128xf32, #tpu.memory_space<vmem>> -> memref<1x128x128xf32, #tpu.memory_space<vmem>>
      %dma_wait3A_275 = tpu.memref_squeeze %dma_wait3A_274 : memref<1x128x128xf32, #tpu.memory_space<vmem>> -> memref<128x128xf32, #tpu.memory_space<vmem>>
      %dma_wait3A_276 = arith.constant 0 : i32
      %dma_wait3A_277 = tpu.memref_slice %arg6[%dma_wait3A_269, %dma_wait3A_270, %dma_wait3A_276] : memref<4x2x128xi32, #tpu.memory_space<vmem>> -> memref<1x1x128xi32, #tpu.memory_space<vmem>>
      %dma_wait3A_278 = tpu.memref_squeeze %dma_wait3A_277 : memref<1x1x128xi32, #tpu.memory_space<vmem>> -> memref<128xi32, #tpu.memory_space<vmem>>
      %dma_wait3A_279 = arith.constant 0 : i32
      %dma_wait3A_280 = arith.constant 0 : i32
      %dma_wait3A_281 = tpu.memref_slice %arg8[%dma_wait3A_279, %dma_wait3A_280] : memref<10240x128xf32, #tpu.memory_space<vmem_shared>> -> memref<10240x128xf32, #tpu.memory_space<vmem_shared>>
      %dma_wait3A_282 = tpu.memref_slice %arg10[%dma_wait3A_271] : memref<2x!tpu.dma_semaphore, #tpu.memory_space<semaphore_mem>> -> memref<1x!tpu.dma_semaphore, #tpu.memory_space<semaphore_mem>>
      %dma_wait3A_283 = tpu.memref_squeeze %dma_wait3A_282 : memref<1x!tpu.dma_semaphore, #tpu.memory_space<semaphore_mem>> -> memref<!tpu.dma_semaphore, #tpu.memory_space<semaphore_mem>>
      tpu.wait_indirect_dma semaphore(%dma_wait3A_283 : memref<!tpu.dma_semaphore, #tpu.memory_space<semaphore_mem>>) src(%dma_wait3A_275 : memref<128x128xf32, #tpu.memory_space<vmem>>) dst(%dma_wait3A_281 : memref<10240x128xf32, #tpu.memory_space<vmem_shared>>)
      %add3A_284 = arith.constant 4 : i32
      %add3A_285 = arith.addi %add3A_235, %add3A_284 : i32
      %lt3A_286 = arith.constant 80 : i32
      %lt3A_287 = arith.cmpi slt, %add3A_285, %lt3A_286 : i32
      %convert_element_type3A_288 = arith.extui %lt3A_287 : i1 to i32
      %cond3A_289 = arith.constant 0 : i32
      %cond3A_290 = arith.cmpi ne, %convert_element_type3A_288, %cond3A_289 : i32
      scf.if %cond3A_290 {
        %add3A_426 = arith.constant 4 : i32
        %add3A_427 = arith.addi %add3A_235, %add3A_426 : i32
        %dma_start3A_428 = arith.constant 1 : i32
        %dma_start3A_429 = arith.constant 1 : i32
        %dma_start3A_430 = arith.constant 0 : i32
        %dma_start3A_431 = arith.constant 0 : i32
        %dma_start3A_432 = tpu.memref_slice %arg6[%dma_start3A_428, %dma_start3A_430, %dma_start3A_431] : memref<4x2x128xi32, #tpu.memory_space<vmem>> -> memref<1x2x128xi32, #tpu.memory_space<vmem>>
        %dma_start3A_433 = tpu.memref_squeeze %dma_start3A_432 : memref<1x2x128xi32, #tpu.memory_space<vmem>> -> memref<2x128xi32, #tpu.memory_space<vmem>>
        %dma_start3A_434 = arith.constant 0 : i32
        %dma_start3A_435 = arith.constant 0 : i32
        %dma_start3A_436 = tpu.memref_slice %arg3[%add3A, %add3A_427, %dma_start3A_434, %dma_start3A_435] : memref<32x80x2x128xi32, #tpu.memory_space<hbm>> -> memref<1x1x2x128xi32, #tpu.memory_space<hbm>>
        %dma_start3A_437 = tpu.memref_squeeze %dma_start3A_436 : memref<1x1x2x128xi32, #tpu.memory_space<hbm>> -> memref<2x128xi32, #tpu.memory_space<hbm>>
        %dma_start3A_438 = tpu.memref_slice %arg11[%dma_start3A_429] : memref<4x!tpu.dma_semaphore, #tpu.memory_space<semaphore_mem>> -> memref<1x!tpu.dma_semaphore, #tpu.memory_space<semaphore_mem>>
        %dma_start3A_439 = tpu.memref_squeeze %dma_start3A_438 : memref<1x!tpu.dma_semaphore, #tpu.memory_space<semaphore_mem>> -> memref<!tpu.dma_semaphore, #tpu.memory_space<semaphore_mem>>
        %dma_start3A_440 = arith.constant 0 : i32
        %dma_start3A_441 = arith.constant 0 : i32
        %dma_start3A_442 = tpu.memref_slice %arg6[%dma_start3A_428, %dma_start3A_440, %dma_start3A_441] : memref<4x2x128xi32, #tpu.memory_space<vmem>> -> memref<1x2x128xi32, #tpu.memory_space<vmem>>
        %dma_start3A_443 = tpu.memref_squeeze %dma_start3A_442 : memref<1x2x128xi32, #tpu.memory_space<vmem>> -> memref<2x128xi32, #tpu.memory_space<vmem>>
        %dma_start3A_444 = arith.constant 0 : i32
        %dma_start3A_445 = arith.constant 0 : i32
        %dma_start3A_446 = tpu.memref_slice %arg3[%add3A, %add3A_427, %dma_start3A_444, %dma_start3A_445] : memref<32x80x2x128xi32, #tpu.memory_space<hbm>> -> memref<1x1x2x128xi32, #tpu.memory_space<hbm>>
        %dma_start3A_447 = tpu.memref_squeeze %dma_start3A_446 : memref<1x1x2x128xi32, #tpu.memory_space<hbm>> -> memref<2x128xi32, #tpu.memory_space<hbm>>
        tpu.enqueue_dma source(%dma_start3A_447 : memref<2x128xi32, #tpu.memory_space<hbm>>) target(%dma_start3A_443 : memref<2x128xi32, #tpu.memory_space<vmem>>) target_semaphore(%dma_start3A_439 : memref<!tpu.dma_semaphore, #tpu.memory_space<semaphore_mem>>)
      } else {
      }
      %add3A_291 = arith.constant 2 : i32
      %add3A_292 = arith.addi %add3A_235, %add3A_291 : i32
      %lt3A_293 = arith.constant 80 : i32
      %lt3A_294 = arith.cmpi slt, %add3A_292, %lt3A_293 : i32
      %convert_element_type3A_295 = arith.extui %lt3A_294 : i1 to i32
      %cond3A_296 = arith.constant 0 : i32
      %cond3A_297 = arith.cmpi ne, %convert_element_type3A_295, %cond3A_296 : i32
      scf.if %cond3A_297 {
        %add3A_426 = arith.constant 2 : i32
        %add3A_427 = arith.addi %add3A_235, %add3A_426 : i32
        %dma_wait3A_428 = arith.constant 3 : i32
        %dma_wait3A_429 = arith.constant 3 : i32
        %dma_wait3A_430 = arith.constant 0 : i32
        %dma_wait3A_431 = arith.constant 0 : i32
        %dma_wait3A_432 = tpu.memref_slice %arg6[%dma_wait3A_428, %dma_wait3A_430, %dma_wait3A_431] : memref<4x2x128xi32, #tpu.memory_space<vmem>> -> memref<1x2x128xi32, #tpu.memory_space<vmem>>
        %dma_wait3A_433 = tpu.memref_squeeze %dma_wait3A_432 : memref<1x2x128xi32, #tpu.memory_space<vmem>> -> memref<2x128xi32, #tpu.memory_space<vmem>>
        %dma_wait3A_434 = arith.constant 0 : i32
        %dma_wait3A_435 = arith.constant 0 : i32
        %dma_wait3A_436 = tpu.memref_slice %arg3[%add3A, %add3A_427, %dma_wait3A_434, %dma_wait3A_435] : memref<32x80x2x128xi32, #tpu.memory_space<hbm>> -> memref<1x1x2x128xi32, #tpu.memory_space<hbm>>
        %dma_wait3A_437 = tpu.memref_squeeze %dma_wait3A_436 : memref<1x1x2x128xi32, #tpu.memory_space<hbm>> -> memref<2x128xi32, #tpu.memory_space<hbm>>
        %dma_wait3A_438 = tpu.memref_slice %arg11[%dma_wait3A_429] : memref<4x!tpu.dma_semaphore, #tpu.memory_space<semaphore_mem>> -> memref<1x!tpu.dma_semaphore, #tpu.memory_space<semaphore_mem>>
        %dma_wait3A_439 = tpu.memref_squeeze %dma_wait3A_438 : memref<1x!tpu.dma_semaphore, #tpu.memory_space<semaphore_mem>> -> memref<!tpu.dma_semaphore, #tpu.memory_space<semaphore_mem>>
        %dma_wait3A_440 = arith.constant 0 : i32
        %dma_wait3A_441 = arith.constant 0 : i32
        %dma_wait3A_442 = tpu.memref_slice %arg6[%dma_wait3A_428, %dma_wait3A_440, %dma_wait3A_441] : memref<4x2x128xi32, #tpu.memory_space<vmem>> -> memref<1x2x128xi32, #tpu.memory_space<vmem>>
        %dma_wait3A_443 = tpu.memref_squeeze %dma_wait3A_442 : memref<1x2x128xi32, #tpu.memory_space<vmem>> -> memref<2x128xi32, #tpu.memory_space<vmem>>
        %dma_wait3A_444 = arith.constant 0 : i32
        %dma_wait3A_445 = arith.constant 0 : i32
        %dma_wait3A_446 = tpu.memref_slice %arg3[%add3A, %add3A_427, %dma_wait3A_444, %dma_wait3A_445] : memref<32x80x2x128xi32, #tpu.memory_space<hbm>> -> memref<1x1x2x128xi32, #tpu.memory_space<hbm>>
        %dma_wait3A_447 = tpu.memref_squeeze %dma_wait3A_446 : memref<1x1x2x128xi32, #tpu.memory_space<hbm>> -> memref<2x128xi32, #tpu.memory_space<hbm>>
        tpu.wait_dma2 semaphore(%dma_wait3A_439 : memref<!tpu.dma_semaphore, #tpu.memory_space<semaphore_mem>>) src(%dma_wait3A_447 : memref<2x128xi32, #tpu.memory_space<hbm>>) dst(%dma_wait3A_443 : memref<2x128xi32, #tpu.memory_space<vmem>>)
        %dma_start3A_448 = arith.constant 3 : i32
        %dma_start3A_449 = arith.constant 0 : i32
        %dma_start3A_450 = arith.constant 1 : i32
        %dma_start3A_451 = arith.constant 1 : i32
        %dma_start3A_452 = arith.constant 0 : i32
        %dma_start3A_453 = arith.constant 0 : i32
        %dma_start3A_454 = tpu.memref_slice %arg7[%dma_start3A_450, %dma_start3A_452, %dma_start3A_453] : memref<2x128x128xf32, #tpu.memory_space<vmem>> -> memref<1x128x128xf32, #tpu.memory_space<vmem>>
        %dma_start3A_455 = tpu.memref_squeeze %dma_start3A_454 : memref<1x128x128xf32, #tpu.memory_space<vmem>> -> memref<128x128xf32, #tpu.memory_space<vmem>>
        %dma_start3A_456 = arith.constant 0 : i32
        %dma_start3A_457 = tpu.memref_slice %arg6[%dma_start3A_448, %dma_start3A_449, %dma_start3A_456] : memref<4x2x128xi32, #tpu.memory_space<vmem>> -> memref<1x1x128xi32, #tpu.memory_space<vmem>>
        %dma_start3A_458 = tpu.memref_squeeze %dma_start3A_457 : memref<1x1x128xi32, #tpu.memory_space<vmem>> -> memref<128xi32, #tpu.memory_space<vmem>>
        %dma_start3A_459 = arith.constant 0 : i32
        %dma_start3A_460 = arith.constant 0 : i32
        %dma_start3A_461 = tpu.memref_slice %arg2[%dma_start3A_459, %dma_start3A_460] : memref<10240x128xf32, #tpu.memory_space<hbm>> -> memref<10240x128xf32, #tpu.memory_space<hbm>>
        %dma_start3A_462 = tpu.memref_slice %arg9[%dma_start3A_451] : memref<2x!tpu.dma_semaphore, #tpu.memory_space<semaphore_mem>> -> memref<1x!tpu.dma_semaphore, #tpu.memory_space<semaphore_mem>>
        %dma_start3A_463 = tpu.memref_squeeze %dma_start3A_462 : memref<1x!tpu.dma_semaphore, #tpu.memory_space<semaphore_mem>> -> memref<!tpu.dma_semaphore, #tpu.memory_space<semaphore_mem>>
        tpu.enqueue_indirect_dma source(%dma_start3A_461 : memref<10240x128xf32, #tpu.memory_space<hbm>>) target(%dma_start3A_455 : memref<128x128xf32, #tpu.memory_space<vmem>>) offsets(%dma_start3A_458 : memref<128xi32, #tpu.memory_space<vmem>>) semaphore(%dma_start3A_463 : memref<!tpu.dma_semaphore, #tpu.memory_space<semaphore_mem>>)
      } else {
      }
      %add3A_298 = arith.constant 2 : i32
      %add3A_299 = arith.addi %add3A_172, %add3A_298 : i32
      %dma_wait3A_300 = arith.constant 2 : i32
      %dma_wait3A_301 = arith.constant 0 : i32
      %dma_wait3A_302 = arith.constant 0 : i32
      %dma_wait3A_303 = arith.constant 0 : i32
      %dma_wait3A_304 = arith.constant 0 : i32
      %dma_wait3A_305 = arith.constant 0 : i32
      %dma_wait3A_306 = tpu.memref_slice %arg7[%dma_wait3A_302, %dma_wait3A_304, %dma_wait3A_305] : memref<2x128x128xf32, #tpu.memory_space<vmem>> -> memref<1x128x128xf32, #tpu.memory_space<vmem>>
      %dma_wait3A_307 = tpu.memref_squeeze %dma_wait3A_306 : memref<1x128x128xf32, #tpu.memory_space<vmem>> -> memref<128x128xf32, #tpu.memory_space<vmem>>
      %dma_wait3A_308 = arith.constant 0 : i32
      %dma_wait3A_309 = tpu.memref_slice %arg6[%dma_wait3A_300, %dma_wait3A_301, %dma_wait3A_308] : memref<4x2x128xi32, #tpu.memory_space<vmem>> -> memref<1x1x128xi32, #tpu.memory_space<vmem>>
      %dma_wait3A_310 = tpu.memref_squeeze %dma_wait3A_309 : memref<1x1x128xi32, #tpu.memory_space<vmem>> -> memref<128xi32, #tpu.memory_space<vmem>>
      %dma_wait3A_311 = arith.constant 0 : i32
      %dma_wait3A_312 = arith.constant 0 : i32
      %dma_wait3A_313 = tpu.memref_slice %arg2[%dma_wait3A_311, %dma_wait3A_312] : memref<10240x128xf32, #tpu.memory_space<hbm>> -> memref<10240x128xf32, #tpu.memory_space<hbm>>
      %dma_wait3A_314 = tpu.memref_slice %arg9[%dma_wait3A_303] : memref<2x!tpu.dma_semaphore, #tpu.memory_space<semaphore_mem>> -> memref<1x!tpu.dma_semaphore, #tpu.memory_space<semaphore_mem>>
      %dma_wait3A_315 = tpu.memref_squeeze %dma_wait3A_314 : memref<1x!tpu.dma_semaphore, #tpu.memory_space<semaphore_mem>> -> memref<!tpu.dma_semaphore, #tpu.memory_space<semaphore_mem>>
      tpu.wait_indirect_dma semaphore(%dma_wait3A_315 : memref<!tpu.dma_semaphore, #tpu.memory_space<semaphore_mem>>) src(%dma_wait3A_313 : memref<10240x128xf32, #tpu.memory_space<hbm>>) dst(%dma_wait3A_307 : memref<128x128xf32, #tpu.memory_space<vmem>>)
      %dma_start3A_316 = arith.constant 0 : i32
      %dma_start3A_317 = arith.constant 2 : i32
      %dma_start3A_318 = arith.constant 1 : i32
      %dma_start3A_319 = arith.constant 0 : i32
      %dma_start3A_320 = arith.constant 0 : i32
      %dma_start3A_321 = arith.constant 0 : i32
      %dma_start3A_322 = tpu.memref_slice %arg7[%dma_start3A_316, %dma_start3A_320, %dma_start3A_321] : memref<2x128x128xf32, #tpu.memory_space<vmem>> -> memref<1x128x128xf32, #tpu.memory_space<vmem>>
      %dma_start3A_323 = tpu.memref_squeeze %dma_start3A_322 : memref<1x128x128xf32, #tpu.memory_space<vmem>> -> memref<128x128xf32, #tpu.memory_space<vmem>>
      %dma_start3A_324 = arith.constant 0 : i32
      %dma_start3A_325 = tpu.memref_slice %arg6[%dma_start3A_317, %dma_start3A_318, %dma_start3A_324] : memref<4x2x128xi32, #tpu.memory_space<vmem>> -> memref<1x1x128xi32, #tpu.memory_space<vmem>>
      %dma_start3A_326 = tpu.memref_squeeze %dma_start3A_325 : memref<1x1x128xi32, #tpu.memory_space<vmem>> -> memref<128xi32, #tpu.memory_space<vmem>>
      %dma_start3A_327 = arith.constant 0 : i32
      %dma_start3A_328 = arith.constant 0 : i32
      %dma_start3A_329 = tpu.memref_slice %arg8[%dma_start3A_327, %dma_start3A_328] : memref<10240x128xf32, #tpu.memory_space<vmem_shared>> -> memref<10240x128xf32, #tpu.memory_space<vmem_shared>>
      %dma_start3A_330 = tpu.memref_slice %arg10[%dma_start3A_319] : memref<2x!tpu.dma_semaphore, #tpu.memory_space<semaphore_mem>> -> memref<1x!tpu.dma_semaphore, #tpu.memory_space<semaphore_mem>>
      %dma_start3A_331 = tpu.memref_squeeze %dma_start3A_330 : memref<1x!tpu.dma_semaphore, #tpu.memory_space<semaphore_mem>> -> memref<!tpu.dma_semaphore, #tpu.memory_space<semaphore_mem>>
      tpu.enqueue_indirect_dma source(%dma_start3A_323 : memref<128x128xf32, #tpu.memory_space<vmem>>) target(%dma_start3A_329 : memref<10240x128xf32, #tpu.memory_space<vmem_shared>>) offsets(%dma_start3A_326 : memref<128xi32, #tpu.memory_space<vmem>>) semaphore(%dma_start3A_331 : memref<!tpu.dma_semaphore, #tpu.memory_space<semaphore_mem>>) {add = true}
      %dma_wait3A_332 = arith.constant 0 : i32
      %dma_wait3A_333 = arith.constant 2 : i32
      %dma_wait3A_334 = arith.constant 1 : i32
      %dma_wait3A_335 = arith.constant 0 : i32
      %dma_wait3A_336 = arith.constant 0 : i32
      %dma_wait3A_337 = arith.constant 0 : i32
      %dma_wait3A_338 = tpu.memref_slice %arg7[%dma_wait3A_332, %dma_wait3A_336, %dma_wait3A_337] : memref<2x128x128xf32, #tpu.memory_space<vmem>> -> memref<1x128x128xf32, #tpu.memory_space<vmem>>
      %dma_wait3A_339 = tpu.memref_squeeze %dma_wait3A_338 : memref<1x128x128xf32, #tpu.memory_space<vmem>> -> memref<128x128xf32, #tpu.memory_space<vmem>>
      %dma_wait3A_340 = arith.constant 0 : i32
      %dma_wait3A_341 = tpu.memref_slice %arg6[%dma_wait3A_333, %dma_wait3A_334, %dma_wait3A_340] : memref<4x2x128xi32, #tpu.memory_space<vmem>> -> memref<1x1x128xi32, #tpu.memory_space<vmem>>
      %dma_wait3A_342 = tpu.memref_squeeze %dma_wait3A_341 : memref<1x1x128xi32, #tpu.memory_space<vmem>> -> memref<128xi32, #tpu.memory_space<vmem>>
      %dma_wait3A_343 = arith.constant 0 : i32
      %dma_wait3A_344 = arith.constant 0 : i32
      %dma_wait3A_345 = tpu.memref_slice %arg8[%dma_wait3A_343, %dma_wait3A_344] : memref<10240x128xf32, #tpu.memory_space<vmem_shared>> -> memref<10240x128xf32, #tpu.memory_space<vmem_shared>>
      %dma_wait3A_346 = tpu.memref_slice %arg10[%dma_wait3A_335] : memref<2x!tpu.dma_semaphore, #tpu.memory_space<semaphore_mem>> -> memref<1x!tpu.dma_semaphore, #tpu.memory_space<semaphore_mem>>
      %dma_wait3A_347 = tpu.memref_squeeze %dma_wait3A_346 : memref<1x!tpu.dma_semaphore, #tpu.memory_space<semaphore_mem>> -> memref<!tpu.dma_semaphore, #tpu.memory_space<semaphore_mem>>
      tpu.wait_indirect_dma semaphore(%dma_wait3A_347 : memref<!tpu.dma_semaphore, #tpu.memory_space<semaphore_mem>>) src(%dma_wait3A_339 : memref<128x128xf32, #tpu.memory_space<vmem>>) dst(%dma_wait3A_345 : memref<10240x128xf32, #tpu.memory_space<vmem_shared>>)
      %add3A_348 = arith.constant 4 : i32
      %add3A_349 = arith.addi %add3A_299, %add3A_348 : i32
      %lt3A_350 = arith.constant 80 : i32
      %lt3A_351 = arith.cmpi slt, %add3A_349, %lt3A_350 : i32
      %convert_element_type3A_352 = arith.extui %lt3A_351 : i1 to i32
      %cond3A_353 = arith.constant 0 : i32
      %cond3A_354 = arith.cmpi ne, %convert_element_type3A_352, %cond3A_353 : i32
      scf.if %cond3A_354 {
        %add3A_426 = arith.constant 4 : i32
        %add3A_427 = arith.addi %add3A_299, %add3A_426 : i32
        %dma_start3A_428 = arith.constant 2 : i32
        %dma_start3A_429 = arith.constant 2 : i32
        %dma_start3A_430 = arith.constant 0 : i32
        %dma_start3A_431 = arith.constant 0 : i32
        %dma_start3A_432 = tpu.memref_slice %arg6[%dma_start3A_428, %dma_start3A_430, %dma_start3A_431] : memref<4x2x128xi32, #tpu.memory_space<vmem>> -> memref<1x2x128xi32, #tpu.memory_space<vmem>>
        %dma_start3A_433 = tpu.memref_squeeze %dma_start3A_432 : memref<1x2x128xi32, #tpu.memory_space<vmem>> -> memref<2x128xi32, #tpu.memory_space<vmem>>
        %dma_start3A_434 = arith.constant 0 : i32
        %dma_start3A_435 = arith.constant 0 : i32
        %dma_start3A_436 = tpu.memref_slice %arg3[%add3A, %add3A_427, %dma_start3A_434, %dma_start3A_435] : memref<32x80x2x128xi32, #tpu.memory_space<hbm>> -> memref<1x1x2x128xi32, #tpu.memory_space<hbm>>
        %dma_start3A_437 = tpu.memref_squeeze %dma_start3A_436 : memref<1x1x2x128xi32, #tpu.memory_space<hbm>> -> memref<2x128xi32, #tpu.memory_space<hbm>>
        %dma_start3A_438 = tpu.memref_slice %arg11[%dma_start3A_429] : memref<4x!tpu.dma_semaphore, #tpu.memory_space<semaphore_mem>> -> memref<1x!tpu.dma_semaphore, #tpu.memory_space<semaphore_mem>>
        %dma_start3A_439 = tpu.memref_squeeze %dma_start3A_438 : memref<1x!tpu.dma_semaphore, #tpu.memory_space<semaphore_mem>> -> memref<!tpu.dma_semaphore, #tpu.memory_space<semaphore_mem>>
        %dma_start3A_440 = arith.constant 0 : i32
        %dma_start3A_441 = arith.constant 0 : i32
        %dma_start3A_442 = tpu.memref_slice %arg6[%dma_start3A_428, %dma_start3A_440, %dma_start3A_441] : memref<4x2x128xi32, #tpu.memory_space<vmem>> -> memref<1x2x128xi32, #tpu.memory_space<vmem>>
        %dma_start3A_443 = tpu.memref_squeeze %dma_start3A_442 : memref<1x2x128xi32, #tpu.memory_space<vmem>> -> memref<2x128xi32, #tpu.memory_space<vmem>>
        %dma_start3A_444 = arith.constant 0 : i32
        %dma_start3A_445 = arith.constant 0 : i32
        %dma_start3A_446 = tpu.memref_slice %arg3[%add3A, %add3A_427, %dma_start3A_444, %dma_start3A_445] : memref<32x80x2x128xi32, #tpu.memory_space<hbm>> -> memref<1x1x2x128xi32, #tpu.memory_space<hbm>>
        %dma_start3A_447 = tpu.memref_squeeze %dma_start3A_446 : memref<1x1x2x128xi32, #tpu.memory_space<hbm>> -> memref<2x128xi32, #tpu.memory_space<hbm>>
        tpu.enqueue_dma source(%dma_start3A_447 : memref<2x128xi32, #tpu.memory_space<hbm>>) target(%dma_start3A_443 : memref<2x128xi32, #tpu.memory_space<vmem>>) target_semaphore(%dma_start3A_439 : memref<!tpu.dma_semaphore, #tpu.memory_space<semaphore_mem>>)
      } else {
      }
      %add3A_355 = arith.constant 2 : i32
      %add3A_356 = arith.addi %add3A_299, %add3A_355 : i32
      %lt3A_357 = arith.constant 80 : i32
      %lt3A_358 = arith.cmpi slt, %add3A_356, %lt3A_357 : i32
      %convert_element_type3A_359 = arith.extui %lt3A_358 : i1 to i32
      %cond3A_360 = arith.constant 0 : i32
      %cond3A_361 = arith.cmpi ne, %convert_element_type3A_359, %cond3A_360 : i32
      scf.if %cond3A_361 {
        %add3A_426 = arith.constant 2 : i32
        %add3A_427 = arith.addi %add3A_299, %add3A_426 : i32
        %dma_wait3A_428 = arith.constant 0 : i32
        %dma_wait3A_429 = arith.constant 0 : i32
        %dma_wait3A_430 = arith.constant 0 : i32
        %dma_wait3A_431 = arith.constant 0 : i32
        %dma_wait3A_432 = tpu.memref_slice %arg6[%dma_wait3A_428, %dma_wait3A_430, %dma_wait3A_431] : memref<4x2x128xi32, #tpu.memory_space<vmem>> -> memref<1x2x128xi32, #tpu.memory_space<vmem>>
        %dma_wait3A_433 = tpu.memref_squeeze %dma_wait3A_432 : memref<1x2x128xi32, #tpu.memory_space<vmem>> -> memref<2x128xi32, #tpu.memory_space<vmem>>
        %dma_wait3A_434 = arith.constant 0 : i32
        %dma_wait3A_435 = arith.constant 0 : i32
        %dma_wait3A_436 = tpu.memref_slice %arg3[%add3A, %add3A_427, %dma_wait3A_434, %dma_wait3A_435] : memref<32x80x2x128xi32, #tpu.memory_space<hbm>> -> memref<1x1x2x128xi32, #tpu.memory_space<hbm>>
        %dma_wait3A_437 = tpu.memref_squeeze %dma_wait3A_436 : memref<1x1x2x128xi32, #tpu.memory_space<hbm>> -> memref<2x128xi32, #tpu.memory_space<hbm>>
        %dma_wait3A_438 = tpu.memref_slice %arg11[%dma_wait3A_429] : memref<4x!tpu.dma_semaphore, #tpu.memory_space<semaphore_mem>> -> memref<1x!tpu.dma_semaphore, #tpu.memory_space<semaphore_mem>>
        %dma_wait3A_439 = tpu.memref_squeeze %dma_wait3A_438 : memref<1x!tpu.dma_semaphore, #tpu.memory_space<semaphore_mem>> -> memref<!tpu.dma_semaphore, #tpu.memory_space<semaphore_mem>>
        %dma_wait3A_440 = arith.constant 0 : i32
        %dma_wait3A_441 = arith.constant 0 : i32
        %dma_wait3A_442 = tpu.memref_slice %arg6[%dma_wait3A_428, %dma_wait3A_440, %dma_wait3A_441] : memref<4x2x128xi32, #tpu.memory_space<vmem>> -> memref<1x2x128xi32, #tpu.memory_space<vmem>>
        %dma_wait3A_443 = tpu.memref_squeeze %dma_wait3A_442 : memref<1x2x128xi32, #tpu.memory_space<vmem>> -> memref<2x128xi32, #tpu.memory_space<vmem>>
        %dma_wait3A_444 = arith.constant 0 : i32
        %dma_wait3A_445 = arith.constant 0 : i32
        %dma_wait3A_446 = tpu.memref_slice %arg3[%add3A, %add3A_427, %dma_wait3A_444, %dma_wait3A_445] : memref<32x80x2x128xi32, #tpu.memory_space<hbm>> -> memref<1x1x2x128xi32, #tpu.memory_space<hbm>>
        %dma_wait3A_447 = tpu.memref_squeeze %dma_wait3A_446 : memref<1x1x2x128xi32, #tpu.memory_space<hbm>> -> memref<2x128xi32, #tpu.memory_space<hbm>>
        tpu.wait_dma2 semaphore(%dma_wait3A_439 : memref<!tpu.dma_semaphore, #tpu.memory_space<semaphore_mem>>) src(%dma_wait3A_447 : memref<2x128xi32, #tpu.memory_space<hbm>>) dst(%dma_wait3A_443 : memref<2x128xi32, #tpu.memory_space<vmem>>)
        %dma_start3A_448 = arith.constant 0 : i32
        %dma_start3A_449 = arith.constant 0 : i32
        %dma_start3A_450 = arith.constant 0 : i32
        %dma_start3A_451 = arith.constant 0 : i32
        %dma_start3A_452 = arith.constant 0 : i32
        %dma_start3A_453 = arith.constant 0 : i32
        %dma_start3A_454 = tpu.memref_slice %arg7[%dma_start3A_450, %dma_start3A_452, %dma_start3A_453] : memref<2x128x128xf32, #tpu.memory_space<vmem>> -> memref<1x128x128xf32, #tpu.memory_space<vmem>>
        %dma_start3A_455 = tpu.memref_squeeze %dma_start3A_454 : memref<1x128x128xf32, #tpu.memory_space<vmem>> -> memref<128x128xf32, #tpu.memory_space<vmem>>
        %dma_start3A_456 = arith.constant 0 : i32
        %dma_start3A_457 = tpu.memref_slice %arg6[%dma_start3A_448, %dma_start3A_449, %dma_start3A_456] : memref<4x2x128xi32, #tpu.memory_space<vmem>> -> memref<1x1x128xi32, #tpu.memory_space<vmem>>
        %dma_start3A_458 = tpu.memref_squeeze %dma_start3A_457 : memref<1x1x128xi32, #tpu.memory_space<vmem>> -> memref<128xi32, #tpu.memory_space<vmem>>
        %dma_start3A_459 = arith.constant 0 : i32
        %dma_start3A_460 = arith.constant 0 : i32
        %dma_start3A_461 = tpu.memref_slice %arg2[%dma_start3A_459, %dma_start3A_460] : memref<10240x128xf32, #tpu.memory_space<hbm>> -> memref<10240x128xf32, #tpu.memory_space<hbm>>
        %dma_start3A_462 = tpu.memref_slice %arg9[%dma_start3A_451] : memref<2x!tpu.dma_semaphore, #tpu.memory_space<semaphore_mem>> -> memref<1x!tpu.dma_semaphore, #tpu.memory_space<semaphore_mem>>
        %dma_start3A_463 = tpu.memref_squeeze %dma_start3A_462 : memref<1x!tpu.dma_semaphore, #tpu.memory_space<semaphore_mem>> -> memref<!tpu.dma_semaphore, #tpu.memory_space<semaphore_mem>>
        tpu.enqueue_indirect_dma source(%dma_start3A_461 : memref<10240x128xf32, #tpu.memory_space<hbm>>) target(%dma_start3A_455 : memref<128x128xf32, #tpu.memory_space<vmem>>) offsets(%dma_start3A_458 : memref<128xi32, #tpu.memory_space<vmem>>) semaphore(%dma_start3A_463 : memref<!tpu.dma_semaphore, #tpu.memory_space<semaphore_mem>>)
      } else {
      }
      %add3A_362 = arith.constant 3 : i32
      %add3A_363 = arith.addi %add3A_172, %add3A_362 : i32
      %dma_wait3A_364 = arith.constant 3 : i32
      %dma_wait3A_365 = arith.constant 0 : i32
      %dma_wait3A_366 = arith.constant 1 : i32
      %dma_wait3A_367 = arith.constant 1 : i32
      %dma_wait3A_368 = arith.constant 0 : i32
      %dma_wait3A_369 = arith.constant 0 : i32
      %dma_wait3A_370 = tpu.memref_slice %arg7[%dma_wait3A_366, %dma_wait3A_368, %dma_wait3A_369] : memref<2x128x128xf32, #tpu.memory_space<vmem>> -> memref<1x128x128xf32, #tpu.memory_space<vmem>>
      %dma_wait3A_371 = tpu.memref_squeeze %dma_wait3A_370 : memref<1x128x128xf32, #tpu.memory_space<vmem>> -> memref<128x128xf32, #tpu.memory_space<vmem>>
      %dma_wait3A_372 = arith.constant 0 : i32
      %dma_wait3A_373 = tpu.memref_slice %arg6[%dma_wait3A_364, %dma_wait3A_365, %dma_wait3A_372] : memref<4x2x128xi32, #tpu.memory_space<vmem>> -> memref<1x1x128xi32, #tpu.memory_space<vmem>>
      %dma_wait3A_374 = tpu.memref_squeeze %dma_wait3A_373 : memref<1x1x128xi32, #tpu.memory_space<vmem>> -> memref<128xi32, #tpu.memory_space<vmem>>
      %dma_wait3A_375 = arith.constant 0 : i32
      %dma_wait3A_376 = arith.constant 0 : i32
      %dma_wait3A_377 = tpu.memref_slice %arg2[%dma_wait3A_375, %dma_wait3A_376] : memref<10240x128xf32, #tpu.memory_space<hbm>> -> memref<10240x128xf32, #tpu.memory_space<hbm>>
      %dma_wait3A_378 = tpu.memref_slice %arg9[%dma_wait3A_367] : memref<2x!tpu.dma_semaphore, #tpu.memory_space<semaphore_mem>> -> memref<1x!tpu.dma_semaphore, #tpu.memory_space<semaphore_mem>>
      %dma_wait3A_379 = tpu.memref_squeeze %dma_wait3A_378 : memref<1x!tpu.dma_semaphore, #tpu.memory_space<semaphore_mem>> -> memref<!tpu.dma_semaphore, #tpu.memory_space<semaphore_mem>>
      tpu.wait_indirect_dma semaphore(%dma_wait3A_379 : memref<!tpu.dma_semaphore, #tpu.memory_space<semaphore_mem>>) src(%dma_wait3A_377 : memref<10240x128xf32, #tpu.memory_space<hbm>>) dst(%dma_wait3A_371 : memref<128x128xf32, #tpu.memory_space<vmem>>)
      %dma_start3A_380 = arith.constant 1 : i32
      %dma_start3A_381 = arith.constant 3 : i32
      %dma_start3A_382 = arith.constant 1 : i32
      %dma_start3A_383 = arith.constant 1 : i32
      %dma_start3A_384 = arith.constant 0 : i32
      %dma_start3A_385 = arith.constant 0 : i32
      %dma_start3A_386 = tpu.memref_slice %arg7[%dma_start3A_380, %dma_start3A_384, %dma_start3A_385] : memref<2x128x128xf32, #tpu.memory_space<vmem>> -> memref<1x128x128xf32, #tpu.memory_space<vmem>>
      %dma_start3A_387 = tpu.memref_squeeze %dma_start3A_386 : memref<1x128x128xf32, #tpu.memory_space<vmem>> -> memref<128x128xf32, #tpu.memory_space<vmem>>
      %dma_start3A_388 = arith.constant 0 : i32
      %dma_start3A_389 = tpu.memref_slice %arg6[%dma_start3A_381, %dma_start3A_382, %dma_start3A_388] : memref<4x2x128xi32, #tpu.memory_space<vmem>> -> memref<1x1x128xi32, #tpu.memory_space<vmem>>
      %dma_start3A_390 = tpu.memref_squeeze %dma_start3A_389 : memref<1x1x128xi32, #tpu.memory_space<vmem>> -> memref<128xi32, #tpu.memory_space<vmem>>
      %dma_start3A_391 = arith.constant 0 : i32
      %dma_start3A_392 = arith.constant 0 : i32
      %dma_start3A_393 = tpu.memref_slice %arg8[%dma_start3A_391, %dma_start3A_392] : memref<10240x128xf32, #tpu.memory_space<vmem_shared>> -> memref<10240x128xf32, #tpu.memory_space<vmem_shared>>
      %dma_start3A_394 = tpu.memref_slice %arg10[%dma_start3A_383] : memref<2x!tpu.dma_semaphore, #tpu.memory_space<semaphore_mem>> -> memref<1x!tpu.dma_semaphore, #tpu.memory_space<semaphore_mem>>
      %dma_start3A_395 = tpu.memref_squeeze %dma_start3A_394 : memref<1x!tpu.dma_semaphore, #tpu.memory_space<semaphore_mem>> -> memref<!tpu.dma_semaphore, #tpu.memory_space<semaphore_mem>>
      tpu.enqueue_indirect_dma source(%dma_start3A_387 : memref<128x128xf32, #tpu.memory_space<vmem>>) target(%dma_start3A_393 : memref<10240x128xf32, #tpu.memory_space<vmem_shared>>) offsets(%dma_start3A_390 : memref<128xi32, #tpu.memory_space<vmem>>) semaphore(%dma_start3A_395 : memref<!tpu.dma_semaphore, #tpu.memory_space<semaphore_mem>>) {add = true}
      %dma_wait3A_396 = arith.constant 1 : i32
      %dma_wait3A_397 = arith.constant 3 : i32
      %dma_wait3A_398 = arith.constant 1 : i32
      %dma_wait3A_399 = arith.constant 1 : i32
      %dma_wait3A_400 = arith.constant 0 : i32
      %dma_wait3A_401 = arith.constant 0 : i32
      %dma_wait3A_402 = tpu.memref_slice %arg7[%dma_wait3A_396, %dma_wait3A_400, %dma_wait3A_401] : memref<2x128x128xf32, #tpu.memory_space<vmem>> -> memref<1x128x128xf32, #tpu.memory_space<vmem>>
      %dma_wait3A_403 = tpu.memref_squeeze %dma_wait3A_402 : memref<1x128x128xf32, #tpu.memory_space<vmem>> -> memref<128x128xf32, #tpu.memory_space<vmem>>
      %dma_wait3A_404 = arith.constant 0 : i32
      %dma_wait3A_405 = tpu.memref_slice %arg6[%dma_wait3A_397, %dma_wait3A_398, %dma_wait3A_404] : memref<4x2x128xi32, #tpu.memory_space<vmem>> -> memref<1x1x128xi32, #tpu.memory_space<vmem>>
      %dma_wait3A_406 = tpu.memref_squeeze %dma_wait3A_405 : memref<1x1x128xi32, #tpu.memory_space<vmem>> -> memref<128xi32, #tpu.memory_space<vmem>>
      %dma_wait3A_407 = arith.constant 0 : i32
      %dma_wait3A_408 = arith.constant 0 : i32
      %dma_wait3A_409 = tpu.memref_slice %arg8[%dma_wait3A_407, %dma_wait3A_408] : memref<10240x128xf32, #tpu.memory_space<vmem_shared>> -> memref<10240x128xf32, #tpu.memory_space<vmem_shared>>
      %dma_wait3A_410 = tpu.memref_slice %arg10[%dma_wait3A_399] : memref<2x!tpu.dma_semaphore, #tpu.memory_space<semaphore_mem>> -> memref<1x!tpu.dma_semaphore, #tpu.memory_space<semaphore_mem>>
      %dma_wait3A_411 = tpu.memref_squeeze %dma_wait3A_410 : memref<1x!tpu.dma_semaphore, #tpu.memory_space<semaphore_mem>> -> memref<!tpu.dma_semaphore, #tpu.memory_space<semaphore_mem>>
      tpu.wait_indirect_dma semaphore(%dma_wait3A_411 : memref<!tpu.dma_semaphore, #tpu.memory_space<semaphore_mem>>) src(%dma_wait3A_403 : memref<128x128xf32, #tpu.memory_space<vmem>>) dst(%dma_wait3A_409 : memref<10240x128xf32, #tpu.memory_space<vmem_shared>>)
      %add3A_412 = arith.constant 4 : i32
      %add3A_413 = arith.addi %add3A_363, %add3A_412 : i32
      %lt3A_414 = arith.constant 80 : i32
      %lt3A_415 = arith.cmpi slt, %add3A_413, %lt3A_414 : i32
      %convert_element_type3A_416 = arith.extui %lt3A_415 : i1 to i32
      %cond3A_417 = arith.constant 0 : i32
      %cond3A_418 = arith.cmpi ne, %convert_element_type3A_416, %cond3A_417 : i32
      scf.if %cond3A_418 {
        %add3A_426 = arith.constant 4 : i32
        %add3A_427 = arith.addi %add3A_363, %add3A_426 : i32
        %dma_start3A_428 = arith.constant 3 : i32
        %dma_start3A_429 = arith.constant 3 : i32
        %dma_start3A_430 = arith.constant 0 : i32
        %dma_start3A_431 = arith.constant 0 : i32
        %dma_start3A_432 = tpu.memref_slice %arg6[%dma_start3A_428, %dma_start3A_430, %dma_start3A_431] : memref<4x2x128xi32, #tpu.memory_space<vmem>> -> memref<1x2x128xi32, #tpu.memory_space<vmem>>
        %dma_start3A_433 = tpu.memref_squeeze %dma_start3A_432 : memref<1x2x128xi32, #tpu.memory_space<vmem>> -> memref<2x128xi32, #tpu.memory_space<vmem>>
        %dma_start3A_434 = arith.constant 0 : i32
        %dma_start3A_435 = arith.constant 0 : i32
        %dma_start3A_436 = tpu.memref_slice %arg3[%add3A, %add3A_427, %dma_start3A_434, %dma_start3A_435] : memref<32x80x2x128xi32, #tpu.memory_space<hbm>> -> memref<1x1x2x128xi32, #tpu.memory_space<hbm>>
        %dma_start3A_437 = tpu.memref_squeeze %dma_start3A_436 : memref<1x1x2x128xi32, #tpu.memory_space<hbm>> -> memref<2x128xi32, #tpu.memory_space<hbm>>
        %dma_start3A_438 = tpu.memref_slice %arg11[%dma_start3A_429] : memref<4x!tpu.dma_semaphore, #tpu.memory_space<semaphore_mem>> -> memref<1x!tpu.dma_semaphore, #tpu.memory_space<semaphore_mem>>
        %dma_start3A_439 = tpu.memref_squeeze %dma_start3A_438 : memref<1x!tpu.dma_semaphore, #tpu.memory_space<semaphore_mem>> -> memref<!tpu.dma_semaphore, #tpu.memory_space<semaphore_mem>>
        %dma_start3A_440 = arith.constant 0 : i32
        %dma_start3A_441 = arith.constant 0 : i32
        %dma_start3A_442 = tpu.memref_slice %arg6[%dma_start3A_428, %dma_start3A_440, %dma_start3A_441] : memref<4x2x128xi32, #tpu.memory_space<vmem>> -> memref<1x2x128xi32, #tpu.memory_space<vmem>>
        %dma_start3A_443 = tpu.memref_squeeze %dma_start3A_442 : memref<1x2x128xi32, #tpu.memory_space<vmem>> -> memref<2x128xi32, #tpu.memory_space<vmem>>
        %dma_start3A_444 = arith.constant 0 : i32
        %dma_start3A_445 = arith.constant 0 : i32
        %dma_start3A_446 = tpu.memref_slice %arg3[%add3A, %add3A_427, %dma_start3A_444, %dma_start3A_445] : memref<32x80x2x128xi32, #tpu.memory_space<hbm>> -> memref<1x1x2x128xi32, #tpu.memory_space<hbm>>
        %dma_start3A_447 = tpu.memref_squeeze %dma_start3A_446 : memref<1x1x2x128xi32, #tpu.memory_space<hbm>> -> memref<2x128xi32, #tpu.memory_space<hbm>>
        tpu.enqueue_dma source(%dma_start3A_447 : memref<2x128xi32, #tpu.memory_space<hbm>>) target(%dma_start3A_443 : memref<2x128xi32, #tpu.memory_space<vmem>>) target_semaphore(%dma_start3A_439 : memref<!tpu.dma_semaphore, #tpu.memory_space<semaphore_mem>>)
      } else {
      }
      %add3A_419 = arith.constant 2 : i32
      %add3A_420 = arith.addi %add3A_363, %add3A_419 : i32
      %lt3A_421 = arith.constant 80 : i32
      %lt3A_422 = arith.cmpi slt, %add3A_420, %lt3A_421 : i32
      %convert_element_type3A_423 = arith.extui %lt3A_422 : i1 to i32
      %cond3A_424 = arith.constant 0 : i32
      %cond3A_425 = arith.cmpi ne, %convert_element_type3A_423, %cond3A_424 : i32
      scf.if %cond3A_425 {
        %add3A_426 = arith.constant 2 : i32
        %add3A_427 = arith.addi %add3A_363, %add3A_426 : i32
        %dma_wait3A_428 = arith.constant 1 : i32
        %dma_wait3A_429 = arith.constant 1 : i32
        %dma_wait3A_430 = arith.constant 0 : i32
        %dma_wait3A_431 = arith.constant 0 : i32
        %dma_wait3A_432 = tpu.memref_slice %arg6[%dma_wait3A_428, %dma_wait3A_430, %dma_wait3A_431] : memref<4x2x128xi32, #tpu.memory_space<vmem>> -> memref<1x2x128xi32, #tpu.memory_space<vmem>>
        %dma_wait3A_433 = tpu.memref_squeeze %dma_wait3A_432 : memref<1x2x128xi32, #tpu.memory_space<vmem>> -> memref<2x128xi32, #tpu.memory_space<vmem>>
        %dma_wait3A_434 = arith.constant 0 : i32
        %dma_wait3A_435 = arith.constant 0 : i32
        %dma_wait3A_436 = tpu.memref_slice %arg3[%add3A, %add3A_427, %dma_wait3A_434, %dma_wait3A_435] : memref<32x80x2x128xi32, #tpu.memory_space<hbm>> -> memref<1x1x2x128xi32, #tpu.memory_space<hbm>>
        %dma_wait3A_437 = tpu.memref_squeeze %dma_wait3A_436 : memref<1x1x2x128xi32, #tpu.memory_space<hbm>> -> memref<2x128xi32, #tpu.memory_space<hbm>>
        %dma_wait3A_438 = tpu.memref_slice %arg11[%dma_wait3A_429] : memref<4x!tpu.dma_semaphore, #tpu.memory_space<semaphore_mem>> -> memref<1x!tpu.dma_semaphore, #tpu.memory_space<semaphore_mem>>
        %dma_wait3A_439 = tpu.memref_squeeze %dma_wait3A_438 : memref<1x!tpu.dma_semaphore, #tpu.memory_space<semaphore_mem>> -> memref<!tpu.dma_semaphore, #tpu.memory_space<semaphore_mem>>
        %dma_wait3A_440 = arith.constant 0 : i32
        %dma_wait3A_441 = arith.constant 0 : i32
        %dma_wait3A_442 = tpu.memref_slice %arg6[%dma_wait3A_428, %dma_wait3A_440, %dma_wait3A_441] : memref<4x2x128xi32, #tpu.memory_space<vmem>> -> memref<1x2x128xi32, #tpu.memory_space<vmem>>
        %dma_wait3A_443 = tpu.memref_squeeze %dma_wait3A_442 : memref<1x2x128xi32, #tpu.memory_space<vmem>> -> memref<2x128xi32, #tpu.memory_space<vmem>>
        %dma_wait3A_444 = arith.constant 0 : i32
        %dma_wait3A_445 = arith.constant 0 : i32
        %dma_wait3A_446 = tpu.memref_slice %arg3[%add3A, %add3A_427, %dma_wait3A_444, %dma_wait3A_445] : memref<32x80x2x128xi32, #tpu.memory_space<hbm>> -> memref<1x1x2x128xi32, #tpu.memory_space<hbm>>
        %dma_wait3A_447 = tpu.memref_squeeze %dma_wait3A_446 : memref<1x1x2x128xi32, #tpu.memory_space<hbm>> -> memref<2x128xi32, #tpu.memory_space<hbm>>
        tpu.wait_dma2 semaphore(%dma_wait3A_439 : memref<!tpu.dma_semaphore, #tpu.memory_space<semaphore_mem>>) src(%dma_wait3A_447 : memref<2x128xi32, #tpu.memory_space<hbm>>) dst(%dma_wait3A_443 : memref<2x128xi32, #tpu.memory_space<vmem>>)
        %dma_start3A_448 = arith.constant 1 : i32
        %dma_start3A_449 = arith.constant 0 : i32
        %dma_start3A_450 = arith.constant 1 : i32
        %dma_start3A_451 = arith.constant 1 : i32
        %dma_start3A_452 = arith.constant 0 : i32
        %dma_start3A_453 = arith.constant 0 : i32
        %dma_start3A_454 = tpu.memref_slice %arg7[%dma_start3A_450, %dma_start3A_452, %dma_start3A_453] : memref<2x128x128xf32, #tpu.memory_space<vmem>> -> memref<1x128x128xf32, #tpu.memory_space<vmem>>
        %dma_start3A_455 = tpu.memref_squeeze %dma_start3A_454 : memref<1x128x128xf32, #tpu.memory_space<vmem>> -> memref<128x128xf32, #tpu.memory_space<vmem>>
        %dma_start3A_456 = arith.constant 0 : i32
        %dma_start3A_457 = tpu.memref_slice %arg6[%dma_start3A_448, %dma_start3A_449, %dma_start3A_456] : memref<4x2x128xi32, #tpu.memory_space<vmem>> -> memref<1x1x128xi32, #tpu.memory_space<vmem>>
        %dma_start3A_458 = tpu.memref_squeeze %dma_start3A_457 : memref<1x1x128xi32, #tpu.memory_space<vmem>> -> memref<128xi32, #tpu.memory_space<vmem>>
        %dma_start3A_459 = arith.constant 0 : i32
        %dma_start3A_460 = arith.constant 0 : i32
        %dma_start3A_461 = tpu.memref_slice %arg2[%dma_start3A_459, %dma_start3A_460] : memref<10240x128xf32, #tpu.memory_space<hbm>> -> memref<10240x128xf32, #tpu.memory_space<hbm>>
        %dma_start3A_462 = tpu.memref_slice %arg9[%dma_start3A_451] : memref<2x!tpu.dma_semaphore, #tpu.memory_space<semaphore_mem>> -> memref<1x!tpu.dma_semaphore, #tpu.memory_space<semaphore_mem>>
        %dma_start3A_463 = tpu.memref_squeeze %dma_start3A_462 : memref<1x!tpu.dma_semaphore, #tpu.memory_space<semaphore_mem>> -> memref<!tpu.dma_semaphore, #tpu.memory_space<semaphore_mem>>
        tpu.enqueue_indirect_dma source(%dma_start3A_461 : memref<10240x128xf32, #tpu.memory_space<hbm>>) target(%dma_start3A_455 : memref<128x128xf32, #tpu.memory_space<vmem>>) offsets(%dma_start3A_458 : memref<128xi32, #tpu.memory_space<vmem>>) semaphore(%dma_start3A_463 : memref<!tpu.dma_semaphore, #tpu.memory_space<semaphore_mem>>)
      } else {
      }
    }
    %scan3A_162 = arith.constant 20 : i32
    %barrier3A_163 = arith.constant 0 : index
    tpu.barrier barrier_id(%barrier3A_163)
    %mul3A_164 = arith.constant 640 : i32
    %mul3A_165 = arith.muli %arg1, %mul3A_164 : i32
    %mul3A_166 = arith.constant 640 : i32
    %mul3A_167 = arith.muli %arg1, %mul3A_166 : i32
    "tpu.region"() ({
      %run_scoped3A = tpu.sem_alloc : memref<!tpu.dma_semaphore, #tpu.memory_space<semaphore_mem>>
      %dma_start3A_168 = arith.constant 0 : i32
      %dma_start3A_169 = tpu.memref_slice %arg5[%arg0, %mul3A_167, %dma_start3A_168] : memref<2x10240x128xf32, #tpu.memory_space<hbm>> -> memref<1x640x128xf32, #tpu.memory_space<hbm>>
      %dma_start3A_170 = tpu.memref_squeeze %dma_start3A_169 : memref<1x640x128xf32, #tpu.memory_space<hbm>> -> memref<640x128xf32, #tpu.memory_space<hbm>>
      %dma_start3A_171 = arith.constant 0 : i32
      %dma_start3A_172 = tpu.memref_slice %arg8[%mul3A_165, %dma_start3A_171] : memref<10240x128xf32, #tpu.memory_space<vmem_shared>> -> memref<640x128xf32, #tpu.memory_space<vmem_shared>>
      tpu.enqueue_dma source(%dma_start3A_172 : memref<640x128xf32, #tpu.memory_space<vmem_shared>>) target(%dma_start3A_170 : memref<640x128xf32, #tpu.memory_space<hbm>>) target_semaphore(%run_scoped3A : memref<!tpu.dma_semaphore, #tpu.memory_space<semaphore_mem>>)
      %dma_wait3A_173 = arith.constant 0 : i32
      %dma_wait3A_174 = tpu.memref_slice %arg5[%arg0, %mul3A_167, %dma_wait3A_173] : memref<2x10240x128xf32, #tpu.memory_space<hbm>> -> memref<1x640x128xf32, #tpu.memory_space<hbm>>
      %dma_wait3A_175 = tpu.memref_squeeze %dma_wait3A_174 : memref<1x640x128xf32, #tpu.memory_space<hbm>> -> memref<640x128xf32, #tpu.memory_space<hbm>>
      %dma_wait3A_176 = arith.constant 0 : i32
      %dma_wait3A_177 = tpu.memref_slice %arg8[%mul3A_165, %dma_wait3A_176] : memref<10240x128xf32, #tpu.memory_space<vmem_shared>> -> memref<640x128xf32, #tpu.memory_space<vmem_shared>>
      tpu.wait_dma2 semaphore(%run_scoped3A : memref<!tpu.dma_semaphore, #tpu.memory_space<semaphore_mem>>) src(%dma_wait3A_177 : memref<640x128xf32, #tpu.memory_space<vmem_shared>>) dst(%dma_wait3A_175 : memref<640x128xf32, #tpu.memory_space<hbm>>)
      tpu.yield
    }) : () -> ()
    return
  }
}

#map = affine_map<(d0, d1) -> (0)>
module attributes {stable_mosaic.version = 14 : i64} {
  func.func @_deg_dis_kernel(%arg0: i32, %arg1: i32, %arg2: memref<320000xi32, #tpu.memory_space<hbm>>, %arg3: memref<10240xf32, #tpu.memory_space<hbm>>, %arg4: memref<20000xi32, #tpu.memory_space<vmem>>, %arg5: memref<10240xf32, #tpu.memory_space<vmem>>, %arg6: memref<640xf32, #tpu.memory_space<vmem>>, %arg7: memref<640xf32, #tpu.memory_space<vmem>>, %arg8: memref<16x10240xf32, #tpu.memory_space<vmem_shared>>) attributes {dimension_semantics = [#tpu.dimension_semantics<core_parallel>, #tpu.dimension_semantics<subcore_parallel>], iteration_bounds = array<i64: 2, 16>, scalar_prefetch = 0 : i64, scratch_operands = 5 : i64, tpu.core_type = #tpu.core_type<sc_vector_subcore>, window_params = [{transform_indices = #map}, {transform_indices = #map}]} {
    %eq3A = arith.constant 0 : i32
    %eq3A_0 = arith.cmpi eq, %arg0, %eq3A : i32
    %convert_element_type3A = arith.extui %eq3A_0 : i1 to i32
    %cond3A = arith.constant 0 : i32
    %cond3A_1 = arith.cmpi ne, %convert_element_type3A, %cond3A : i32
    scf.if %cond3A_1 {
      %scan3A = arith.constant 0 : i32
      %scan3A_7 = arith.constant 640 : i32
      %scan3A_8 = arith.addi %scan3A, %scan3A_7 : i32
      %scan3A_9 = arith.constant 1 : i32
      scf.for %scan3A_17 = %scan3A to %scan3A_8 step %scan3A_9  : i32 {
        %mul3A_18 = arith.constant 16 : i32
        %mul3A_19 = arith.muli %scan3A_17, %mul3A_18 : i32
        %add3A = arith.constant 0 : i32
        %add3A_20 = arith.addi %add3A, %mul3A_19 : i32
        %broadcast_in_dim3A = arith.constant 0.000000e+00 : f32
        %broadcast_in_dim3A_21 = vector.broadcast %broadcast_in_dim3A : f32 to vector<16xf32>
        %swap3A = arith.index_cast %add3A_20 : i32 to index
        %swap3A_22 = tpu.vector_load %arg5[%swap3A] {strides = array<i32>} : memref<10240xf32, #tpu.memory_space<vmem>>, vector<16xf32>,
        tpu.vector_store %arg5[%swap3A], %broadcast_in_dim3A_21 {strides = array<i32>} : memref<10240xf32, #tpu.memory_space<vmem>>, vector<16xf32>,
      }
      %scan3A_10 = arith.constant 640 : i32
      %mul3A = arith.constant 20000 : i32
      %mul3A_11 = arith.muli %arg1, %mul3A : i32
      "tpu.region"() ({
        %run_scoped3A = tpu.sem_alloc : memref<!tpu.dma_semaphore, #tpu.memory_space<semaphore_mem>>
        %dma_start3A = tpu.memref_slice %arg2[%mul3A_11] : memref<320000xi32, #tpu.memory_space<hbm>> -> memref<20000xi32, #tpu.memory_space<hbm>>
        %dma_start3A_17 = tpu.memref_slice %arg2[%mul3A_11] : memref<320000xi32, #tpu.memory_space<hbm>> -> memref<20000xi32, #tpu.memory_space<hbm>>
        tpu.enqueue_dma source(%dma_start3A_17 : memref<20000xi32, #tpu.memory_space<hbm>>) target(%arg4 : memref<20000xi32, #tpu.memory_space<vmem>>) target_semaphore(%run_scoped3A : memref<!tpu.dma_semaphore, #tpu.memory_space<semaphore_mem>>)
        %dma_wait3A = tpu.memref_slice %arg2[%mul3A_11] : memref<320000xi32, #tpu.memory_space<hbm>> -> memref<20000xi32, #tpu.memory_space<hbm>>
        %dma_wait3A_18 = tpu.memref_slice %arg2[%mul3A_11] : memref<320000xi32, #tpu.memory_space<hbm>> -> memref<20000xi32, #tpu.memory_space<hbm>>
        tpu.wait_dma2 semaphore(%run_scoped3A : memref<!tpu.dma_semaphore, #tpu.memory_space<semaphore_mem>>) src(%dma_wait3A_18 : memref<20000xi32, #tpu.memory_space<hbm>>) dst(%arg4 : memref<20000xi32, #tpu.memory_space<vmem>>)
        tpu.yield
      }) : () -> ()
      %scan3A_12 = arith.constant 0 : i32
      %scan3A_13 = arith.constant 1250 : i32
      %scan3A_14 = arith.addi %scan3A_12, %scan3A_13 : i32
      %scan3A_15 = arith.constant 1 : i32
      scf.for %scan3A_17 = %scan3A_12 to %scan3A_14 step %scan3A_15  : i32 {
        %mul3A_18 = arith.constant 16 : i32
        %mul3A_19 = arith.muli %scan3A_17, %mul3A_18 : i32
        %add3A = arith.constant 0 : i32
        %add3A_20 = arith.addi %add3A, %mul3A_19 : i32
        %get3A = arith.index_cast %add3A_20 : i32 to index
        %get3A_21 = tpu.vector_load %arg4[%get3A] {strides = array<i32>} : memref<20000xi32, #tpu.memory_space<vmem>>, vector<16xi32>,
        %broadcast_in_dim3A = arith.constant 1.000000e+00 : f32
        %broadcast_in_dim3A_22 = vector.broadcast %broadcast_in_dim3A : f32 to vector<16xf32>
        tpu.vector_store_idx %arg5[%get3A_21], %broadcast_in_dim3A_22 {add = true} : memref<10240xf32, #tpu.memory_space<vmem>>[vector<16xi32>], vector<16xf32>,
      }
      %scan3A_16 = arith.constant 1250 : i32
      "tpu.region"() ({
        %run_scoped3A = tpu.sem_alloc : memref<!tpu.dma_semaphore, #tpu.memory_space<semaphore_mem>>
        %dma_start3A = arith.constant 0 : i32
        %dma_start3A_17 = tpu.memref_slice %arg8[%arg1, %dma_start3A] : memref<16x10240xf32, #tpu.memory_space<vmem_shared>> -> memref<1x10240xf32, #tpu.memory_space<vmem_shared>>
        %dma_start3A_18 = tpu.memref_squeeze %dma_start3A_17 : memref<1x10240xf32, #tpu.memory_space<vmem_shared>> -> memref<10240xf32, #tpu.memory_space<vmem_shared>>
        %dma_start3A_19 = arith.constant 0 : i32
        %dma_start3A_20 = tpu.memref_slice %arg8[%arg1, %dma_start3A_19] : memref<16x10240xf32, #tpu.memory_space<vmem_shared>> -> memref<1x10240xf32, #tpu.memory_space<vmem_shared>>
        %dma_start3A_21 = tpu.memref_squeeze %dma_start3A_20 : memref<1x10240xf32, #tpu.memory_space<vmem_shared>> -> memref<10240xf32, #tpu.memory_space<vmem_shared>>
        tpu.enqueue_dma source(%arg5 : memref<10240xf32, #tpu.memory_space<vmem>>) target(%dma_start3A_21 : memref<10240xf32, #tpu.memory_space<vmem_shared>>) target_semaphore(%run_scoped3A : memref<!tpu.dma_semaphore, #tpu.memory_space<semaphore_mem>>)
        %dma_wait3A = arith.constant 0 : i32
        %dma_wait3A_22 = tpu.memref_slice %arg8[%arg1, %dma_wait3A] : memref<16x10240xf32, #tpu.memory_space<vmem_shared>> -> memref<1x10240xf32, #tpu.memory_space<vmem_shared>>
        %dma_wait3A_23 = tpu.memref_squeeze %dma_wait3A_22 : memref<1x10240xf32, #tpu.memory_space<vmem_shared>> -> memref<10240xf32, #tpu.memory_space<vmem_shared>>
        %dma_wait3A_24 = arith.constant 0 : i32
        %dma_wait3A_25 = tpu.memref_slice %arg8[%arg1, %dma_wait3A_24] : memref<16x10240xf32, #tpu.memory_space<vmem_shared>> -> memref<1x10240xf32, #tpu.memory_space<vmem_shared>>
        %dma_wait3A_26 = tpu.memref_squeeze %dma_wait3A_25 : memref<1x10240xf32, #tpu.memory_space<vmem_shared>> -> memref<10240xf32, #tpu.memory_space<vmem_shared>>
        tpu.wait_dma2 semaphore(%run_scoped3A : memref<!tpu.dma_semaphore, #tpu.memory_space<semaphore_mem>>) src(%arg5 : memref<10240xf32, #tpu.memory_space<vmem>>) dst(%dma_wait3A_26 : memref<10240xf32, #tpu.memory_space<vmem_shared>>)
        tpu.yield
      }) : () -> ()
    } else {
    }
    %barrier3A = arith.constant 0 : index
    tpu.barrier barrier_id(%barrier3A)
    %eq3A_2 = arith.constant 0 : i32
    %eq3A_3 = arith.cmpi eq, %arg0, %eq3A_2 : i32
    %convert_element_type3A_4 = arith.extui %eq3A_3 : i1 to i32
    %cond3A_5 = arith.constant 0 : i32
    %cond3A_6 = arith.cmpi ne, %convert_element_type3A_4, %cond3A_5 : i32
    scf.if %cond3A_6 {
      %scan3A = arith.constant 0 : i32
      %scan3A_7 = arith.constant 40 : i32
      %scan3A_8 = arith.addi %scan3A, %scan3A_7 : i32
      %scan3A_9 = arith.constant 1 : i32
      scf.for %scan3A_22 = %scan3A to %scan3A_8 step %scan3A_9  : i32 {
        %mul3A_23 = arith.constant 16 : i32
        %mul3A_24 = arith.muli %scan3A_22, %mul3A_23 : i32
        %add3A = arith.constant 0 : i32
        %add3A_25 = arith.addi %add3A, %mul3A_24 : i32
        %broadcast_in_dim3A = arith.constant 0.000000e+00 : f32
        %broadcast_in_dim3A_26 = vector.broadcast %broadcast_in_dim3A : f32 to vector<16xf32>
        %swap3A = arith.index_cast %add3A_25 : i32 to index
        %swap3A_27 = tpu.vector_load %arg6[%swap3A] {strides = array<i32>} : memref<640xf32, #tpu.memory_space<vmem>>, vector<16xf32>,
        tpu.vector_store %arg6[%swap3A], %broadcast_in_dim3A_26 {strides = array<i32>} : memref<640xf32, #tpu.memory_space<vmem>>, vector<16xf32>,
      }
      %scan3A_10 = arith.constant 40 : i32
      %scan3A_11 = arith.constant 0 : i32
      %scan3A_12 = arith.constant 16 : i32
      %scan3A_13 = arith.addi %scan3A_11, %scan3A_12 : i32
      %scan3A_14 = arith.constant 1 : i32
      scf.for %scan3A_22 = %scan3A_11 to %scan3A_13 step %scan3A_14  : i32 {
        %mul3A_23 = arith.constant 1 : i32
        %mul3A_24 = arith.muli %scan3A_22, %mul3A_23 : i32
        %add3A = arith.constant 0 : i32
        %add3A_25 = arith.addi %add3A, %mul3A_24 : i32
        %mul3A_26 = arith.constant 640 : i32
        %mul3A_27 = arith.muli %arg1, %mul3A_26 : i32
        "tpu.region"() ({
          %run_scoped3A = tpu.sem_alloc : memref<!tpu.dma_semaphore, #tpu.memory_space<semaphore_mem>>
          %dma_start3A = tpu.memref_slice %arg8[%add3A_25, %mul3A_27] : memref<16x10240xf32, #tpu.memory_space<vmem_shared>> -> memref<1x640xf32, #tpu.memory_space<vmem_shared>>
          %dma_start3A_33 = tpu.memref_squeeze %dma_start3A : memref<1x640xf32, #tpu.memory_space<vmem_shared>> -> memref<640xf32, #tpu.memory_space<vmem_shared>>
          %dma_start3A_34 = tpu.memref_slice %arg8[%add3A_25, %mul3A_27] : memref<16x10240xf32, #tpu.memory_space<vmem_shared>> -> memref<1x640xf32, #tpu.memory_space<vmem_shared>>
          %dma_start3A_35 = tpu.memref_squeeze %dma_start3A_34 : memref<1x640xf32, #tpu.memory_space<vmem_shared>> -> memref<640xf32, #tpu.memory_space<vmem_shared>>
          tpu.enqueue_dma source(%dma_start3A_35 : memref<640xf32, #tpu.memory_space<vmem_shared>>) target(%arg7 : memref<640xf32, #tpu.memory_space<vmem>>) target_semaphore(%run_scoped3A : memref<!tpu.dma_semaphore, #tpu.memory_space<semaphore_mem>>)
          %dma_wait3A = tpu.memref_slice %arg8[%add3A_25, %mul3A_27] : memref<16x10240xf32, #tpu.memory_space<vmem_shared>> -> memref<1x640xf32, #tpu.memory_space<vmem_shared>>
          %dma_wait3A_36 = tpu.memref_squeeze %dma_wait3A : memref<1x640xf32, #tpu.memory_space<vmem_shared>> -> memref<640xf32, #tpu.memory_space<vmem_shared>>
          %dma_wait3A_37 = tpu.memref_slice %arg8[%add3A_25, %mul3A_27] : memref<16x10240xf32, #tpu.memory_space<vmem_shared>> -> memref<1x640xf32, #tpu.memory_space<vmem_shared>>
          %dma_wait3A_38 = tpu.memref_squeeze %dma_wait3A_37 : memref<1x640xf32, #tpu.memory_space<vmem_shared>> -> memref<640xf32, #tpu.memory_space<vmem_shared>>
          tpu.wait_dma2 semaphore(%run_scoped3A : memref<!tpu.dma_semaphore, #tpu.memory_space<semaphore_mem>>) src(%dma_wait3A_38 : memref<640xf32, #tpu.memory_space<vmem_shared>>) dst(%arg7 : memref<640xf32, #tpu.memory_space<vmem>>)
          tpu.yield
        }) : () -> ()
        %scan3A_28 = arith.constant 0 : i32
        %scan3A_29 = arith.constant 40 : i32
        %scan3A_30 = arith.addi %scan3A_28, %scan3A_29 : i32
        %scan3A_31 = arith.constant 1 : i32
        scf.for %scan3A_33 = %scan3A_28 to %scan3A_30 step %scan3A_31  : i32 {
          %mul3A_34 = arith.constant 16 : i32
          %mul3A_35 = arith.muli %scan3A_33, %mul3A_34 : i32
          %add3A_36 = arith.constant 0 : i32
          %add3A_37 = arith.addi %add3A_36, %mul3A_35 : i32
          %get3A = arith.index_cast %add3A_37 : i32 to index
          %get3A_38 = tpu.vector_load %arg6[%get3A] {strides = array<i32>} : memref<640xf32, #tpu.memory_space<vmem>>, vector<16xf32>,
          %get3A_39 = arith.index_cast %add3A_37 : i32 to index
          %get3A_40 = tpu.vector_load %arg7[%get3A_39] {strides = array<i32>} : memref<640xf32, #tpu.memory_space<vmem>>, vector<16xf32>,
          %add3A_41 = arith.addf %get3A_38, %get3A_40 : vector<16xf32>
          %swap3A = arith.index_cast %add3A_37 : i32 to index
          %swap3A_42 = tpu.vector_load %arg6[%swap3A] {strides = array<i32>} : memref<640xf32, #tpu.memory_space<vmem>>, vector<16xf32>,
          tpu.vector_store %arg6[%swap3A], %add3A_41 {strides = array<i32>} : memref<640xf32, #tpu.memory_space<vmem>>, vector<16xf32>,
        }
        %scan3A_32 = arith.constant 40 : i32
      }
      %scan3A_15 = arith.constant 16 : i32
      %scan3A_16 = arith.constant 0 : i32
      %scan3A_17 = arith.constant 40 : i32
      %scan3A_18 = arith.addi %scan3A_16, %scan3A_17 : i32
      %scan3A_19 = arith.constant 1 : i32
      scf.for %scan3A_22 = %scan3A_16 to %scan3A_18 step %scan3A_19  : i32 {
        %mul3A_23 = arith.constant 16 : i32
        %mul3A_24 = arith.muli %scan3A_22, %mul3A_23 : i32
        %add3A = arith.constant 0 : i32
        %add3A_25 = arith.addi %add3A, %mul3A_24 : i32
        %get3A = arith.index_cast %add3A_25 : i32 to index
        %get3A_26 = tpu.vector_load %arg6[%get3A] {strides = array<i32>} : memref<640xf32, #tpu.memory_space<vmem>>, vector<16xf32>,
        %add3A_27 = arith.constant 1.000000e+00 : f32
        %add3A_28 = vector.broadcast %add3A_27 : f32 to vector<16xf32>
        %add3A_29 = arith.addf %get3A_26, %add3A_28 : vector<16xf32>
        %mul3A_30 = arith.constant 5.000000e-01 : f32
        %mul3A_31 = vector.broadcast %mul3A_30 : f32 to vector<16xf32>
        %mul3A_32 = arith.mulf %add3A_29, %mul3A_31 : vector<16xf32>
        %bitcast3A = vector.bitcast %add3A_29 : vector<16xf32> to vector<16xi32>
        %shift_right_logical3A = arith.constant 1 : i32
        %shift_right_logical3A_33 = vector.broadcast %shift_right_logical3A : i32 to vector<16xi32>
        %shift_right_logical3A_34 = arith.shrui %bitcast3A, %shift_right_logical3A_33 : vector<16xi32>
        %sub3A = arith.constant 1597463007 : i32
        %sub3A_35 = vector.broadcast %sub3A : i32 to vector<16xi32>
        %sub3A_36 = arith.subi %sub3A_35, %shift_right_logical3A_34 : vector<16xi32>
        %bitcast3A_37 = vector.bitcast %sub3A_36 : vector<16xi32> to vector<16xf32>
        %mul3A_38 = arith.mulf %mul3A_32, %bitcast3A_37 : vector<16xf32>
        %mul3A_39 = arith.mulf %mul3A_38, %bitcast3A_37 : vector<16xf32>
        %sub3A_40 = arith.constant 1.500000e+00 : f32
        %sub3A_41 = vector.broadcast %sub3A_40 : f32 to vector<16xf32>
        %sub3A_42 = arith.subf %sub3A_41, %mul3A_39 : vector<16xf32>
        %mul3A_43 = arith.mulf %bitcast3A_37, %sub3A_42 : vector<16xf32>
        %mul3A_44 = arith.mulf %mul3A_32, %mul3A_43 : vector<16xf32>
        %mul3A_45 = arith.mulf %mul3A_44, %mul3A_43 : vector<16xf32>
        %sub3A_46 = arith.constant 1.500000e+00 : f32
        %sub3A_47 = vector.broadcast %sub3A_46 : f32 to vector<16xf32>
        %sub3A_48 = arith.subf %sub3A_47, %mul3A_45 : vector<16xf32>
        %mul3A_49 = arith.mulf %mul3A_43, %sub3A_48 : vector<16xf32>
        %mul3A_50 = arith.mulf %mul3A_32, %mul3A_49 : vector<16xf32>
        %mul3A_51 = arith.mulf %mul3A_50, %mul3A_49 : vector<16xf32>
        %sub3A_52 = arith.constant 1.500000e+00 : f32
        %sub3A_53 = vector.broadcast %sub3A_52 : f32 to vector<16xf32>
        %sub3A_54 = arith.subf %sub3A_53, %mul3A_51 : vector<16xf32>
        %mul3A_55 = arith.mulf %mul3A_49, %sub3A_54 : vector<16xf32>
        %swap3A = arith.index_cast %add3A_25 : i32 to index
        %swap3A_56 = tpu.vector_load %arg6[%swap3A] {strides = array<i32>} : memref<640xf32, #tpu.memory_space<vmem>>, vector<16xf32>,
        tpu.vector_store %arg6[%swap3A], %mul3A_55 {strides = array<i32>} : memref<640xf32, #tpu.memory_space<vmem>>, vector<16xf32>,
      }
      %scan3A_20 = arith.constant 40 : i32
      %mul3A = arith.constant 640 : i32
      %mul3A_21 = arith.muli %arg1, %mul3A : i32
      "tpu.region"() ({
        %run_scoped3A = tpu.sem_alloc : memref<!tpu.dma_semaphore, #tpu.memory_space<semaphore_mem>>
        %dma_start3A = tpu.memref_slice %arg3[%mul3A_21] : memref<10240xf32, #tpu.memory_space<hbm>> -> memref<640xf32, #tpu.memory_space<hbm>>
        %dma_start3A_22 = tpu.memref_slice %arg3[%mul3A_21] : memref<10240xf32, #tpu.memory_space<hbm>> -> memref<640xf32, #tpu.memory_space<hbm>>
        tpu.enqueue_dma source(%arg6 : memref<640xf32, #tpu.memory_space<vmem>>) target(%dma_start3A_22 : memref<640xf32, #tpu.memory_space<hbm>>) target_semaphore(%run_scoped3A : memref<!tpu.dma_semaphore, #tpu.memory_space<semaphore_mem>>)
        %dma_wait3A = tpu.memref_slice %arg3[%mul3A_21] : memref<10240xf32, #tpu.memory_space<hbm>> -> memref<640xf32, #tpu.memory_space<hbm>>
        %dma_wait3A_23 = tpu.memref_slice %arg3[%mul3A_21] : memref<10240xf32, #tpu.memory_space<hbm>> -> memref<640xf32, #tpu.memory_space<hbm>>
        tpu.wait_dma2 semaphore(%run_scoped3A : memref<!tpu.dma_semaphore, #tpu.memory_space<semaphore_mem>>) src(%arg6 : memref<640xf32, #tpu.memory_space<vmem>>) dst(%dma_wait3A_23 : memref<640xf32, #tpu.memory_space<hbm>>)
        tpu.yield
      }) : () -> ()
    } else {
    }
    return
  }
}

module attributes {stable_mosaic.version = 14 : i64} {
  func.func @_tc1_body(%arg0: i32, %arg1: memref<2048x1xf32, #tpu.memory_space<vmem>>, %arg2: memref<2048x128xf32, #tpu.memory_space<vmem>>, %arg3: memref<128x128xf32, #tpu.memory_space<vmem>>, %arg4: memref<2048x128xf32, #tpu.memory_space<vmem>>) attributes {dimension_semantics = [#tpu.dimension_semantics<arbitrary>], iteration_bounds = array<i64: 5>, scalar_prefetch = 0 : i64, scratch_operands = 0 : i64, tpu.core_type = #tpu.core_type<tc>, window_params = [{transform_indices = @transform_0, window_bounds = array<i64: 2048, 1>}, {transform_indices = @transform_1, window_bounds = array<i64: 2048, 128>}, {pipeline_mode = #tpu.pipeline_mode<synchronous>, transform_indices = @transform_2, window_bounds = array<i64: 128, 128>}, {transform_indices = @transform_3, window_bounds = array<i64: 2048, 128>}]} {
    %get3A = arith.constant 0 : index
    %get3A_0 = arith.constant 0 : index
    %get3A_1 = vector.load %arg2[%get3A, %get3A_0] : memref<2048x128xf32, #tpu.memory_space<vmem>>, vector<2048x128xf32>
    %get3A_2 = arith.constant 0 : index
    %get3A_3 = arith.constant 0 : index
    %get3A_4 = vector.load %arg3[%get3A_2, %get3A_3] : memref<128x128xf32, #tpu.memory_space<vmem>>, vector<128x128xf32>
    %dot_general3A = arith.constant dense<0.000000e+00> : vector<2048x128xf32>
    %dot_general3A_5 = tpu.matmul %get3A_1, %get3A_4, %dot_general3A {dimension_numbers = #tpu.dot_dimension_numbers<[1], [0], [0], [1], [0, 0, 1, 1], [], []>, transpose_lhs_hint = false} : vector<2048x128xf32>, vector<128x128xf32>, vector<2048x128xf32> -> vector<2048x128xf32>
    %get3A_6 = arith.constant 0 : index
    %get3A_7 = arith.constant 0 : index
    %get3A_8 = vector.load %arg1[%get3A_6, %get3A_7] : memref<2048x1xf32, #tpu.memory_space<vmem>>, vector<2048x1xf32>
    %mul3A = vector.broadcast %get3A_8 : vector<2048x1xf32> to vector<2048x128xf32>
    %mul3A_9 = arith.mulf %dot_general3A_5, %mul3A : vector<2048x128xf32>
    %swap3A = arith.constant 0 : index
    %swap3A_10 = arith.constant 0 : index
    %swap3A_11 = vector.load %arg4[%swap3A, %swap3A_10] : memref<2048x128xf32, #tpu.memory_space<vmem>>, vector<2048x128xf32>
    tpu.vector_store %arg4[%swap3A, %swap3A_10], %mul3A_9 {strides = array<i32>} : memref<2048x128xf32, #tpu.memory_space<vmem>>, vector<2048x128xf32>,
    return
  }
  func.func @transform_0(%arg0: i32) -> (i32, i32) {
    %c0_i32 = arith.constant 0 : i32
    %c0_i32_0 = arith.constant 0 : i32
    return %arg0, %c0_i32 : i32, i32
  }
  func.func @transform_1(%arg0: i32) -> (i32, i32) {
    %c0_i32 = arith.constant 0 : i32
    %c0_i32_0 = arith.constant 0 : i32
    return %arg0, %c0_i32 : i32, i32
  }
  func.func @transform_2(%arg0: i32) -> (i32, i32) {
    %c0_i32 = arith.constant 0 : i32
    %c0_i32_0 = arith.constant 0 : i32
    %c0_i32_1 = arith.constant 0 : i32
    return %c0_i32, %c0_i32_0 : i32, i32
  }
  func.func @transform_3(%arg0: i32) -> (i32, i32) {
    %c0_i32 = arith.constant 0 : i32
    %c0_i32_0 = arith.constant 0 : i32
    return %arg0, %c0_i32 : i32, i32
  }
}

module attributes {stable_mosaic.version = 14 : i64} {
  func.func @_tc2_body(%arg0: i32, %arg1: memref<2048x1xf32, #tpu.memory_space<vmem>>, %arg2: memref<2x2048x128xf32, #tpu.memory_space<vmem>>, %arg3: memref<2048x128xf32, #tpu.memory_space<vmem>>, %arg4: memref<1x128xf32, #tpu.memory_space<vmem>>, %arg5: memref<128x48xf32, #tpu.memory_space<vmem>>, %arg6: memref<2048x48xf32, #tpu.memory_space<vmem>>) attributes {dimension_semantics = [#tpu.dimension_semantics<arbitrary>], iteration_bounds = array<i64: 5>, scalar_prefetch = 0 : i64, scratch_operands = 0 : i64, tpu.core_type = #tpu.core_type<tc>, window_params = [{transform_indices = @transform_0, window_bounds = array<i64: 2048, 1>}, {transform_indices = @transform_1, window_bounds = array<i64: 2, 2048, 128>}, {transform_indices = @transform_2, window_bounds = array<i64: 2048, 128>}, {pipeline_mode = #tpu.pipeline_mode<synchronous>, transform_indices = @transform_3, window_bounds = array<i64: 1, 128>}, {pipeline_mode = #tpu.pipeline_mode<synchronous>, transform_indices = @transform_4, window_bounds = array<i64: 128, 48>}, {transform_indices = @transform_5, window_bounds = array<i64: 2048, 48>}]} {
    %get3A = arith.constant 0 : index
    %get3A_0 = arith.constant 0 : index
    %get3A_1 = vector.load %arg1[%get3A, %get3A_0] : memref<2048x1xf32, #tpu.memory_space<vmem>>, vector<2048x1xf32>
    %get3A_2 = arith.constant 0 : index
    %get3A_3 = arith.constant 0 : index
    %get3A_4 = arith.constant 0 : index
    %get3A_5 = vector.load %arg2[%get3A_2, %get3A_3, %get3A_4] : memref<2x2048x128xf32, #tpu.memory_space<vmem>>, vector<1x2048x128xf32>
    %get3A_6 = vector.shape_cast %get3A_5 : vector<1x2048x128xf32> to vector<2048x128xf32>
    %get3A_7 = arith.constant 1 : index
    %get3A_8 = arith.constant 0 : index
    %get3A_9 = arith.constant 0 : index
    %get3A_10 = vector.load %arg2[%get3A_7, %get3A_8, %get3A_9] : memref<2x2048x128xf32, #tpu.memory_space<vmem>>, vector<1x2048x128xf32>
    %get3A_11 = vector.shape_cast %get3A_10 : vector<1x2048x128xf32> to vector<2048x128xf32>
    %add3A = arith.addf %get3A_6, %get3A_11 : vector<2048x128xf32>
    %get3A_12 = arith.constant 0 : index
    %get3A_13 = arith.constant 0 : index
    %get3A_14 = vector.load %arg3[%get3A_12, %get3A_13] : memref<2048x128xf32, #tpu.memory_space<vmem>>, vector<2048x128xf32>
    %add3A_15 = arith.addf %add3A, %get3A_14 : vector<2048x128xf32>
    %mul3A = vector.broadcast %get3A_1 : vector<2048x1xf32> to vector<2048x128xf32>
    %mul3A_16 = arith.mulf %mul3A, %add3A_15 : vector<2048x128xf32>
    %get3A_17 = arith.constant 0 : index
    %get3A_18 = arith.constant 0 : index
    %get3A_19 = vector.load %arg4[%get3A_17, %get3A_18] : memref<1x128xf32, #tpu.memory_space<vmem>>, vector<1x128xf32>
    %add3A_20 = vector.broadcast %get3A_19 : vector<1x128xf32> to vector<2048x128xf32>
    %add3A_21 = arith.addf %mul3A_16, %add3A_20 : vector<2048x128xf32>
    %max3A = arith.constant 0.000000e+00 : f32
    %max3A_22 = vector.broadcast %max3A : f32 to vector<2048x128xf32>
    %max3A_23 = arith.maximumf %add3A_21, %max3A_22 : vector<2048x128xf32>
    %get3A_24 = arith.constant 0 : index
    %get3A_25 = arith.constant 0 : index
    %get3A_26 = vector.load %arg5[%get3A_24, %get3A_25] : memref<128x48xf32, #tpu.memory_space<vmem>>, vector<128x48xf32>
    %dot_general3A = arith.constant dense<0.000000e+00> : vector<2048x48xf32>
    %dot_general3A_27 = tpu.matmul %max3A_23, %get3A_26, %dot_general3A {dimension_numbers = #tpu.dot_dimension_numbers<[1], [0], [0], [1], [0, 0, 1, 1], [], []>, transpose_lhs_hint = false} : vector<2048x128xf32>, vector<128x48xf32>, vector<2048x48xf32> -> vector<2048x48xf32>
    %get3A_28 = arith.constant 0 : index
    %get3A_29 = arith.constant 0 : index
    %get3A_30 = vector.load %arg1[%get3A_28, %get3A_29] : memref<2048x1xf32, #tpu.memory_space<vmem>>, vector<2048x1xf32>
    %mul3A_31 = vector.broadcast %get3A_30 : vector<2048x1xf32> to vector<2048x48xf32>
    %mul3A_32 = arith.mulf %dot_general3A_27, %mul3A_31 : vector<2048x48xf32>
    %swap3A = arith.constant 0 : index
    %swap3A_33 = arith.constant 0 : index
    %swap3A_34 = vector.load %arg6[%swap3A, %swap3A_33] : memref<2048x48xf32, #tpu.memory_space<vmem>>, vector<2048x48xf32>
    tpu.vector_store %arg6[%swap3A, %swap3A_33], %mul3A_32 {strides = array<i32>} : memref<2048x48xf32, #tpu.memory_space<vmem>>, vector<2048x48xf32>,
    return
  }
  func.func @transform_0(%arg0: i32) -> (i32, i32) {
    %c0_i32 = arith.constant 0 : i32
    %c0_i32_0 = arith.constant 0 : i32
    return %arg0, %c0_i32 : i32, i32
  }
  func.func @transform_1(%arg0: i32) -> (i32, i32, i32) {
    %c0_i32 = arith.constant 0 : i32
    %c0_i32_0 = arith.constant 0 : i32
    %c0_i32_1 = arith.constant 0 : i32
    return %c0_i32, %arg0, %c0_i32_0 : i32, i32, i32
  }
  func.func @transform_2(%arg0: i32) -> (i32, i32) {
    %c0_i32 = arith.constant 0 : i32
    %c0_i32_0 = arith.constant 0 : i32
    return %arg0, %c0_i32 : i32, i32
  }
  func.func @transform_3(%arg0: i32) -> (i32, i32) {
    %c0_i32 = arith.constant 0 : i32
    %c0_i32_0 = arith.constant 0 : i32
    %c0_i32_1 = arith.constant 0 : i32
    return %c0_i32, %c0_i32_0 : i32, i32
  }
  func.func @transform_4(%arg0: i32) -> (i32, i32) {
    %c0_i32 = arith.constant 0 : i32
    %c0_i32_0 = arith.constant 0 : i32
    %c0_i32_1 = arith.constant 0 : i32
    return %c0_i32, %c0_i32_0 : i32, i32
  }
  func.func @transform_5(%arg0: i32) -> (i32, i32) {
    %c0_i32 = arith.constant 0 : i32
    %c0_i32_0 = arith.constant 0 : i32
    return %arg0, %c0_i32 : i32, i32
  }
}

module attributes {stable_mosaic.version = 14 : i64} {
  func.func @_tc3_body(%arg0: i32, %arg1: memref<2000x1xf32, #tpu.memory_space<vmem>>, %arg2: memref<2x2000x48xf32, #tpu.memory_space<vmem>>, %arg3: memref<2000x48xf32, #tpu.memory_space<vmem>>, %arg4: memref<1x48xf32, #tpu.memory_space<vmem>>, %arg5: memref<2000x40xf32, #tpu.memory_space<vmem>>) attributes {dimension_semantics = [#tpu.dimension_semantics<arbitrary>], iteration_bounds = array<i64: 5>, scalar_prefetch = 0 : i64, scratch_operands = 0 : i64, tpu.core_type = #tpu.core_type<tc>, window_params = [{transform_indices = @transform_0, window_bounds = array<i64: 2000, 1>}, {transform_indices = @transform_1, window_bounds = array<i64: 2, 2000, 48>}, {transform_indices = @transform_2, window_bounds = array<i64: 2000, 48>}, {pipeline_mode = #tpu.pipeline_mode<synchronous>, transform_indices = @transform_3, window_bounds = array<i64: 1, 48>}, {transform_indices = @transform_4, window_bounds = array<i64: 2000, 40>}]} {
    %get3A = arith.constant 0 : index
    %get3A_0 = arith.constant 0 : index
    %get3A_1 = vector.load %arg1[%get3A, %get3A_0] : memref<2000x1xf32, #tpu.memory_space<vmem>>, vector<2000x1xf32>
    %get3A_2 = arith.constant 0 : index
    %get3A_3 = arith.constant 0 : index
    %get3A_4 = arith.constant 0 : index
    %get3A_5 = vector.load %arg2[%get3A_2, %get3A_3, %get3A_4] : memref<2x2000x48xf32, #tpu.memory_space<vmem>>, vector<1x2000x48xf32>
    %get3A_6 = vector.shape_cast %get3A_5 : vector<1x2000x48xf32> to vector<2000x48xf32>
    %get3A_7 = arith.constant 1 : index
    %get3A_8 = arith.constant 0 : index
    %get3A_9 = arith.constant 0 : index
    %get3A_10 = vector.load %arg2[%get3A_7, %get3A_8, %get3A_9] : memref<2x2000x48xf32, #tpu.memory_space<vmem>>, vector<1x2000x48xf32>
    %get3A_11 = vector.shape_cast %get3A_10 : vector<1x2000x48xf32> to vector<2000x48xf32>
    %add3A = arith.addf %get3A_6, %get3A_11 : vector<2000x48xf32>
    %get3A_12 = arith.constant 0 : index
    %get3A_13 = arith.constant 0 : index
    %get3A_14 = vector.load %arg3[%get3A_12, %get3A_13] : memref<2000x48xf32, #tpu.memory_space<vmem>>, vector<2000x48xf32>
    %add3A_15 = arith.addf %add3A, %get3A_14 : vector<2000x48xf32>
    %mul3A = vector.broadcast %get3A_1 : vector<2000x1xf32> to vector<2000x48xf32>
    %mul3A_16 = arith.mulf %mul3A, %add3A_15 : vector<2000x48xf32>
    %get3A_17 = arith.constant 0 : index
    %get3A_18 = arith.constant 0 : index
    %get3A_19 = vector.load %arg4[%get3A_17, %get3A_18] : memref<1x48xf32, #tpu.memory_space<vmem>>, vector<1x48xf32>
    %add3A_20 = vector.broadcast %get3A_19 : vector<1x48xf32> to vector<2000x48xf32>
    %add3A_21 = arith.addf %mul3A_16, %add3A_20 : vector<2000x48xf32>
    %reduce_max3A = arith.constant dense<0xFF800000> : vector<2000xf32>
    %reduce_max3A_22 = vector.multi_reduction <maximumf>, %add3A_21, %reduce_max3A [1] : vector<2000x48xf32> to vector<2000xf32>
    %broadcast_in_dim3A = vector.shape_cast %reduce_max3A_22 : vector<2000xf32> to vector<2000x1xf32>
    %sub3A = vector.broadcast %broadcast_in_dim3A : vector<2000x1xf32> to vector<2000x48xf32>
    %sub3A_23 = arith.subf %add3A_21, %sub3A : vector<2000x48xf32>
    %exp3A = math.exp %sub3A_23 : vector<2000x48xf32>
    %reduce_sum3A = arith.constant dense<0.000000e+00> : vector<2000xf32>
    %reduce_sum3A_24 = vector.multi_reduction <add>, %exp3A, %reduce_sum3A [1] : vector<2000x48xf32> to vector<2000xf32>
    %broadcast_in_dim3A_25 = vector.shape_cast %reduce_sum3A_24 : vector<2000xf32> to vector<2000x1xf32>
    %log3A = math.log %broadcast_in_dim3A_25 : vector<2000x1xf32>
    %sub3A_26 = vector.broadcast %log3A : vector<2000x1xf32> to vector<2000x48xf32>
    %sub3A_27 = arith.subf %sub3A_23, %sub3A_26 : vector<2000x48xf32>
    %slice3A = vector.extract_strided_slice %sub3A_27 {offsets = [0, 0], sizes = [2000, 40], strides = [1, 1]} : vector<2000x48xf32> to vector<2000x40xf32>
    %swap3A = arith.constant 0 : index
    %swap3A_28 = arith.constant 0 : index
    %swap3A_29 = vector.load %arg5[%swap3A, %swap3A_28] : memref<2000x40xf32, #tpu.memory_space<vmem>>, vector<2000x40xf32>
    tpu.vector_store %arg5[%swap3A, %swap3A_28], %slice3A {strides = array<i32>} : memref<2000x40xf32, #tpu.memory_space<vmem>>, vector<2000x40xf32>,
    return
  }
  func.func @transform_0(%arg0: i32) -> (i32, i32) {
    %c0_i32 = arith.constant 0 : i32
    %c0_i32_0 = arith.constant 0 : i32
    return %arg0, %c0_i32 : i32, i32
  }
  func.func @transform_1(%arg0: i32) -> (i32, i32, i32) {
    %c0_i32 = arith.constant 0 : i32
    %c0_i32_0 = arith.constant 0 : i32
    %c0_i32_1 = arith.constant 0 : i32
    return %c0_i32, %arg0, %c0_i32_0 : i32, i32, i32
  }
  func.func @transform_2(%arg0: i32) -> (i32, i32) {
    %c0_i32 = arith.constant 0 : i32
    %c0_i32_0 = arith.constant 0 : i32
    return %arg0, %c0_i32 : i32, i32
  }
  func.func @transform_3(%arg0: i32) -> (i32, i32) {
    %c0_i32 = arith.constant 0 : i32
    %c0_i32_0 = arith.constant 0 : i32
    %c0_i32_1 = arith.constant 0 : i32
    return %c0_i32, %c0_i32_0 : i32, i32
  }
  func.func @transform_4(%arg0: i32) -> (i32, i32) {
    %c0_i32 = arith.constant 0 : i32
    %c0_i32_0 = arith.constant 0 : i32
    return %arg0, %c0_i32 : i32, i32
  }
}

</mosaic_0001>

<sc_bundles>
// kernel: kernel.11.cloned.1.call-start
scs
__scs_entry_jumppad:
0x0: {  	(pc) =	sbr.rel $0x88, $3  }
0x1: {  	(tag) =	ssettag $0x0;
	lr =	simm.s32 $0x1  }
0x2: {  	[smem:$0x3F9B] =	sst lr;
	_ =	strace $0xD0000000  }
0x3: {  	_ = 	snop  }
0x4: {  	_ = 	snop  }
0x5: {  	_ = 	snop  }
0x6: {  	_ = 	snop  }
0x7: {  	_ = 	snop  }
__scs_overlays_trampoline_lowered:
0x8: {  	[smem:$0x3FAA] =	sst s0  }
0x9: {  	[smem:$0x3FAB] =	sst s1  }
0xa: {  	[smem:$0x3FAC] =	sst s2  }
0xb: {  	[smem:$0x3FAD] =	sst s3  }
0xc: {  	[smem:$0x3FAE] =	sst s4  }
0xd: {  	[smem:$0x3FAF] =	sst s5  }
0xe: {  	[smem:$0x3FB0] =	sst s6  }
0xf: {  	[smem:$0x3FB1] =	sst s7  }
0x10: {  	[smem:$0x3FB2] =	sst s8  }
0x11: {  	[smem:$0x3FB3] =	sst s9;
	s0 =	simm.s32 @!p0 $0x0  }
0x12: {  	s1 =	sld [smem:$0x3F99];
	s0 =	simm.s32 @p0 $0x1  }
0x13: {  	[smem:$0x3FB4] =	sst s0;
	s0 =	simm.s32 @!p1 $0x0  }
0x14: {  	s2 =	sld [smem:$0x3F98];
	s0 =	simm.s32 @p1 $0x1  }
0x15: {  	[smem:$0x3FB5] =	sst s0;
	s0 =	simm.s32 @!p2 $0x0  }
0x16: {  	s3 =	sld [smem:$0x3FDB];
	s0 =	simm.s32 @p2 $0x1  }
0x17: {  	s4 =	simm.s32 $0x1BF5;
	[smem:$0x3FB7] =	sst s0  }
0x18: {  	s0 =	sld [smem:$0x3F9A];
	_ =	swait.ge [sflag:s4], $0x0  }
0x19: {  	s7 =	sld [smem:$0x3F9B]  }
0x1a: {  	s8 =	sadd.s32 $0xFFFFE003, lr  }
0x1b: {  	s9 =	sadd.s32 $0xFFFFFEF7, lr;
	s5 =	simm.s32 $0xFFFFFFFF;
	p2 =	slt.u32 s8, $0xFFFFF086  }
0x1c: {  	p1 =	slt.u32 s9, $0xF7A;
	s5 =	simm.s32 @!p2 $0x0  }
0x1d: {  	s5 =	simm.s32 @p1 $0x1;
	p0 =	seq.s32 s7, s2  }
0x1e: {  	s7 =	smul.u32 @!p0 $0xF7A, s2;
	p2 =	seq.s32 @!p0 s5, $0x0  }
0x1f: {  	s9 =	smul.u32 $0xF7A, s1;
	s8 =	simm.s32 @!p0 $0x1BF5;
	p2 =	por !p2, p0  }
0x20: {  	[sflag:s8] =	ssyncset.s32 @!p0 $0xFFFFF086;
	s6 =	sadd.s32 @!p0 s3, s7;
	s7 =	simm.s32 @!p0 $0x108  }
0x21: {  	s3 =	sadd.s32 s3, s9;
	s6 =	sadd.s32 @!p0 $0x88, s6;
	s7 =	simm.s32 @p2 $0x1082  }
0x22: {  	[simem:s7], [sflag:s8] =	dma.local @!p0 [hbm:s6], $0xF7A  }
0x23: {  	s9 =	sor.u32 $0xD0000000, s2;
	s6 =	simm.s32 $0x108;
	_ =	swait.ge @!p0 [sflag:s8], $0x0  }
0x24: {  	s3 =	sadd.s32 $0x88, s3;
	s6 =	simm.s32 @!p1 $0x1082;
	[sflag:s4] =	ssyncset.s32 $0xFFFFF086  }
0x25: {  	[simem:s6], [sflag:s4] =	dma.local [hbm:s3], $0xF7A  }
0x26: {  	[smem:$0x3F9B] =	sst s1;
	(tag) =	ssettag s2;
	_ =	strace s9  }
0x27: {  	s1 =	sld [smem:$0x3FAB]  }
0x28: {  	s2 =	sld [smem:$0x3FAC]  }
0x29: {  	s4 =	sld [smem:$0x3FAE]  }
0x2a: {  	p0 =	seq.s32 s5, $0x0;
	s5 =	sld [smem:$0x3FAF]  }
0x2b: {  	s6 =	sld [smem:$0x3FB0]  }
0x2c: {  	s7 =	sld [smem:$0x3FB1]  }
0x2d: {  	s3 =	simm.s32 $0x108;
	s8 =	sld [smem:$0x3FB2]  }
0x2e: {  	s3 =	simm.s32 @!p0 $0x1082;
	s9 =	sld [smem:$0x3FB3]  }
0x2f: {  	lr =	sadd.s32 s0, s3;
	s0 =	sld [smem:$0x3FAA]  }
0x30: {  	s3 =	sld [smem:$0x3FAD]  }
0x31: {  	[smem:$0x3FB6] =	sst s10  }
0x32: {  	s10 =	sld [smem:$0x3FB4];
	_ =	sdelay $0x3  }
0x33: {  	p0 =	seq.s32 s10, $0x1;
	s10 =	sld [smem:$0x3FB6];
	_ =	sdelay $0x3  }
0x34: {  	[smem:$0x3FB6] =	sst s10  }
0x35: {  	s10 =	sld [smem:$0x3FB5];
	_ =	sdelay $0x3  }
0x36: {  	p1 =	seq.s32 s10, $0x1;
	s10 =	sld [smem:$0x3FB6];
	_ =	sdelay $0x3  }
0x37: {  	[smem:$0x3FB6] =	sst s10  }
0x38: {  	s10 =	sld [smem:$0x3FB7]  }
0x39: {  	_ = 	snop;
	(pc) =	sbr.ind lr, $3  }
0x3a: {  	_ = 	snop  }
0x3b: {  	_ = 	snop  }
0x3c: {  	p2 =	seq.s32 s10, $0x1;
	s10 =	sld [smem:$0x3FB6]  }
0x3d: {  	_ =	shalt  }
0x3e: {  	_ =	shalt  }
0x3f: {  	_ =	shalt  }
0x40: {  	_ =	shalt  }
0x41: {  	_ =	shalt  }
0x42: {  	_ =	shalt  }
0x43: {  	_ =	shalt  }
0x44: {  	_ =	shalt  }
0x45: {  	_ =	shalt  }
0x46: {  	_ =	shalt  }
0x47: {  	_ =	shalt  }
0x48: {  	_ =	shalt  }
0x49: {  	_ =	shalt  }
0x4a: {  	_ =	shalt  }
0x4b: {  	_ =	shalt  }
0x4c: {  	_ =	shalt  }
0x4d: {  	_ =	shalt  }
0x4e: {  	_ =	shalt  }
0x4f: {  	_ =	shalt  }
0x50: {  	_ =	shalt  }
0x51: {  	_ =	shalt  }
0x52: {  	_ =	shalt  }
0x53: {  	_ =	shalt  }
0x54: {  	_ =	shalt  }
0x55: {  	_ =	shalt  }
0x56: {  	_ =	shalt  }
0x57: {  	_ =	shalt  }
0x58: {  	_ =	shalt  }
0x59: {  	_ =	shalt  }
0x5a: {  	_ =	shalt  }
0x5b: {  	_ =	shalt  }
0x5c: {  	_ =	shalt  }
0x5d: {  	_ =	shalt  }
0x5e: {  	_ =	shalt  }
0x5f: {  	_ =	shalt  }
0x60: {  	_ =	shalt  }
0x61: {  	_ =	shalt  }
0x62: {  	_ =	shalt  }
0x63: {  	_ =	shalt  }
0x64: {  	_ =	shalt  }
0x65: {  	_ =	shalt  }
0x66: {  	_ =	shalt  }
0x67: {  	_ =	shalt  }
0x68: {  	_ =	shalt  }
0x69: {  	_ =	shalt  }
0x6a: {  	_ =	shalt  }
0x6b: {  	_ =	shalt  }
0x6c: {  	_ =	shalt  }
0x6d: {  	_ =	shalt  }
0x6e: {  	_ =	shalt  }
0x6f: {  	_ =	shalt  }
0x70: {  	_ =	shalt  }
0x71: {  	_ =	shalt  }
0x72: {  	_ =	shalt  }
0x73: {  	_ =	shalt  }
0x74: {  	_ =	shalt  }
0x75: {  	_ =	shalt  }
0x76: {  	_ =	shalt  }
0x77: {  	_ =	shalt  }
0x78: {  	_ =	shalt  }
0x79: {  	_ =	shalt  }
0x7a: {  	_ =	shalt  }
0x7b: {  	_ =	shalt  }
0x7c: {  	_ =	shalt  }
0x7d: {  	_ =	shalt  }
0x7e: {  	_ =	shalt  }
0x7f: {  	_ =	shalt  }
0x80: {  	_ =	shalt  }
0x81: {  	_ =	shalt  }
0x82: {  	_ =	shalt  }
0x83: {  	_ =	shalt  }
0x84: {  	_ =	shalt  }
0x85: {  	_ =	shalt  }
0x86: {  	_ =	shalt  }
0x87: {  	_ =	shalt  }
.Lfunc_end0:
.L_simem_size_0:
called_computation.1_lowered:
.L_overlay_start_0:
0x88: {  	s2 =	sld [smem:$0x3FD9]  }
0x89: {  	s3 =	sld [smem:$0x3FFE];
	_ =	sdelay $0x1  }
0x8a: {  	s1 =	srdreg.scid  }
0x8b: {  	s0 =	sand.u32 $0x1, s1  }
0x8c: {  	s17 =	sshll.u32 s0, $0xA;
	s2 =	sadd.s32 s3, s2  }
0x8d: {  	s2 =	sadd.s32 s2, s17  }
0x8e: {  	[smem:$0x3FC2] =	sst s2  }
0x8f: {  	_ = 	snop  }
0x90: {  	s2 =	sld [smem:$0x3FD0];
	(tm) =	ssettm $0x1  }
0x91: {  	s18 =	sld [smem:$0x3FFB];
	_ =	sdelay $0x3  }
0x92: {  	_ =	strace s18  }
0x93: {  	s3 =	sld [smem:$0x3FFC];
	_ =	sdelay $0x3  }
0x94: {  	_ =	strace s3  }
0x95: {  	s3 =	sld [smem:$0x3FFD];
	_ =	sdelay $0x3  }
0x96: {  	_ =	strace s3  }
0x97: {  	_ =	strace $0x8FFFFFFF  }
0x98: {  	s19 =	sld [smem:$0x3FDB];
	_ =	sdelay $0x1  }
0x99: {  	s4 =	simm.s32 $_scs_section_size  }
0x9a: {  	s5 =	simm.s32 $_size__tile_overlayer_lowered;
	s6 =	simm.s32 $_tile_overlayer_lowered  }
0x9b: {  	s22 =	simm.s32 $0x1BFF;
	s21 =	sshll.u32 s6, $0x1;
	s3 =	sadd.s32 s4, s19  }
0x9c: {  	s7 =	simm.s32 $0x0;
	s20 =	sshll.u32 s5, $0x1;
	s5 =	sadd.s32 s21, s3  }
0x9d: {  	[timem:s7], [sflag:s22] =	dma.local [hbm:s5], s20  }
0x9e: {  	_ =	swait.ge [sflag:s22], s20  }
0x9f: {  	s4 =	ssub.s32 $0x0, s20;
	[sflag:s22] =	ssyncset.done $0x0  }
0xa0: {  	[sflag:s22] =	ssyncadd.s32 s4;
	_ =	sdelay $0x1  }
0xa1: {  	s23 =	simm.s32 $0x1B8B  }
0xa2: {  	_ =	swait.ge [sflag:s23], $0x1  }
0xa3: {  	[sflag:s23] =	ssyncset.done $0x0  }
0xa4: {  	s25 =	simm.s32 $0x1B8E;
	s24 =	sld [smem:$0x3FFE];
	[sflag:s23] =	ssyncadd.s32 $0xFFFFFFFF  }
0xa5: {  	s26 =	simm.s32 $execute0_lowered;
	[smem:$0x3FD2] =	sst s25  }
0xa6: {  	s5 =	sshll.u32 s26, $0x1;
	_ =	strace $0x80000049;
	[dreg:$0x1] =	wrdreg $0xFFFFFFFF  }
0xa7: {  	s28 =	simm.s32 $_size_execute0_lowered;
	s3 =	sadd.s32 s3, s5;
	[dreg:$0x0] =	wrdreg $0x0  }
0xa8: {  	s5 =	sshll.u32 s28, $0x1;
	[dreg:$0x2] =	wrdreg s3  }
0xa9: {  	[dreg:$0x3] =	wrdreg s5  }
0xaa: {  	[dreg:$0x4] =	wrdreg $0xC0  }
0xab: {  	_ =	task [dreg:s7], $0x5FFFF  }
0xac: {  	[dreg:$0x1] =	wrdreg $0xFFFFFFFF  }
0xad: {  	[dreg:$0x0] =	wrdreg $0x60  }
0xae: {  	[dreg:$0x2] =	wrdreg s24  }
0xaf: {  	[dreg:$0x3] =	wrdreg s2  }
0xb0: {  	[dreg:$0x4] =	wrdreg $0x84000  }
0xb1: {  	[dreg:$0x5] =	wrdreg $0x9  }
0xb2: {  	_ =	task.clear_ibuf [dreg:s7], $0x6FFFF;
	_ =	strace $0x90000049  }
0xb3: {  	s29 =	simm.s32 $0x9;
	_ =	strace $0x8000004B  }
0xb4: {  	_ =	swait.ge [sflag:s29], $0x1  }
0xb5: {  	[sflag:s29] =	ssyncadd.s32 $0xFFFFFFFF  }
0xb6: {  	_ =	strace $0x9000004B  }
0xb7: {  	_ =	sfence  }
0xb8: {  	s30 =	sld [smem:$0x0];
	_ =	sdelay $0x2  }
0xb9: {  	s31 =	sshll.u32 s1, $0xD;
	s1 =	sshrl.u32 s1, $0x2  }
0xba: {  	s3 =	sand.u32 $0x4000, s31;
	s1 =	sadd.s32 s1, s30  }
0xbb: {  	s0 =	sor.u32 s3, s0;
	s1 =	sshll.u32 s1, $0x11  }
0xbc: {  	s0 =	sor.u32 s1, s0  }
0xbd: {  	s0 =	sadd.s32 $0x8F2B, s0  }
0xbe: {  	[sflag:s0] =	ssyncadd.remote.s32 $0x1  }
0xbf: {  	_ =	sfence.sel $0xFFFF  }
0xc0: {  	[dreg:$0x0] =	wrdreg $0xFFFFFFFF;
	(pc) =	sbr.abs _section_cstart, $3  }
0xc1: {  	[dreg:$0x1] =	wrdreg $0xFFFFFFFF  }
0xc2: {  	_ =	task.clear_ibuf [dreg:s7], $0x2FFFF;
	_ =	strace $0x9FFFFFFF  }
0xc3: {  	(tm) =	ssettm $0x7FFFFFFF  }
tec
execute0_lowered:
.L_overlay_start_1:
0x0: {  	(tag) =	ssettag $0x1  }
0x1: {  	s0 =	rddreg [dreg:$0x0]  }
0x2: {  	s3 =	rddreg [dreg:$0x2]  }
0x3: {  	s1 =	srdreg.scid;
	s11 =	stileid.u32;
	s4 =	simm.s32 $0x0  }
0x4: {  	s28 =	simm.s32 $0x1;
	s29 =	simm.s32 $0x3;
	s30 =	simm.s32 $0x7  }
0x5: {  	s31 =	simm.s32 $0x2;
	s1 =	sand.u32 $0x1, s1;
	s2 =	smul.u32 $0x14000, s11  }
0x6: {  	[smem:$0x7FF] =	sst s4;
	s5 =	sadd.s32 $0x16200, s0;
	s7 =	sshll.u32 s11, $0x1  }
0x7: {  	s8 =	sadd.s32 $0x2200, s0;
	s10 =	smul.u32 $0xA000, s11;
	s18 =	sshll.u32 s11, $0x6  }
0x8: {  	s6 =	smul.u32 $0x140000, s1;
	_ =	strace $0x8000004A;
	s9 =	ssub.s32 $0x2, s1  }
0x9: {  	s7 =	sor.u32 s1, s7;
	s1 =	smul.u32 $0x5000, s1;
	s16 =	sshrl.u32 s9, $0x1  }
0xa: {  	s7 =	smul.u32 $0x5000, s7;
	s6 =	sadd.s32 s2, s6;
	s9 =	ssub.s32 s9, s16  }
0xb: {  	s2 =	sadd.s32 s2, s3;
	s1 =	sadd.s32 s1, s10;
	s10 =	simm.s32 $0x0  }
0xc: {  	s6 =	sshrl.u32 s6, $0x3;
	s17 =	sshrl.u32 s7, $0x3;
	s7 =	sor.u32 $0x1C09, s18  }
0xd: {  	s21 =	sor.u32 $0x700, s1;
	s22 =	smax.u32 s9, $0x1;
	s24 =	sor.u32 $0x600, s1  }
0xe: {  	s25 =	sor.u32 $0x500, s1;
	s1 =	sor.u32 $0x400, s1;
	s11 =	sshrl.u32 s2, $0x3  }
0xf: {  	s18 =	simm.s32 $0x9;
	s2 =	simm.s32 $0x8;
	s0 =	sadd.s32 s6, s0  }
0x10: {  	s6 =	sadd.s32 s8, s17;
	[dreg:$0x9] =	wrdreg s22;
	s23 =	sshrl.u32 s21, $0x3  }
0x11: {  	s9 =	sshrl.u32 s25, $0x3;
	s26 =	sshrl.u32 s1, $0x3;
	s21 =	simm.s32 $0x300  }
0x12: {  	s22 =	simm.s32 $0x5;
	s25 =	simm.s32 $0x6;
	s1 =	simm.s32 $0x4  }
0x13: {  	[dreg:$0xa] =	wrdreg s11;
	s19 =	sadd.s32 $0x20, s6;
	s20 =	sadd.s32 $0x40, s6  }
0x14: {  	[dreg:$0x4] =	wrdreg s6;
	s6 =	sadd.s32 $0x60, s6;
	s0 =	sadd.s32 $0x3E200, s0  }
0x15: {  	s13 =	sadd.s32 s23, s8;
	s15 =	sadd.s32 s9, s8;
	[dreg:$0x5] =	wrdreg s19  }
.Ltmp0:
0x16: {  	s16 =	sadd.s32 s26, s8;
	[dreg:$0x6] =	wrdreg s20;
	(pc) =	sbr.rel .LBB2_1-.Ltmp0, $4  }
0x17: {  	s23 =	simm.s32 $0x80;
	s26 =	simm.s32 $0x4400;
	[dreg:$0x7] =	wrdreg s6  }
0x18: {  	s9 =	simm.s32 $0x380;
	[dreg:$0x8] =	wrdreg s0;
	s0 =	sshrl.u32 s24, $0x3  }
0x19: {  	s19 =	simm.s32 $0x100;
	s20 =	simm.s32 $0x200;
	s24 =	simm.s32 $0x400  }
0x1a: {  	s14 =	sadd.s32 s0, s8;
	s0 =	simm.s32 $0x180;
	s8 =	simm.s32 $0x280  }
.LBB2_4:
0x1b: {  	_ =	swait.ge [sflag:s31], $0x4000  }
0x1c: {  	[sflag:s31] =	ssyncset.done $0x0  }
0x1d: {  	[sflag:s31] =	ssyncadd.s32 $0xFFFFC000  }
0x1e: {  	[spmem:s3] =	stream.indirect.scatter.add.f32 [tilespmem:s26], [sflag:$0x4], $0x80, s9, s23, $0xb8;
	[tilespmem:$0x1C400] =	vst v63  }
0x1f: {  	_ =	swait.ge [sflag:s1], $0x4000  }
0x20: {  	[sflag:s1] =	ssyncset.done $0x0  }
0x21: {  	[sflag:s1] =	ssyncadd.s32 $0xFFFFC000  }
0x22: {  	[bflag:$0x0] =	sbarrier.arrive $0xFFFF  }
0x23: {  	s6 =	rddreg [dreg:$0x8]  }
0x24: {  	s11 =	rddreg [dreg:$0xa]  }
0x25: {  	[hbm:s6], [sflag:s17] =	dma.local [spmem:s11], $0x2800  }
0x26: {  	_ =	swait.ge [sflag:s18], $0x2800  }
0x27: {  	s7 =	smov.u32 s17;
	s10 =	sadd.s32 $0x1, s10;
	s17 =	rddreg [dreg:$0x9]  }
0x28: {  	p0 =	sne.s32 s10, s17  }
.Ltmp1:
0x29: {  	_ = 	snop;
	(pc) =	sbr.rel @!p0 .LBB2_5-.Ltmp1, $3  }
0x2a: {  	_ =	sdelay $0x1  }
0x2b: {  	[sflag:s18] =	ssyncset.done $0x0  }
0x2c: {  	[sflag:s18] =	ssyncadd.s32 $0xFFFFD800  }
.LBB2_1:
0x2d: {  	s6 =	rddreg [dreg:$0x1]  }
0x2e: {  	[spmem:s11], [sflag:s7] =	dma.local [hbm:s6], $0x2800  }
0x2f: {  	_ =	swait.ge [sflag:s18], $0x2800  }
0x30: {  	[sflag:s18] =	ssyncset.done $0x0  }
0x31: {  	[sflag:s18] =	ssyncadd.s32 $0xFFFFD800  }
0x32: {  	[bflag:$0x0] =	sbarrier.arrive $0xFFFF  }
0x33: {  	s12 =	rddreg [dreg:$0x4]  }
0x34: {  	[tilespmem:s4], [sflag:$0x5] =	stream.linear.gather [hbm4b:s12+s4], $0x100, $0x38;
	[tilespmem:$0x1C400] =	vst v63  }
0x35: {  	s17 =	smov.u32 s7;
	s7 =	rddreg [dreg:$0x5]  }
0x36: {  	[tilespmem:s19], [sflag:$0x6] =	stream.linear.gather [hbm4b:s7+s4], $0x100, $0x38;
	[tilespmem:$0x1C400] =	vst v63  }
0x37: {  	s11 =	rddreg [dreg:$0x6]  }
0x38: {  	[tilespmem:s20], [sflag:$0x7] =	stream.linear.gather [hbm4b:s11+s4], $0x100, $0x38;
	[tilespmem:$0x1C400] =	vst v63  }
0x39: {  	s12 =	rddreg [dreg:$0x7]  }
0x3a: {  	[tilespmem:s21], [sflag:$0x8] =	stream.linear.gather [hbm4b:s12+s4], $0x100, $0x38;
	[tilespmem:$0x1C400] =	vst v63  }
0x3b: {  	_ =	swait.ge [sflag:s22], $0x100  }
0x3c: {  	[sflag:s22] =	ssyncset.done $0x0  }
0x3d: {  	[sflag:s22] =	ssyncadd.s32 $0xFFFFFF00  }
0x3e: {  	[tilespmem:s24], [sflag:$0x1] =	stream.indirect.gather [hbm4b:s5+s23], $0x80, s4, s23, $0xb8;
	[tilespmem:$0x1C400] =	vst v63  }
0x3f: {  	_ =	swait.ge [sflag:s25], $0x100  }
0x40: {  	[sflag:s25] =	ssyncset.done $0x0  }
0x41: {  	s11 =	simm.s32 $0x0;
	[sflag:s25] =	ssyncadd.s32 $0xFFFFFF00  }
0x42: {  	[tilespmem:s26], [sflag:$0x2] =	stream.indirect.gather [hbm4b:s5+s23], $0x80, s19, s23, $0xb8;
	[tilespmem:$0x1C400] =	vst v63  }
.LBB2_2:
0x43: {  	_ =	swait.ge [sflag:s28], $0x4000  }
0x44: {  	[sflag:s28] =	ssyncset.done $0x0  }
0x45: {  	[sflag:s28] =	ssyncadd.s32 $0xFFFFC000  }
0x46: {  	[spmem:s3] =	stream.indirect.scatter.add.f32 [tilespmem:s24], [sflag:$0x3], $0x80, s23, s23, $0xb8;
	[tilespmem:$0x1C400] =	vst v63  }
0x47: {  	_ =	swait.ge [sflag:s29], $0x4000  }
0x48: {  	p0 =	seq.s32 s11, $0x980;
	[sflag:s29] =	ssyncset.done $0x0  }
0x49: {  	s12 =	sadd.s32 @!p0 s11, s16;
	s6 =	simm.s32 @!p0 $0x0;
	[sflag:s29] =	ssyncadd.s32 $0xFFFFC000  }
0x4a: {  	[tilespmem:s6], [sflag:$0x5] =	stream.linear.gather @!p0 [hbm4b:s12+s6], $0x100, $0x38;
	[tilespmem:$0x1C400] =	vst v63  }
0x4b: {  	_ =	swait.ge [sflag:s30], $0x100  }
0x4c: {  	[sflag:s30] =	ssyncset.done $0x0  }
0x4d: {  	[sflag:s30] =	ssyncadd.s32 $0xFFFFFF00  }
0x4e: {  	[tilespmem:s24], [sflag:$0x1] =	stream.indirect.gather [hbm4b:s5+s23], $0x80, s20, s23, $0xb8;
	[tilespmem:$0x1C400] =	vst v63  }
0x4f: {  	_ =	swait.ge [sflag:s31], $0x4000  }
0x50: {  	[sflag:s31] =	ssyncset.done $0x0  }
0x51: {  	[sflag:s31] =	ssyncadd.s32 $0xFFFFC000  }
0x52: {  	[spmem:s3] =	stream.indirect.scatter.add.f32 [tilespmem:s26], [sflag:$0x4], $0x80, s0, s23, $0xb8;
	[tilespmem:$0x1C400] =	vst v63  }
0x53: {  	_ =	swait.ge [sflag:s1], $0x4000  }
0x54: {  	[sflag:s1] =	ssyncset.done $0x0  }
0x55: {  	s7 =	simm.s32 @!p0 $0x100;
	s12 =	sadd.s32 @!p0 s11, s15;
	[sflag:s1] =	ssyncadd.s32 $0xFFFFC000  }
0x56: {  	[tilespmem:s7], [sflag:$0x6] =	stream.linear.gather @!p0 [hbm4b:s12+s6], $0x100, $0x38;
	[tilespmem:$0x1C400] =	vst v63  }
0x57: {  	_ =	swait.ge [sflag:s2], $0x100  }
0x58: {  	[sflag:s2] =	ssyncset.done $0x0  }
0x59: {  	[sflag:s2] =	ssyncadd.s32 $0xFFFFFF00  }
0x5a: {  	[tilespmem:s26], [sflag:$0x2] =	stream.indirect.gather [hbm4b:s5+s23], $0x80, s21, s23, $0xb8;
	[tilespmem:$0x1C400] =	vst v63  }
0x5b: {  	_ =	swait.ge [sflag:s28], $0x4000  }
0x5c: {  	[sflag:s28] =	ssyncset.done $0x0  }
.Ltmp2:
0x5d: {  	[sflag:s28] =	ssyncadd.s32 $0xFFFFC000;
	(pc) =	sbr.rel @p0 .LBB2_4-.Ltmp2, $4  }
0x5e: {  	[spmem:s3] =	stream.indirect.scatter.add.f32 [tilespmem:s24], [sflag:$0x3], $0x80, s8, s23, $0xb8;
	[tilespmem:$0x1C400] =	vst v63  }
0x5f: {  	_ =	swait.ge [sflag:s29], $0x4000  }
0x60: {  	[sflag:s29] =	ssyncset.done $0x0  }
0x61: {  	[sflag:s29] =	ssyncadd.s32 $0xFFFFC000  }
0x62: {  	s6 =	sadd.s32 s11, s14  }
0x63: {  	[tilespmem:s20], [sflag:$0x7] =	stream.linear.gather [hbm4b:s6+s4], $0x100, $0x38;
	[tilespmem:$0x1C400] =	vst v63  }
0x64: {  	_ =	swait.ge [sflag:s22], $0x100  }
0x65: {  	[sflag:s22] =	ssyncset.done $0x0  }
0x66: {  	[sflag:s22] =	ssyncadd.s32 $0xFFFFFF00  }
0x67: {  	[tilespmem:s24], [sflag:$0x1] =	stream.indirect.gather [hbm4b:s5+s23], $0x80, s4, s23, $0xb8;
	[tilespmem:$0x1C400] =	vst v63  }
0x68: {  	_ =	swait.ge [sflag:s31], $0x4000  }
0x69: {  	[sflag:s31] =	ssyncset.done $0x0  }
0x6a: {  	[sflag:s31] =	ssyncadd.s32 $0xFFFFC000  }
0x6b: {  	[spmem:s3] =	stream.indirect.scatter.add.f32 [tilespmem:s26], [sflag:$0x4], $0x80, s9, s23, $0xb8;
	[tilespmem:$0x1C400] =	vst v63  }
0x6c: {  	_ =	swait.ge [sflag:s1], $0x4000  }
0x6d: {  	[sflag:s1] =	ssyncset.done $0x0  }
0x6e: {  	s12 =	sadd.s32 s11, s13;
	[sflag:s1] =	ssyncadd.s32 $0xFFFFC000  }
0x6f: {  	[tilespmem:s21], [sflag:$0x8] =	stream.linear.gather [hbm4b:s12+s4], $0x100, $0x38;
	[tilespmem:$0x1C400] =	vst v63  }
.Ltmp3:
0x70: {  	_ = 	snop;
	(pc) =	sbr.rel .LBB2_2-.Ltmp3, $4  }
0x71: {  	_ =	swait.ge [sflag:s25], $0x100  }
0x72: {  	[sflag:s25] =	ssyncset.done $0x0  }
0x73: {  	s11 =	sadd.s32 $0x80, s11;
	[sflag:s25] =	ssyncadd.s32 $0xFFFFFF00  }
0x74: {  	[tilespmem:s26], [sflag:$0x2] =	stream.indirect.gather [hbm4b:s5+s23], $0x80, s19, s23, $0xb8;
	[tilespmem:$0x1C400] =	vst v63  }
.LBB2_5:
0x75: {  	_ =	sfence.sel $0x180000  }
0x76: {  	[bflag:$0x0] =	sbarrier.arrive $0xFFFF  }
0x77: {  	_ =	strace $0x9000004A  }
0x78: {  	s0 =	stileid.u32;
	[bflag:$0x2] =	sbarrier.arrive $0xFFFF  }
0x79: {  	p0 =	sne.s32 s0, $0x0;
	s0 =	rddreg [dreg:$0x3]  }
0x7a: {  	s0 =	sadd.s32 @!p0 $0x100000, s0  }
0x7b: {  	[sflag:s0] =	ssyncadd.tile.s32 @!p0 $0x1;
	_ =	shalt  }
.Lfunc_end2:
_tile_overlayer_lowered:
.L_overlay_start_2:
0x7c: {  	(tag) =	ssettag $0x2  }
0x7d: {  	s0 =	rddreg [dreg:$0x0];
	s2 =	stileid.u32  }
0x7e: {  	s1 =	rddreg [dreg:$0x1];
	p0 =	sne.s32 s2, $0x0  }
0x7f: {  	s3 =	rddreg [dreg:$0x2];
	[bflag:$0x3] =	sbarrier.arrive $0xFFFF;
	s2 =	simm.s32 @!p0 $0x1C09  }
0x80: {  	[timem:s3], [sflag:s2] =	dma.local @!p0 [hbm:s0], s1  }
0x81: {  	s0 =	simm.s32 @!p0 $0x9  }
0x82: {  	_ =	swait.ge @!p0 [sflag:s0], s1  }
0x83: {  	s1 =	ssub.s32 @!p0 $0x0, s1;
	[sflag:s0] =	ssyncset.done @!p0 $0x0  }
0x84: {  	[sflag:s0] =	ssyncadd.s32 @!p0 s1  }
0x85: {  	[bflag:$0x3] =	sbarrier.arrive $0xFFFF  }
0x86: {  	_ =	shalt  }

// kernel: kernel.14.cloned.1.call-start
scs
__scs_entry_jumppad:
0x0: {  	(pc) =	sbr.rel $0x88, $3  }
0x1: {  	(tag) =	ssettag $0x0;
	lr =	simm.s32 $0x1  }
0x2: {  	[smem:$0x3F9B] =	sst lr;
	_ =	strace $0xD0000000  }
0x3: {  	_ = 	snop  }
0x4: {  	_ = 	snop  }
0x5: {  	_ = 	snop  }
0x6: {  	_ = 	snop  }
0x7: {  	_ = 	snop  }
__scs_overlays_trampoline_lowered:
0x8: {  	[smem:$0x3FAA] =	sst s0  }
0x9: {  	[smem:$0x3FAB] =	sst s1  }
0xa: {  	[smem:$0x3FAC] =	sst s2  }
0xb: {  	[smem:$0x3FAD] =	sst s3  }
0xc: {  	[smem:$0x3FAE] =	sst s4  }
0xd: {  	[smem:$0x3FAF] =	sst s5  }
0xe: {  	[smem:$0x3FB0] =	sst s6  }
0xf: {  	[smem:$0x3FB1] =	sst s7  }
0x10: {  	[smem:$0x3FB2] =	sst s8  }
0x11: {  	[smem:$0x3FB3] =	sst s9;
	s0 =	simm.s32 @!p0 $0x0  }
0x12: {  	s1 =	sld [smem:$0x3F99];
	s0 =	simm.s32 @p0 $0x1  }
0x13: {  	[smem:$0x3FB4] =	sst s0;
	s0 =	simm.s32 @!p1 $0x0  }
0x14: {  	s2 =	sld [smem:$0x3F98];
	s0 =	simm.s32 @p1 $0x1  }
0x15: {  	[smem:$0x3FB5] =	sst s0;
	s0 =	simm.s32 @!p2 $0x0  }
0x16: {  	s3 =	sld [smem:$0x3FDB];
	s0 =	simm.s32 @p2 $0x1  }
0x17: {  	s4 =	simm.s32 $0x1BF5;
	[smem:$0x3FB7] =	sst s0  }
0x18: {  	s0 =	sld [smem:$0x3F9A];
	_ =	swait.ge [sflag:s4], $0x0  }
0x19: {  	s7 =	sld [smem:$0x3F9B]  }
0x1a: {  	s8 =	sadd.s32 $0xFFFFE003, lr  }
0x1b: {  	s9 =	sadd.s32 $0xFFFFFEF7, lr;
	s5 =	simm.s32 $0xFFFFFFFF;
	p2 =	slt.u32 s8, $0xFFFFF086  }
0x1c: {  	p1 =	slt.u32 s9, $0xF7A;
	s5 =	simm.s32 @!p2 $0x0  }
0x1d: {  	s5 =	simm.s32 @p1 $0x1;
	p0 =	seq.s32 s7, s2  }
0x1e: {  	s7 =	smul.u32 @!p0 $0xF7A, s2;
	p2 =	seq.s32 @!p0 s5, $0x0  }
0x1f: {  	s9 =	smul.u32 $0xF7A, s1;
	s8 =	simm.s32 @!p0 $0x1BF5;
	p2 =	por !p2, p0  }
0x20: {  	[sflag:s8] =	ssyncset.s32 @!p0 $0xFFFFF086;
	s6 =	sadd.s32 @!p0 s3, s7;
	s7 =	simm.s32 @!p0 $0x108  }
0x21: {  	s3 =	sadd.s32 s3, s9;
	s6 =	sadd.s32 @!p0 $0x88, s6;
	s7 =	simm.s32 @p2 $0x1082  }
0x22: {  	[simem:s7], [sflag:s8] =	dma.local @!p0 [hbm:s6], $0xF7A  }
0x23: {  	s9 =	sor.u32 $0xD0000000, s2;
	s6 =	simm.s32 $0x108;
	_ =	swait.ge @!p0 [sflag:s8], $0x0  }
0x24: {  	s3 =	sadd.s32 $0x88, s3;
	s6 =	simm.s32 @!p1 $0x1082;
	[sflag:s4] =	ssyncset.s32 $0xFFFFF086  }
0x25: {  	[simem:s6], [sflag:s4] =	dma.local [hbm:s3], $0xF7A  }
0x26: {  	[smem:$0x3F9B] =	sst s1;
	(tag) =	ssettag s2;
	_ =	strace s9  }
0x27: {  	s1 =	sld [smem:$0x3FAB]  }
0x28: {  	s2 =	sld [smem:$0x3FAC]  }
0x29: {  	s4 =	sld [smem:$0x3FAE]  }
0x2a: {  	p0 =	seq.s32 s5, $0x0;
	s5 =	sld [smem:$0x3FAF]  }
0x2b: {  	s6 =	sld [smem:$0x3FB0]  }
0x2c: {  	s7 =	sld [smem:$0x3FB1]  }
0x2d: {  	s3 =	simm.s32 $0x108;
	s8 =	sld [smem:$0x3FB2]  }
0x2e: {  	s3 =	simm.s32 @!p0 $0x1082;
	s9 =	sld [smem:$0x3FB3]  }
0x2f: {  	lr =	sadd.s32 s0, s3;
	s0 =	sld [smem:$0x3FAA]  }
0x30: {  	s3 =	sld [smem:$0x3FAD]  }
0x31: {  	[smem:$0x3FB6] =	sst s10  }
0x32: {  	s10 =	sld [smem:$0x3FB4];
	_ =	sdelay $0x3  }
0x33: {  	p0 =	seq.s32 s10, $0x1;
	s10 =	sld [smem:$0x3FB6];
	_ =	sdelay $0x3  }
0x34: {  	[smem:$0x3FB6] =	sst s10  }
0x35: {  	s10 =	sld [smem:$0x3FB5];
	_ =	sdelay $0x3  }
0x36: {  	p1 =	seq.s32 s10, $0x1;
	s10 =	sld [smem:$0x3FB6];
	_ =	sdelay $0x3  }
0x37: {  	[smem:$0x3FB6] =	sst s10  }
0x38: {  	s10 =	sld [smem:$0x3FB7]  }
0x39: {  	_ = 	snop;
	(pc) =	sbr.ind lr, $3  }
0x3a: {  	_ = 	snop  }
0x3b: {  	_ = 	snop  }
0x3c: {  	p2 =	seq.s32 s10, $0x1;
	s10 =	sld [smem:$0x3FB6]  }
0x3d: {  	_ =	shalt  }
0x3e: {  	_ =	shalt  }
0x3f: {  	_ =	shalt  }
0x40: {  	_ =	shalt  }
0x41: {  	_ =	shalt  }
0x42: {  	_ =	shalt  }
0x43: {  	_ =	shalt  }
0x44: {  	_ =	shalt  }
0x45: {  	_ =	shalt  }
0x46: {  	_ =	shalt  }
0x47: {  	_ =	shalt  }
0x48: {  	_ =	shalt  }
0x49: {  	_ =	shalt  }
0x4a: {  	_ =	shalt  }
0x4b: {  	_ =	shalt  }
0x4c: {  	_ =	shalt  }
0x4d: {  	_ =	shalt  }
0x4e: {  	_ =	shalt  }
0x4f: {  	_ =	shalt  }
0x50: {  	_ =	shalt  }
0x51: {  	_ =	shalt  }
0x52: {  	_ =	shalt  }
0x53: {  	_ =	shalt  }
0x54: {  	_ =	shalt  }
0x55: {  	_ =	shalt  }
0x56: {  	_ =	shalt  }
0x57: {  	_ =	shalt  }
0x58: {  	_ =	shalt  }
0x59: {  	_ =	shalt  }
0x5a: {  	_ =	shalt  }
0x5b: {  	_ =	shalt  }
0x5c: {  	_ =	shalt  }
0x5d: {  	_ =	shalt  }
0x5e: {  	_ =	shalt  }
0x5f: {  	_ =	shalt  }
0x60: {  	_ =	shalt  }
0x61: {  	_ =	shalt  }
0x62: {  	_ =	shalt  }
0x63: {  	_ =	shalt  }
0x64: {  	_ =	shalt  }
0x65: {  	_ =	shalt  }
0x66: {  	_ =	shalt  }
0x67: {  	_ =	shalt  }
0x68: {  	_ =	shalt  }
0x69: {  	_ =	shalt  }
0x6a: {  	_ =	shalt  }
0x6b: {  	_ =	shalt  }
0x6c: {  	_ =	shalt  }
0x6d: {  	_ =	shalt  }
0x6e: {  	_ =	shalt  }
0x6f: {  	_ =	shalt  }
0x70: {  	_ =	shalt  }
0x71: {  	_ =	shalt  }
0x72: {  	_ =	shalt  }
0x73: {  	_ =	shalt  }
0x74: {  	_ =	shalt  }
0x75: {  	_ =	shalt  }
0x76: {  	_ =	shalt  }
0x77: {  	_ =	shalt  }
0x78: {  	_ =	shalt  }
0x79: {  	_ =	shalt  }
0x7a: {  	_ =	shalt  }
0x7b: {  	_ =	shalt  }
0x7c: {  	_ =	shalt  }
0x7d: {  	_ =	shalt  }
0x7e: {  	_ =	shalt  }
0x7f: {  	_ =	shalt  }
0x80: {  	_ =	shalt  }
0x81: {  	_ =	shalt  }
0x82: {  	_ =	shalt  }
0x83: {  	_ =	shalt  }
0x84: {  	_ =	shalt  }
0x85: {  	_ =	shalt  }
0x86: {  	_ =	shalt  }
0x87: {  	_ =	shalt  }
.Lfunc_end0:
.L_simem_size_0:
called_computation.2_lowered:
.L_overlay_start_0:
0x88: {  	s2 =	sld [smem:$0x3FD9]  }
0x89: {  	s3 =	sld [smem:$0x3FFE];
	_ =	sdelay $0x1  }
0x8a: {  	s1 =	srdreg.scid  }
0x8b: {  	s0 =	sand.u32 $0x1, s1  }
0x8c: {  	s17 =	sshll.u32 s0, $0xA;
	s2 =	sadd.s32 s3, s2  }
0x8d: {  	s2 =	sadd.s32 s2, s17  }
0x8e: {  	[smem:$0x3FC2] =	sst s2  }
0x8f: {  	_ = 	snop  }
0x90: {  	s2 =	sld [smem:$0x3FD0];
	(tm) =	ssettm $0x1  }
0x91: {  	s18 =	sld [smem:$0x3FFB];
	_ =	sdelay $0x3  }
0x92: {  	_ =	strace s18  }
0x93: {  	s3 =	sld [smem:$0x3FFC];
	_ =	sdelay $0x3  }
0x94: {  	_ =	strace s3  }
0x95: {  	s3 =	sld [smem:$0x3FFD];
	_ =	sdelay $0x3  }
0x96: {  	_ =	strace s3  }
0x97: {  	_ =	strace $0x8FFFFFFF  }
0x98: {  	s19 =	sld [smem:$0x3FDB];
	_ =	sdelay $0x1  }
0x99: {  	s4 =	simm.s32 $_scs_section_size  }
0x9a: {  	s5 =	simm.s32 $_size__tile_overlayer_lowered;
	s6 =	simm.s32 $_tile_overlayer_lowered  }
0x9b: {  	s22 =	simm.s32 $0x1BFF;
	s21 =	sshll.u32 s6, $0x1;
	s3 =	sadd.s32 s4, s19  }
0x9c: {  	s7 =	simm.s32 $0x0;
	s20 =	sshll.u32 s5, $0x1;
	s5 =	sadd.s32 s21, s3  }
0x9d: {  	[timem:s7], [sflag:s22] =	dma.local [hbm:s5], s20  }
0x9e: {  	_ =	swait.ge [sflag:s22], s20  }
0x9f: {  	s4 =	ssub.s32 $0x0, s20;
	[sflag:s22] =	ssyncset.done $0x0  }
0xa0: {  	[sflag:s22] =	ssyncadd.s32 s4;
	_ =	sdelay $0x1  }
0xa1: {  	s23 =	simm.s32 $0x1B8B  }
0xa2: {  	_ =	swait.ge [sflag:s23], $0x1  }
0xa3: {  	[sflag:s23] =	ssyncset.done $0x0  }
0xa4: {  	s25 =	simm.s32 $0x1B8E;
	s24 =	sld [smem:$0x3FFE];
	[sflag:s23] =	ssyncadd.s32 $0xFFFFFFFF  }
0xa5: {  	s26 =	simm.s32 $execute0_lowered;
	[smem:$0x3FD2] =	sst s25  }
0xa6: {  	s5 =	sshll.u32 s26, $0x1;
	_ =	strace $0x8000004C;
	[dreg:$0x1] =	wrdreg $0xFFFFFFFF  }
0xa7: {  	s28 =	simm.s32 $_size_execute0_lowered;
	s3 =	sadd.s32 s3, s5;
	[dreg:$0x0] =	wrdreg $0x0  }
0xa8: {  	s5 =	sshll.u32 s28, $0x1;
	[dreg:$0x2] =	wrdreg s3  }
0xa9: {  	[dreg:$0x3] =	wrdreg s5  }
0xaa: {  	[dreg:$0x4] =	wrdreg $0xC0  }
0xab: {  	_ =	task [dreg:s7], $0x5FFFF  }
0xac: {  	[dreg:$0x1] =	wrdreg $0xFFFFFFFF  }
0xad: {  	[dreg:$0x0] =	wrdreg $0x60  }
0xae: {  	[dreg:$0x2] =	wrdreg s24  }
0xaf: {  	[dreg:$0x3] =	wrdreg s2  }
0xb0: {  	[dreg:$0x4] =	wrdreg $0x80000  }
0xb1: {  	[dreg:$0x5] =	wrdreg $0x9  }
0xb2: {  	_ =	task.clear_ibuf [dreg:s7], $0x6FFFF;
	_ =	strace $0x9000004C  }
0xb3: {  	s29 =	simm.s32 $0x9;
	_ =	strace $0x8000004E  }
0xb4: {  	_ =	swait.ge [sflag:s29], $0x1  }
0xb5: {  	[sflag:s29] =	ssyncadd.s32 $0xFFFFFFFF  }
0xb6: {  	_ =	strace $0x9000004E  }
0xb7: {  	_ =	sfence  }
0xb8: {  	s30 =	sld [smem:$0x0];
	_ =	sdelay $0x2  }
0xb9: {  	s31 =	sshll.u32 s1, $0xD;
	s1 =	sshrl.u32 s1, $0x2  }
0xba: {  	s3 =	sand.u32 $0x4000, s31;
	s1 =	sadd.s32 s1, s30  }
0xbb: {  	s0 =	sor.u32 s3, s0;
	s1 =	sshll.u32 s1, $0x11  }
0xbc: {  	s0 =	sor.u32 s1, s0  }
0xbd: {  	s0 =	sadd.s32 $0x8F2B, s0  }
0xbe: {  	[sflag:s0] =	ssyncadd.remote.s32 $0x1  }
0xbf: {  	_ =	sfence.sel $0xFFFF  }
0xc0: {  	[dreg:$0x0] =	wrdreg $0xFFFFFFFF;
	(pc) =	sbr.abs _section_cstart, $3  }
0xc1: {  	[dreg:$0x1] =	wrdreg $0xFFFFFFFF  }
0xc2: {  	_ =	task.clear_ibuf [dreg:s7], $0x2FFFF;
	_ =	strace $0x9FFFFFFF  }
0xc3: {  	(tm) =	ssettm $0x7FFFFFFF  }
tec
execute0_lowered:
.L_overlay_start_1:
0x0: {  	(tag) =	ssettag $0x1  }
0x1: {  	s6 =	rddreg [dreg:$0x0]  }
0x2: {  	s1 =	rddreg [dreg:$0x1]  }
0x3: {  	s3 =	rddreg [dreg:$0x2]  }
0x4: {  	s0 =	rddreg [dreg:$0x3];
	s4 =	simm.s32 $0x0;
	s5 =	srdreg.scid  }
0x5: {  	s2 =	stileid.u32;
	s13 =	simm.s32 $0x5000;
	s14 =	simm.s32 $0x100  }
0x6: {  	s15 =	simm.s32 $0x6800;
	s16 =	simm.s32 $0x1;
	s17 =	simm.s32 $0x3  }
0x7: {  	s18 =	simm.s32 $0x2;
	s19 =	simm.s32 $0x4;
	s20 =	simm.s32 $0x4E80  }
0x8: {  	s21 =	simm.s32 $0x4F80;
	s22 =	simm.s32 $0x0;
	s7 =	sand.u32 $0x1, s5  }
0x9: {  	s30 =	sshll.u32 s2, $0x1;
	s8 =	smul.u32 $0x7800, s2;
	[smem:$0x7FF] =	sst s4  }
0xa: {  	s31 =	sshll.u32 s2, $0x6;
	s5 =	sor.u32 s7, s30;
	s9 =	smul.u32 $0x78000, s7  }
0xb: {  	_ =	strace $0x8000004D;
	s7 =	ssub.s32 $0x2, s7;
	s10 =	smul.u32 $0xA00, s5  }
0xc: {  	s5 =	sadd.s32 $0x16200, s6;
	s11 =	sshrl.u32 s7, $0x1;
	s12 =	sadd.s32 s8, s3  }
0xd: {  	s9 =	sadd.s32 s8, s9;
	s11 =	ssub.s32 s7, s11;
	s10 =	sadd.s32 s10, s6  }
0xe: {  	s9 =	sshrl.u32 s9, $0x3;
	s8 =	smax.u32 s11, $0x1;
	s11 =	sshrl.u32 s12, $0x3  }
0xf: {  	s12 =	simm.s32 $0x80;
	s9 =	sadd.s32 s9, s6;
	s6 =	sadd.s32 $0x2200, s10  }
0x10: {  	s10 =	sor.u32 $0x1C05, s31;
	s7 =	sadd.s32 $0x25200, s9;
	s9 =	simm.s32 $0x5  }
.LBB2_1:
0x11: {  	[tilespmem:s4], [sflag:$0x5] =	stream.linear.gather [hbm4b:s6+s4], $0x5000, $0x38;
	[tilespmem:$0xF800] =	vst v63  }
0x12: {  	_ =	swait.ge [sflag:s9], $0x5000  }
0x13: {  	[sflag:s9] =	ssyncset.done $0x0  }
0x14: {  	[sflag:s9] =	ssyncadd.s32 $0xFFFFB000  }
0x15: {  	[spmem:s11], [sflag:s10] =	dma.local [hbm:s1], $0xF00  }
0x16: {  	_ =	swait.ge [sflag:s9], $0xF00  }
0x17: {  	[sflag:s9] =	ssyncset.done $0x0  }
0x18: {  	[sflag:s9] =	ssyncadd.s32 $0xFFFFF100  }
0x19: {  	[bflag:$0x0] =	sbarrier.arrive $0xFFFF  }
0x1a: {  	[tilespmem:s13], [sflag:$0x1] =	stream.indirect.gather [hbm4b:s5+s12], $0x30, s4, s12, $0xb8;
	[tilespmem:$0xF800] =	vst v63  }
0x1b: {  	_ = 	snop  }
0x1c: {  	[tilespmem:s15], [sflag:$0x2] =	stream.indirect.gather [hbm4b:s5+s12], $0x30, s14, s12, $0xb8;
	[tilespmem:$0xF800] =	vst v63  }
0x1d: {  	_ =	swait.ge [sflag:s16], $0x1800  }
0x1e: {  	[sflag:s16] =	ssyncset.done $0x0  }
0x1f: {  	s23 =	simm.s32 $0x80;
	[sflag:s16] =	ssyncadd.s32 $0xFFFFE800  }
0x20: {  	[spmem:s3] =	stream.indirect.scatter.add.f32 [tilespmem:s13], [sflag:$0x3], $0x30, s23, s12, $0xb8;
	[tilespmem:$0xF800] =	vst v63  }
0x21: {  	_ =	swait.ge [sflag:s17], $0x1800  }
0x22: {  	[sflag:s17] =	ssyncset.done $0x0  }
0x23: {  	s30 =	simm.s32 $0x200;
	[sflag:s17] =	ssyncadd.s32 $0xFFFFE800  }
0x24: {  	[tilespmem:s13], [sflag:$0x1] =	stream.indirect.gather [hbm4b:s5+s12], $0x30, s30, s12, $0xb8;
	[tilespmem:$0xF800] =	vst v63  }
0x25: {  	_ =	swait.ge [sflag:s18], $0x1800  }
0x26: {  	[sflag:s18] =	ssyncset.done $0x0  }
0x27: {  	s31 =	simm.s32 $0x180;
	[sflag:s18] =	ssyncadd.s32 $0xFFFFE800  }
0x28: {  	[spmem:s3] =	stream.indirect.scatter.add.f32 [tilespmem:s15], [sflag:$0x4], $0x30, s31, s12, $0xb8;
	[tilespmem:$0xF800] =	vst v63  }
0x29: {  	_ =	swait.ge [sflag:s19], $0x1800  }
0x2a: {  	[sflag:s19] =	ssyncset.done $0x0  }
0x2b: {  	s24 =	simm.s32 $0x300;
	s23 =	simm.s32 $0xFFFED000;
	[sflag:s19] =	ssyncadd.s32 $0xFFFFE800  }
.LBB2_2:
0x2c: {  	[tilespmem:s15], [sflag:$0x2] =	stream.indirect.gather [hbm4b:s5+s12], $0x30, s24, s12, $0xb8;
	[tilespmem:$0xF800] =	vst v63  }
0x2d: {  	s24 =	smov.u32 s23  }
0x2e: {  	p0 =	sne.s32 s23, $0xFFFFF800;
	s23 =	sadd.s32 $0x800, s23;
	_ =	swait.ge [sflag:s16], $0x1800  }
0x2f: {  	s24 =	sshra.s32 s24, $0x2;
	[sflag:s16] =	ssyncset.done $0x0  }
0x30: {  	s25 =	sadd.s32 $0x4E80, s24;
	[sflag:s16] =	ssyncadd.s32 $0xFFFFE800  }
0x31: {  	[spmem:s3] =	stream.indirect.scatter.add.f32 [tilespmem:s13], [sflag:$0x3], $0x30, s25, s12, $0xb8;
	[tilespmem:$0xF800] =	vst v63  }
0x32: {  	_ =	swait.ge [sflag:s17], $0x1800  }
0x33: {  	[sflag:s17] =	ssyncset.done $0x0  }
0x34: {  	s25 =	sadd.s32 $0x5000, s24;
	[sflag:s17] =	ssyncadd.s32 $0xFFFFE800  }
0x35: {  	[tilespmem:s13], [sflag:$0x1] =	stream.indirect.gather [hbm4b:s5+s12], $0x30, s25, s12, $0xb8;
	[tilespmem:$0xF800] =	vst v63  }
0x36: {  	_ =	swait.ge [sflag:s18], $0x1800  }
0x37: {  	[sflag:s18] =	ssyncset.done $0x0  }
.Ltmp0:
0x38: {  	s25 =	sadd.s32 $0x4F80, s24;
	[sflag:s18] =	ssyncadd.s32 $0xFFFFE800;
	(pc) =	sbr.rel @p0 .LBB2_2-.Ltmp0, $4  }
0x39: {  	[spmem:s3] =	stream.indirect.scatter.add.f32 [tilespmem:s15], [sflag:$0x4], $0x30, s25, s12, $0xb8;
	[tilespmem:$0xF800] =	vst v63  }
0x3a: {  	_ =	swait.ge [sflag:s19], $0x1800  }
0x3b: {  	[sflag:s19] =	ssyncset.done $0x0  }
0x3c: {  	s24 =	sadd.s32 $0x5100, s24;
	[sflag:s19] =	ssyncadd.s32 $0xFFFFE800  }
0x3d: {  	[tilespmem:s15], [sflag:$0x2] =	stream.indirect.gather [hbm4b:s5+s12], $0x30, s24, s12, $0xb8;
	[tilespmem:$0xF800] =	vst v63  }
0x3e: {  	_ =	swait.ge [sflag:s16], $0x1800  }
0x3f: {  	[sflag:s16] =	ssyncset.done $0x0  }
0x40: {  	[sflag:s16] =	ssyncadd.s32 $0xFFFFE800  }
0x41: {  	[spmem:s3] =	stream.indirect.scatter.add.f32 [tilespmem:s13], [sflag:$0x3], $0x30, s20, s12, $0xb8;
	[tilespmem:$0xF800] =	vst v63  }
0x42: {  	_ =	swait.ge [sflag:s17], $0x1800  }
0x43: {  	[sflag:s17] =	ssyncset.done $0x0  }
0x44: {  	[sflag:s17] =	ssyncadd.s32 $0xFFFFE800  }
0x45: {  	_ =	swait.ge [sflag:s18], $0x1800  }
0x46: {  	[sflag:s18] =	ssyncset.done $0x0  }
0x47: {  	[sflag:s18] =	ssyncadd.s32 $0xFFFFE800  }
0x48: {  	[spmem:s3] =	stream.indirect.scatter.add.f32 [tilespmem:s15], [sflag:$0x4], $0x30, s21, s12, $0xb8;
	[tilespmem:$0xF800] =	vst v63  }
0x49: {  	_ =	swait.ge [sflag:s19], $0x1800  }
0x4a: {  	s22 =	sadd.s32 $0x1, s22;
	[sflag:s19] =	ssyncset.done $0x0  }
0x4b: {  	p0 =	sne.s32 s22, s8;
	[sflag:s19] =	ssyncadd.s32 $0xFFFFE800  }
.Ltmp1:
0x4c: {  	[bflag:$0x0] =	sbarrier.arrive $0xFFFF;
	(pc) =	sbr.rel @p0 .LBB2_1-.Ltmp1, $4  }
0x4d: {  	[hbm:s7], [sflag:s10] =	dma.local [spmem:s11], $0xF00  }
0x4e: {  	_ =	swait.ge [sflag:s9], $0xF00  }
0x4f: {  	[sflag:s9] =	ssyncset.done $0x0  }
0x50: {  	[sflag:s9] =	ssyncadd.s32 $0xFFFFF100  }
0x51: {  	_ =	sfence.sel $0x180000  }
0x52: {  	[bflag:$0x0] =	sbarrier.arrive $0xFFFF  }
0x53: {  	p0 =	sne.s32 s2, $0x0;
	_ =	strace $0x9000004D  }
0x54: {  	s0 =	sadd.s32 @!p0 $0x100000, s0;
	[bflag:$0x2] =	sbarrier.arrive $0xFFFF  }
0x55: {  	[sflag:s0] =	ssyncadd.tile.s32 @!p0 $0x1;
	_ =	shalt  }
.Lfunc_end2:
_tile_overlayer_lowered:
.L_overlay_start_2:
0x56: {  	(tag) =	ssettag $0x2  }
0x57: {  	s0 =	rddreg [dreg:$0x0];
	s2 =	stileid.u32  }
0x58: {  	s1 =	rddreg [dreg:$0x1];
	p0 =	sne.s32 s2, $0x0  }
0x59: {  	s3 =	rddreg [dreg:$0x2];
	[bflag:$0x3] =	sbarrier.arrive $0xFFFF;
	s2 =	simm.s32 @!p0 $0x1C05  }
0x5a: {  	[timem:s3], [sflag:s2] =	dma.local @!p0 [hbm:s0], s1  }
0x5b: {  	s0 =	simm.s32 @!p0 $0x5  }
0x5c: {  	_ =	swait.ge @!p0 [sflag:s0], s1  }
0x5d: {  	s1 =	ssub.s32 @!p0 $0x0, s1;
	[sflag:s0] =	ssyncset.done @!p0 $0x0  }
0x5e: {  	[sflag:s0] =	ssyncadd.s32 @!p0 s1  }
0x5f: {  	[bflag:$0x3] =	sbarrier.arrive $0xFFFF  }
0x60: {  	_ =	shalt  }

// kernel: kernel.8.cloned.1.call-start
scs
__scs_entry_jumppad:
0x0: {  	(pc) =	sbr.rel $0x88, $3  }
0x1: {  	(tag) =	ssettag $0x0;
	lr =	simm.s32 $0x1  }
0x2: {  	[smem:$0x3F9B] =	sst lr;
	_ =	strace $0xD0000000  }
0x3: {  	_ = 	snop  }
0x4: {  	_ = 	snop  }
0x5: {  	_ = 	snop  }
0x6: {  	_ = 	snop  }
0x7: {  	_ = 	snop  }
__scs_overlays_trampoline_lowered:
0x8: {  	[smem:$0x3FAA] =	sst s0  }
0x9: {  	[smem:$0x3FAB] =	sst s1  }
0xa: {  	[smem:$0x3FAC] =	sst s2  }
0xb: {  	[smem:$0x3FAD] =	sst s3  }
0xc: {  	[smem:$0x3FAE] =	sst s4  }
0xd: {  	[smem:$0x3FAF] =	sst s5  }
0xe: {  	[smem:$0x3FB0] =	sst s6  }
0xf: {  	[smem:$0x3FB1] =	sst s7  }
0x10: {  	[smem:$0x3FB2] =	sst s8  }
0x11: {  	[smem:$0x3FB3] =	sst s9;
	s0 =	simm.s32 @!p0 $0x0  }
0x12: {  	s1 =	sld [smem:$0x3F99];
	s0 =	simm.s32 @p0 $0x1  }
0x13: {  	[smem:$0x3FB4] =	sst s0;
	s0 =	simm.s32 @!p1 $0x0  }
0x14: {  	s2 =	sld [smem:$0x3F98];
	s0 =	simm.s32 @p1 $0x1  }
0x15: {  	[smem:$0x3FB5] =	sst s0;
	s0 =	simm.s32 @!p2 $0x0  }
0x16: {  	s3 =	sld [smem:$0x3FDB];
	s0 =	simm.s32 @p2 $0x1  }
0x17: {  	s4 =	simm.s32 $0x1BF5;
	[smem:$0x3FB7] =	sst s0  }
0x18: {  	s0 =	sld [smem:$0x3F9A];
	_ =	swait.ge [sflag:s4], $0x0  }
0x19: {  	s7 =	sld [smem:$0x3F9B]  }
0x1a: {  	s8 =	sadd.s32 $0xFFFFE003, lr  }
0x1b: {  	s9 =	sadd.s32 $0xFFFFFEF7, lr;
	s5 =	simm.s32 $0xFFFFFFFF;
	p2 =	slt.u32 s8, $0xFFFFF086  }
0x1c: {  	p1 =	slt.u32 s9, $0xF7A;
	s5 =	simm.s32 @!p2 $0x0  }
0x1d: {  	s5 =	simm.s32 @p1 $0x1;
	p0 =	seq.s32 s7, s2  }
0x1e: {  	s7 =	smul.u32 @!p0 $0xF7A, s2;
	p2 =	seq.s32 @!p0 s5, $0x0  }
0x1f: {  	s9 =	smul.u32 $0xF7A, s1;
	s8 =	simm.s32 @!p0 $0x1BF5;
	p2 =	por !p2, p0  }
0x20: {  	[sflag:s8] =	ssyncset.s32 @!p0 $0xFFFFF086;
	s6 =	sadd.s32 @!p0 s3, s7;
	s7 =	simm.s32 @!p0 $0x108  }
0x21: {  	s3 =	sadd.s32 s3, s9;
	s6 =	sadd.s32 @!p0 $0x88, s6;
	s7 =	simm.s32 @p2 $0x1082  }
0x22: {  	[simem:s7], [sflag:s8] =	dma.local @!p0 [hbm:s6], $0xF7A  }
0x23: {  	s9 =	sor.u32 $0xD0000000, s2;
	s6 =	simm.s32 $0x108;
	_ =	swait.ge @!p0 [sflag:s8], $0x0  }
0x24: {  	s3 =	sadd.s32 $0x88, s3;
	s6 =	simm.s32 @!p1 $0x1082;
	[sflag:s4] =	ssyncset.s32 $0xFFFFF086  }
0x25: {  	[simem:s6], [sflag:s4] =	dma.local [hbm:s3], $0xF7A  }
0x26: {  	[smem:$0x3F9B] =	sst s1;
	(tag) =	ssettag s2;
	_ =	strace s9  }
0x27: {  	s1 =	sld [smem:$0x3FAB]  }
0x28: {  	s2 =	sld [smem:$0x3FAC]  }
0x29: {  	s4 =	sld [smem:$0x3FAE]  }
0x2a: {  	p0 =	seq.s32 s5, $0x0;
	s5 =	sld [smem:$0x3FAF]  }
0x2b: {  	s6 =	sld [smem:$0x3FB0]  }
0x2c: {  	s7 =	sld [smem:$0x3FB1]  }
0x2d: {  	s3 =	simm.s32 $0x108;
	s8 =	sld [smem:$0x3FB2]  }
0x2e: {  	s3 =	simm.s32 @!p0 $0x1082;
	s9 =	sld [smem:$0x3FB3]  }
0x2f: {  	lr =	sadd.s32 s0, s3;
	s0 =	sld [smem:$0x3FAA]  }
0x30: {  	s3 =	sld [smem:$0x3FAD]  }
0x31: {  	[smem:$0x3FB6] =	sst s10  }
0x32: {  	s10 =	sld [smem:$0x3FB4];
	_ =	sdelay $0x3  }
0x33: {  	p0 =	seq.s32 s10, $0x1;
	s10 =	sld [smem:$0x3FB6];
	_ =	sdelay $0x3  }
0x34: {  	[smem:$0x3FB6] =	sst s10  }
0x35: {  	s10 =	sld [smem:$0x3FB5];
	_ =	sdelay $0x3  }
0x36: {  	p1 =	seq.s32 s10, $0x1;
	s10 =	sld [smem:$0x3FB6];
	_ =	sdelay $0x3  }
0x37: {  	[smem:$0x3FB6] =	sst s10  }
0x38: {  	s10 =	sld [smem:$0x3FB7]  }
0x39: {  	_ = 	snop;
	(pc) =	sbr.ind lr, $3  }
0x3a: {  	_ = 	snop  }
0x3b: {  	_ = 	snop  }
0x3c: {  	p2 =	seq.s32 s10, $0x1;
	s10 =	sld [smem:$0x3FB6]  }
0x3d: {  	_ =	shalt  }
0x3e: {  	_ =	shalt  }
0x3f: {  	_ =	shalt  }
0x40: {  	_ =	shalt  }
0x41: {  	_ =	shalt  }
0x42: {  	_ =	shalt  }
0x43: {  	_ =	shalt  }
0x44: {  	_ =	shalt  }
0x45: {  	_ =	shalt  }
0x46: {  	_ =	shalt  }
0x47: {  	_ =	shalt  }
0x48: {  	_ =	shalt  }
0x49: {  	_ =	shalt  }
0x4a: {  	_ =	shalt  }
0x4b: {  	_ =	shalt  }
0x4c: {  	_ =	shalt  }
0x4d: {  	_ =	shalt  }
0x4e: {  	_ =	shalt  }
0x4f: {  	_ =	shalt  }
0x50: {  	_ =	shalt  }
0x51: {  	_ =	shalt  }
0x52: {  	_ =	shalt  }
0x53: {  	_ =	shalt  }
0x54: {  	_ =	shalt  }
0x55: {  	_ =	shalt  }
0x56: {  	_ =	shalt  }
0x57: {  	_ =	shalt  }
0x58: {  	_ =	shalt  }
0x59: {  	_ =	shalt  }
0x5a: {  	_ =	shalt  }
0x5b: {  	_ =	shalt  }
0x5c: {  	_ =	shalt  }
0x5d: {  	_ =	shalt  }
0x5e: {  	_ =	shalt  }
0x5f: {  	_ =	shalt  }
0x60: {  	_ =	shalt  }
0x61: {  	_ =	shalt  }
0x62: {  	_ =	shalt  }
0x63: {  	_ =	shalt  }
0x64: {  	_ =	shalt  }
0x65: {  	_ =	shalt  }
0x66: {  	_ =	shalt  }
0x67: {  	_ =	shalt  }
0x68: {  	_ =	shalt  }
0x69: {  	_ =	shalt  }
0x6a: {  	_ =	shalt  }
0x6b: {  	_ =	shalt  }
0x6c: {  	_ =	shalt  }
0x6d: {  	_ =	shalt  }
0x6e: {  	_ =	shalt  }
0x6f: {  	_ =	shalt  }
0x70: {  	_ =	shalt  }
0x71: {  	_ =	shalt  }
0x72: {  	_ =	shalt  }
0x73: {  	_ =	shalt  }
0x74: {  	_ =	shalt  }
0x75: {  	_ =	shalt  }
0x76: {  	_ =	shalt  }
0x77: {  	_ =	shalt  }
0x78: {  	_ =	shalt  }
0x79: {  	_ =	shalt  }
0x7a: {  	_ =	shalt  }
0x7b: {  	_ =	shalt  }
0x7c: {  	_ =	shalt  }
0x7d: {  	_ =	shalt  }
0x7e: {  	_ =	shalt  }
0x7f: {  	_ =	shalt  }
0x80: {  	_ =	shalt  }
0x81: {  	_ =	shalt  }
0x82: {  	_ =	shalt  }
0x83: {  	_ =	shalt  }
0x84: {  	_ =	shalt  }
0x85: {  	_ =	shalt  }
0x86: {  	_ =	shalt  }
0x87: {  	_ =	shalt  }
.Lfunc_end0:
.L_simem_size_0:
called_computation_lowered:
.L_overlay_start_0:
0x88: {  	s2 =	sld [smem:$0x3FD9]  }
0x89: {  	s3 =	sld [smem:$0x3FFE];
	_ =	sdelay $0x1  }
0x8a: {  	s1 =	srdreg.scid  }
0x8b: {  	s0 =	sand.u32 $0x1, s1  }
0x8c: {  	s17 =	sshll.u32 s0, $0xA;
	s2 =	sadd.s32 s3, s2  }
0x8d: {  	s2 =	sadd.s32 s2, s17  }
0x8e: {  	[smem:$0x3FC2] =	sst s2  }
0x8f: {  	_ = 	snop  }
0x90: {  	s2 =	sld [smem:$0x3FD0];
	(tm) =	ssettm $0x1  }
0x91: {  	s18 =	sld [smem:$0x3FFB];
	_ =	sdelay $0x3  }
0x92: {  	_ =	strace s18  }
0x93: {  	s3 =	sld [smem:$0x3FFC];
	_ =	sdelay $0x3  }
0x94: {  	_ =	strace s3  }
0x95: {  	s3 =	sld [smem:$0x3FFD];
	_ =	sdelay $0x3  }
0x96: {  	_ =	strace s3  }
0x97: {  	_ =	strace $0x8FFFFFFF  }
0x98: {  	s19 =	sld [smem:$0x3FDB];
	_ =	sdelay $0x1  }
0x99: {  	s4 =	simm.s32 $_scs_section_size  }
0x9a: {  	s5 =	simm.s32 $_size__tile_overlayer_lowered;
	s6 =	simm.s32 $_tile_overlayer_lowered  }
0x9b: {  	s22 =	simm.s32 $0x1BFF;
	s21 =	sshll.u32 s6, $0x1;
	s3 =	sadd.s32 s4, s19  }
0x9c: {  	s7 =	simm.s32 $0x0;
	s20 =	sshll.u32 s5, $0x1;
	s5 =	sadd.s32 s21, s3  }
0x9d: {  	[timem:s7], [sflag:s22] =	dma.local [hbm:s5], s20  }
0x9e: {  	_ =	swait.ge [sflag:s22], s20  }
0x9f: {  	s4 =	ssub.s32 $0x0, s20;
	[sflag:s22] =	ssyncset.done $0x0  }
0xa0: {  	[sflag:s22] =	ssyncadd.s32 s4;
	_ =	sdelay $0x1  }
0xa1: {  	s23 =	simm.s32 $0x1B8B  }
0xa2: {  	_ =	swait.ge [sflag:s23], $0x1  }
0xa3: {  	[sflag:s23] =	ssyncset.done $0x0  }
0xa4: {  	s25 =	simm.s32 $0x1B8E;
	s24 =	sld [smem:$0x3FFE];
	[sflag:s23] =	ssyncadd.s32 $0xFFFFFFFF  }
0xa5: {  	s26 =	simm.s32 $execute0_lowered;
	[smem:$0x3FD2] =	sst s25  }
0xa6: {  	s5 =	sshll.u32 s26, $0x1;
	_ =	strace $0x80000046;
	[dreg:$0x1] =	wrdreg $0xFFFFFFFF  }
0xa7: {  	s28 =	simm.s32 $_size_execute0_lowered;
	s3 =	sadd.s32 s3, s5;
	[dreg:$0x0] =	wrdreg $0x0  }
0xa8: {  	s5 =	sshll.u32 s28, $0x1;
	[dreg:$0x2] =	wrdreg s3  }
0xa9: {  	[dreg:$0x3] =	wrdreg s5  }
0xaa: {  	[dreg:$0x4] =	wrdreg $0xC0  }
0xab: {  	_ =	task [dreg:s7], $0x5FFFF  }
0xac: {  	[dreg:$0x1] =	wrdreg $0xFFFFFFFF  }
0xad: {  	[dreg:$0x0] =	wrdreg $0x60  }
0xae: {  	[dreg:$0x2] =	wrdreg s2  }
0xaf: {  	[dreg:$0x3] =	wrdreg s24  }
0xb0: {  	[dreg:$0x4] =	wrdreg $0x7B200  }
0xb1: {  	[dreg:$0x5] =	wrdreg $0x9  }
0xb2: {  	_ =	task.clear_ibuf [dreg:s7], $0x6FFFF;
	_ =	strace $0x90000046  }
0xb3: {  	s29 =	simm.s32 $0x9;
	_ =	strace $0x80000048  }
0xb4: {  	_ =	swait.ge [sflag:s29], $0x1  }
0xb5: {  	[sflag:s29] =	ssyncadd.s32 $0xFFFFFFFF  }
0xb6: {  	_ =	strace $0x90000048  }
0xb7: {  	_ =	sfence  }
0xb8: {  	s30 =	sld [smem:$0x0];
	_ =	sdelay $0x2  }
0xb9: {  	s31 =	sshll.u32 s1, $0xD;
	s1 =	sshrl.u32 s1, $0x2  }
0xba: {  	s3 =	sand.u32 $0x4000, s31;
	s1 =	sadd.s32 s1, s30  }
0xbb: {  	s0 =	sor.u32 s3, s0;
	s1 =	sshll.u32 s1, $0x11  }
0xbc: {  	s0 =	sor.u32 s1, s0  }
0xbd: {  	s0 =	sadd.s32 $0x8F2B, s0  }
0xbe: {  	[sflag:s0] =	ssyncadd.remote.s32 $0x1  }
0xbf: {  	_ =	sfence.sel $0xFFFF  }
0xc0: {  	[dreg:$0x0] =	wrdreg $0xFFFFFFFF;
	(pc) =	sbr.abs _section_cstart, $3  }
0xc1: {  	[dreg:$0x1] =	wrdreg $0xFFFFFFFF  }
0xc2: {  	_ =	task.clear_ibuf [dreg:s7], $0x2FFFF;
	_ =	strace $0x9FFFFFFF  }
0xc3: {  	(tm) =	ssettm $0x7FFFFFFF  }
tec
execute0_lowered:
.L_overlay_start_1:
0x0: {  	(tag) =	ssettag $0x1  }
0x1: {  	s3 =	rddreg [dreg:$0x0]  }
0x2: {  	s4 =	rddreg [dreg:$0x1]  }
0x3: {  	s5 =	rddreg [dreg:$0x2];
	s1 =	stileid.u32  }
0x4: {  	s0 =	rddreg [dreg:$0x3];
	s6 =	smul.u32 $0x50, s1  }
0x5: {  	s7 =	srdreg.scid;
	s29 =	smul.u32 $0x9C4, s1  }
0x6: {  	s2 =	simm.s32 $0x0;
	s8 =	sand.u32 $0x1, s7;
	s10 =	smul.u32 $0xA000, s1  }
0x7: {  	[smem:$0x7FF] =	sst s2;
	s12 =	smul.u32 $0xA00, s1;
	s9 =	ssub.s32 $0x2, s8  }
0x8: {  	_ =	strace $0x80000047;
	p0 =	sne.s32 s8, $0x0;
	s8 =	simm.s32 $0x1  }
.Ltmp0:
0x9: {  	s11 =	sshrl.u32 s9, $0x1;
	s6 =	sadd.s32 s6, s4;
	(pc) =	sbr.rel .LBB2_1-.Ltmp0, $4  }
0xa: {  	s30 =	sshrl.u32 s10, $0x2;
	s3 =	sadd.s32 s3, s29;
	s31 =	sshrl.u32 s12, $0x2  }
0xb: {  	s10 =	simm.s32 $0x78A0;
	s12 =	simm.s32 $0x0;
	s9 =	ssub.s32 s9, s11  }
0xc: {  	s4 =	sadd.s32 s30, s5;
	s5 =	sadd.s32 s31, s5;
	s6 =	sadd.s32 $0x1C00, s6  }
0xd: {  	v0 =	vimm.f32 $0.0e+00;
	v1 =	vimm.f32 $1.000000000e+00;
	s11 =	simm.s32 $0x7620;
	s7 =	smax.u32 s9, $0x1;
	s9 =	simm.s32 $0x4E20  }
.LBB2_13:
0xe: {  	[bflag:$0x0] =	sbarrier.arrive $0xFFFF  }
.LBB2_14:
0xf: {  	s12 =	sadd.s32 $0x1, s12  }
0x10: {  	p1 =	sne.s32 s12, s7  }
.Ltmp1:
0x11: {  	_ = 	snop;
	(pc) =	sbr.rel @!p1 .LBB2_15-.Ltmp1, $1  }
0x12: {  	_ =	sdelay $0x3  }
.LBB2_1:
.Ltmp2:
0x13: {  	(pc) =	sbr.rel @p0 .LBB2_13-.Ltmp2, $1  }
0x14: {  	_ =	sdelay $0x3  }
0x15: {  	s13 =	simm.s32 $0x40;
	s14 =	simm.s32 $0x0  }
.LBB2_3:
0x16: {  	p1 =	sne.s32 s13, $0x9FC0;
	[tilespmem:s14+$0x4E20] =	vst v0;
	s14 =	smov.u32 s13;
	s13 =	sadd.s32 $0x40, s13  }
.Ltmp3:
0x17: {  	(pc) =	sbr.rel @p1 .LBB2_3-.Ltmp3, $2  }
0x18: {  	_ =	sdelay $0x2  }
0x19: {  	s14 =	sshra.s32 s14, $0x2  }
0x1a: {  	[tilespmem:s14+$0x4E20] =	vst v0;
	s13 =	simm.s32 $0x0  }
0x1b: {  	[tilespmem:s13], [sflag:$0x1] =	stream.linear.gather [hbm4b:s3+s13], $0x4E20, $0x38;
	[tilespmem:$0xA320] =	vst v63  }
0x1c: {  	_ =	swait.ge [sflag:s8], $0x4E20  }
0x1d: {  	[sflag:s8] =	ssyncset.done $0x0  }
0x1e: {  	s14 =	simm.s32 $0x0;
	s13 =	simm.s32 $0x40;
	[sflag:s8] =	ssyncadd.s32 $0xFFFFB1E0  }
.LBB2_5:
0x1f: {  	p1 =	sne.s32 s13, $0x13840;
	v2 =	vld [tilespmem:s14+$0x0];
	_ =	sdelay $0x3  }
.Ltmp4:
0x20: {  	(pc) =	sbr.rel @p1 .LBB2_5-.Ltmp4, $2  }
0x21: {  	_ =	sdelay $0x2  }
0x22: {  	s14 =	sshra.s32 s13, $0x2;
	s13 =	sadd.s32 $0x40, s13;
	[tilespmem:v2+s9+$0x0] =	vst.idx.add.f32.msk $0xffff, v1  }
0x23: {  	v2 =	vld [tilespmem:s14+$0x0];
	_ =	sdelay $0x7  }
0x24: {  	[tilespmem:v2+s9+$0x0] =	vst.idx.add.f32.msk $0xffff, v1  }
0x25: {  	[spmem:s4] =	stream.linear.scatter [tilespmem:s9], [sflag:$0x1], $0x2800, $0x38;
	[tilespmem:$0xA320] =	vst v63  }
0x26: {  	_ =	swait.ge [sflag:s8], $0x2800  }
0x27: {  	[sflag:s8] =	ssyncset.done $0x0  }
0x28: {  	[sflag:s8] =	ssyncadd.s32 $0xFFFFD800  }
0x29: {  	[bflag:$0x0] =	sbarrier.arrive $0xFFFF  }
0x2a: {  	[tilespmem:$0x7620] =	vst v0  }
0x2b: {  	[tilespmem:$0x7630] =	vst v0  }
0x2c: {  	[tilespmem:$0x7640] =	vst v0  }
0x2d: {  	[tilespmem:$0x7650] =	vst v0  }
0x2e: {  	[tilespmem:$0x7660] =	vst v0  }
0x2f: {  	[tilespmem:$0x7670] =	vst v0  }
0x30: {  	[tilespmem:$0x7680] =	vst v0  }
0x31: {  	[tilespmem:$0x7690] =	vst v0  }
0x32: {  	[tilespmem:$0x76A0] =	vst v0  }
0x33: {  	[tilespmem:$0x76B0] =	vst v0  }
0x34: {  	[tilespmem:$0x76C0] =	vst v0  }
0x35: {  	[tilespmem:$0x76D0] =	vst v0  }
0x36: {  	[tilespmem:$0x76E0] =	vst v0  }
0x37: {  	[tilespmem:$0x76F0] =	vst v0  }
0x38: {  	[tilespmem:$0x7700] =	vst v0  }
0x39: {  	[tilespmem:$0x7710] =	vst v0  }
0x3a: {  	[tilespmem:$0x7720] =	vst v0  }
0x3b: {  	[tilespmem:$0x7730] =	vst v0  }
0x3c: {  	[tilespmem:$0x7740] =	vst v0  }
0x3d: {  	[tilespmem:$0x7750] =	vst v0  }
0x3e: {  	[tilespmem:$0x7760] =	vst v0  }
0x3f: {  	[tilespmem:$0x7770] =	vst v0  }
0x40: {  	[tilespmem:$0x7780] =	vst v0  }
0x41: {  	[tilespmem:$0x7790] =	vst v0  }
0x42: {  	[tilespmem:$0x77A0] =	vst v0  }
0x43: {  	[tilespmem:$0x77B0] =	vst v0  }
0x44: {  	[tilespmem:$0x77C0] =	vst v0  }
0x45: {  	[tilespmem:$0x77D0] =	vst v0  }
0x46: {  	[tilespmem:$0x77E0] =	vst v0  }
0x47: {  	[tilespmem:$0x77F0] =	vst v0  }
0x48: {  	[tilespmem:$0x7800] =	vst v0  }
0x49: {  	[tilespmem:$0x7810] =	vst v0  }
0x4a: {  	[tilespmem:$0x7820] =	vst v0  }
0x4b: {  	[tilespmem:$0x7830] =	vst v0  }
0x4c: {  	[tilespmem:$0x7840] =	vst v0  }
0x4d: {  	[tilespmem:$0x7850] =	vst v0  }
0x4e: {  	[tilespmem:$0x7860] =	vst v0  }
0x4f: {  	[tilespmem:$0x7870] =	vst v0  }
0x50: {  	[tilespmem:$0x7880] =	vst v0  }
0x51: {  	s13 =	simm.s32 $0x0;
	[tilespmem:$0x7890] =	vst v0  }
.LBB2_7:
0x52: {  	s14 =	smul.u32 $0xA000, s13;
	_ =	sdelay $0x1  }
0x53: {  	s14 =	sshra.s32 s14, $0x2  }
0x54: {  	s14 =	sadd.s32 s14, s5  }
0x55: {  	[tilespmem:s10], [sflag:$0x1] =	stream.linear.gather [spmem:s14], $0x280, $0x38;
	[tilespmem:$0xA320] =	vst v63  }
0x56: {  	_ =	swait.ge [sflag:s8], $0x280  }
0x57: {  	[sflag:s8] =	ssyncset.done $0x0  }
0x58: {  	s14 =	simm.s32 $0x0;
	[sflag:s8] =	ssyncadd.s32 $0xFFFFFD80  }
0x59: {  	s15 =	simm.s32 $0x40;
	v2 =	vld [tilespmem:s14+$0x78A0]  }
.LBB2_8:
0x5a: {  	p1 =	sne.s32 s15, $0x9C0;
	v3 =	vld [tilespmem:s14+$0x7620];
	_ =	sdelay $0x2  }
.Ltmp5:
0x5b: {  	(pc) =	sbr.rel @p1 .LBB2_8-.Ltmp5, $4  }
0x5c: {  	_ = 	snop  }
0x5d: {  	v3 =	vadd.f32 v2, v3  }
0x5e: {  	s16 =	sshra.s32 s15, $0x2  }
0x5f: {  	s15 =	sadd.s32 $0x40, s15;
	v2 =	vld [tilespmem:s16+$0x78A0];
	[tilespmem:s14+$0x7620] =	vst v3;
	s14 =	smov.u32 s16  }
0x60: {  	v3 =	vld [tilespmem:s14+$0x7620]  }
0x61: {  	s13 =	sadd.s32 $0x1, s13  }
0x62: {  	p1 =	sne.s32 s13, $0x10  }
.Ltmp6:
0x63: {  	_ = 	snop;
	(pc) =	sbr.rel @p1 .LBB2_7-.Ltmp6, $3  }
0x64: {  	_ = 	snop  }
0x65: {  	v2 =	vadd.f32 v2, v3;
	_ =	sdelay $0x1  }
0x66: {  	[tilespmem:s14+$0x7620] =	vst v2  }
0x67: {  	s13 =	simm.s32 $0x0;
	s14 =	simm.s32 $0x40  }
.LBB2_11:
0x68: {  	p1 =	sne.s32 s14, $0x9C0;
	v2 =	vld [tilespmem:s13+$0x7620];
	_ =	sdelay $0x4  }
0x69: {  	v2 =	vadd.f32 $1.000000000e+00, v2;
	_ =	sdelay $0x1  }
0x6a: {  	v3 =	vmul.f32 $5.000000000e-01, v2;
	v2 =	vshrl.u32 v2, $0x1  }
0x6b: {  	v2 =	vsub.s32 $0x5F3759DF, v2  }
0x6c: {  	v4 =	vmul.f32 v2, v3;
	_ =	sdelay $0x1  }
0x6d: {  	v4 =	vmul.f32 v2, v4;
	_ =	sdelay $0x1  }
0x6e: {  	v4 =	vsub.f32 $1.500000000e+00, v4;
	_ =	sdelay $0x1  }
0x6f: {  	v2 =	vmul.f32 v2, v4;
	_ =	sdelay $0x1  }
0x70: {  	v4 =	vmul.f32 v2, v3;
	_ =	sdelay $0x1  }
0x71: {  	v4 =	vmul.f32 v4, v2;
	_ =	sdelay $0x1  }
0x72: {  	v4 =	vsub.f32 $1.500000000e+00, v4;
	_ =	sdelay $0x1  }
0x73: {  	v2 =	vmul.f32 v4, v2;
	_ =	sdelay $0x1  }
0x74: {  	v3 =	vmul.f32 v2, v3;
	_ =	sdelay $0x1  }
0x75: {  	v3 =	vmul.f32 v3, v2;
	_ =	sdelay $0x1  }
.Ltmp7:
0x76: {  	v3 =	vsub.f32 $1.500000000e+00, v3;
	(pc) =	sbr.rel @p1 .LBB2_11-.Ltmp7, $3  }
0x77: {  	_ = 	snop  }
0x78: {  	v2 =	vmul.f32 v3, v2;
	_ =	sdelay $0x1  }
0x79: {  	[tilespmem:s13+$0x7620] =	vst v2;
	s13 =	sshra.s32 s14, $0x2;
	s14 =	sadd.s32 $0x40, s14  }
0x7a: {  	v2 =	vld [tilespmem:s13+$0x7620];
	_ =	sdelay $0x4  }
0x7b: {  	v2 =	vadd.f32 $1.000000000e+00, v2;
	_ =	sdelay $0x1  }
0x7c: {  	v3 =	vmul.f32 $5.000000000e-01, v2;
	v2 =	vshrl.u32 v2, $0x1  }
0x7d: {  	v2 =	vsub.s32 $0x5F3759DF, v2  }
0x7e: {  	v4 =	vmul.f32 v2, v3;
	_ =	sdelay $0x1  }
0x7f: {  	v4 =	vmul.f32 v2, v4;
	_ =	sdelay $0x1  }
0x80: {  	v4 =	vsub.f32 $1.500000000e+00, v4;
	_ =	sdelay $0x1  }
0x81: {  	v2 =	vmul.f32 v2, v4;
	_ =	sdelay $0x1  }
0x82: {  	v4 =	vmul.f32 v2, v3;
	_ =	sdelay $0x1  }
0x83: {  	v4 =	vmul.f32 v4, v2;
	_ =	sdelay $0x1  }
0x84: {  	v4 =	vsub.f32 $1.500000000e+00, v4;
	_ =	sdelay $0x1  }
0x85: {  	v2 =	vmul.f32 v4, v2;
	_ =	sdelay $0x1  }
0x86: {  	v3 =	vmul.f32 v2, v3;
	_ =	sdelay $0x1  }
0x87: {  	v3 =	vmul.f32 v3, v2;
	_ =	sdelay $0x1  }
0x88: {  	v3 =	vsub.f32 $1.500000000e+00, v3;
	_ =	sdelay $0x1  }
0x89: {  	v2 =	vmul.f32 v3, v2;
	_ =	sdelay $0x1  }
.Ltmp8:
0x8a: {  	[tilespmem:s13+$0x7620] =	vst v2;
	(pc) =	sbr.rel .LBB2_14-.Ltmp8, $4  }
0x8b: {  	[hbm4b:s6+s2] =	stream.linear.scatter [tilespmem:s11], [sflag:$0x1], $0x280, $0x38;
	[tilespmem:$0xA320] =	vst v63  }
0x8c: {  	_ =	swait.ge [sflag:s8], $0x280  }
0x8d: {  	[sflag:s8] =	ssyncset.done $0x0  }
0x8e: {  	[sflag:s8] =	ssyncadd.s32 $0xFFFFFD80  }
.LBB2_15:
0x8f: {  	_ =	sfence.sel $0x180000  }
0x90: {  	[bflag:$0x0] =	sbarrier.arrive $0xFFFF  }
0x91: {  	p0 =	sne.s32 s1, $0x0;
	_ =	strace $0x90000047  }
0x92: {  	s0 =	sadd.s32 @!p0 $0x100000, s0;
	[bflag:$0x2] =	sbarrier.arrive $0xFFFF  }
0x93: {  	[sflag:s0] =	ssyncadd.tile.s32 @!p0 $0x1;
	_ =	shalt  }
.Lfunc_end2:
_tile_overlayer_lowered:
.L_overlay_start_2:
0x94: {  	(tag) =	ssettag $0x2  }
0x95: {  	s0 =	rddreg [dreg:$0x0];
	s2 =	stileid.u32  }
0x96: {  	s1 =	rddreg [dreg:$0x1];
	p0 =	sne.s32 s2, $0x0  }
0x97: {  	s3 =	rddreg [dreg:$0x2];
	[bflag:$0x3] =	sbarrier.arrive $0xFFFF;
	s2 =	simm.s32 @!p0 $0x1C01  }
0x98: {  	[timem:s3], [sflag:s2] =	dma.local @!p0 [hbm:s0], s1  }
0x99: {  	s0 =	simm.s32 @!p0 $0x1  }
0x9a: {  	_ =	swait.ge @!p0 [sflag:s0], s1  }
0x9b: {  	s1 =	ssub.s32 @!p0 $0x0, s1;
	[sflag:s0] =	ssyncset.done @!p0 $0x0  }
0x9c: {  	[sflag:s0] =	ssyncadd.s32 @!p0 s1  }
0x9d: {  	[bflag:$0x3] =	sbarrier.arrive $0xFFFF  }
0x9e: {  	_ =	shalt  }

</sc_bundles>
